<compile_context>
chip_gen: v7x
topology: tpu7x:2x2x1
jax: 0.10.2.dev20260603
libtpu: 0.0.44.dev20260713+nightly
codegen_flags: <defaults>
</compile_context>

<pallas_src>
import functools
import jax
import jax.numpy as jnp
from jax import lax
from jax.experimental import pallas as pl
from jax.experimental.pallas import tpu as pltpu
from jax.experimental.pallas import tpu_sc as plsc

NS = 64
NI = 128
NRAYS = 65536
NWORK = 32
CHUNK = 128
UNROLL = 2
RPW = NRAYS // NWORK


def _tvals(x):
    return 189.0 / (94.5 - x)



def _sc_body(w_hbm, out_hbm, wbuf, obuf, cdfbuf, histbuf, tvbuf):
    wid = lax.axis_index("s") * 2 + lax.axis_index("c")
    base = wid * RPW

    iota = lax.iota(jnp.int32, 16)
    iotaf = iota.astype(jnp.float32)
    zeros = jnp.zeros((16,), jnp.float32)
    ones = jnp.ones((16,), jnp.float32)

    for k in range(4):
        tvbuf[pl.ds(k * 16, 16)] = _tvals(iotaf + (16.0 * k))

    def chunk_body(ci, _):
        cbase = base + ci * CHUNK
        pltpu.sync_copy(w_hbm.at[pl.ds(cbase, CHUNK)], wbuf)

        @plsc.parallel_loop(0, CHUNK, 1, unroll=UNROLL)
        def ray_body(r):
            r64 = r * 64
            r144 = r * 144
            r64v = jnp.full((16,), r64, jnp.int32)
            r144v = jnp.full((16,), r144, jnp.int32)
            pv = []
            for k in range(4):
                v = wbuf[r, pl.ds(k * 16, 16)] + 1e-5
                if k == 0:
                    v = jnp.where(iota == 0, 0.0, v)
                if k == 3:
                    v = jnp.where(iota == 15, 0.0, v)
                pv.append(v)
            v01 = pv[0] + pv[1]
            v012 = v01 + pv[2]
            v0123 = v012 + pv[3]
            cars = [jnp.float32(0.0), jnp.sum(pv[0]), jnp.sum(v01),
                    jnp.sum(v012)]
            psum = jnp.sum(v0123)
            psumv = jnp.full((16,), psum)
            scale = 127.0 / psumv
            svregs = []
            for k in range(4):
                c = plsc.cumsum(pv[k]) + cars[k]
                cdfbuf[pl.ds(r64 + k * 16, 16)] = c
                y = c * scale
                yi = y.astype(jnp.int32)
                s = jnp.where(yi.astype(jnp.float32) < y, yi + 1, yi)
                if k == 3:
                    s = jnp.where(iota == 15, 143, s)
                svregs.append(s)

            for k in range(9):
                histbuf[pl.ds(r144 + k * 16, 16)] = zeros
            for k in range(4):
                plsc.addupdate_scatter(histbuf, [svregs[k] + r144v], ones)

            hv = [histbuf[pl.ds(r144 + k * 16, 16)] for k in range(8)]
            acc = hv[0]
            hcars = [jnp.float32(0.0)]
            for k in range(1, 8):
                hcars.append(jnp.sum(acc))
                if k < 7:
                    acc = acc + hv[k]
            for k in range(8):
                inds = plsc.cumsum(hv[k]) + hcars[k]
                below = inds - 1.0
                above = jnp.minimum(inds, 62.0)
                bi = below.astype(jnp.int32)
                ai = above.astype(jnp.int32)
                c0 = plsc.load_gather(cdfbuf, [bi + r64v])
                c1 = plsc.load_gather(cdfbuf, [ai + r64v])
                b0 = plsc.load_gather(tvbuf, [bi])
                b1 = plsc.load_gather(tvbuf, [ai])
                uj = (iotaf + (16.0 * k)) * (1.0 / 127.0) * psumv
                gap = c1 - c0
                den = jnp.where(gap < 1e-5 * psumv, psumv, gap)
                tt = (uj - c0) / den
                obuf[r, pl.ds(k * 16, 16)] = b0 + tt * (b1 - b0)

        pltpu.sync_copy(obuf, out_hbm.at[pl.ds(cbase, CHUNK)])
        return _

    lax.fori_loop(0, RPW // CHUNK, chunk_body, 0)


def _sc_samples(weights):
    mesh = plsc.VectorSubcoreMesh(core_axis_name="c", subcore_axis_name="s")
    return pl.kernel(
        _sc_body,
        mesh=mesh,
        compiler_params=pltpu.CompilerParams(needs_layout_passes=False),
        out_type=jax.ShapeDtypeStruct((NRAYS, NI), jnp.float32),
        scratch_types=[
            pltpu.VMEM((CHUNK, NS), jnp.float32),
            pltpu.VMEM((CHUNK, NI), jnp.float32),
            pltpu.VMEM((CHUNK * NS,), jnp.float32),
            pltpu.VMEM((CHUNK * 144,), jnp.float32),
            pltpu.VMEM((NS,), jnp.float32),
        ],
    )(weights)



BTC = 512


def _vol_kernel(d_ref, c_ref, out_ref):
    dens = d_ref[...]
    si = lax.broadcasted_iota(jnp.int32, (1, NS), 1).astype(jnp.float32)
    tv = _tvals(si)
    dists = jnp.where(si >= NS - 1.0, 1e10, _tvals(si + 1.0) - tv)
    alpha = 1.0 - jnp.exp(-jnp.maximum(dens, 0.0) * dists)
    om = 1.0 - alpha + 1e-10
    cp = om
    s = 1
    while s < NS:
        pad = jnp.ones((BTC, s), jnp.float32)
        cp = cp * jnp.concatenate([pad, cp[:, : NS - s]], axis=1)
        s *= 2
    trans = jnp.concatenate([jnp.ones((BTC, 1), jnp.float32), cp[:, :63]],
                            axis=1)
    wv = alpha * trans
    cr = jnp.sum(wv * c_ref[0], axis=1, keepdims=True)
    cg = jnp.sum(wv * c_ref[1], axis=1, keepdims=True)
    cb = jnp.sum(wv * c_ref[2], axis=1, keepdims=True)
    depth = jnp.sum(wv * tv, axis=1, keepdims=True)
    acc = jnp.sum(wv, axis=1, keepdims=True)

    out_ref[:, 0:1] = cr
    out_ref[:, 1:2] = cg
    out_ref[:, 2:3] = cb
    out_ref[:, 3:4] = depth
    out_ref[:, 4:5] = acc
    out_ref[:, 5:69] = wv


def _tc_volumetric(densities, colors):
    n = densities.shape[0]
    dens = densities[..., 0]
    c3 = jnp.transpose(colors, (2, 0, 1))
    return pl.pallas_call(
        _vol_kernel,
        grid=(n // BTC,),
        in_specs=[
            pl.BlockSpec((BTC, NS), lambda i: (i, 0)),
            pl.BlockSpec((3, BTC, NS), lambda i: (0, i, 0)),
        ],
        out_specs=pl.BlockSpec((BTC, 69), lambda i: (i, 0)),
        out_shape=jax.ShapeDtypeStruct((n, 69), jnp.float32),
        compiler_params=pltpu.CompilerParams(
            dimension_semantics=("parallel",)),
    )(dens, c3)


def _asm_kernel(s_ref, v_ref, out_ref):
    out_ref[:, 0:NI] = s_ref[...]
    out_ref[:, NI:197] = v_ref[...]


def _tc_assemble(samples, vol):
    n = samples.shape[0]
    return pl.pallas_call(
        _asm_kernel,
        grid=(n // BTC,),
        in_specs=[
            pl.BlockSpec((BTC, NI), lambda i: (i, 0)),
            pl.BlockSpec((BTC, 69), lambda i: (i, 0)),
        ],
        out_specs=pl.BlockSpec((BTC, 197), lambda i: (i, 0)),
        out_shape=jax.ShapeDtypeStruct((n, 197), jnp.float32),
        compiler_params=pltpu.CompilerParams(
            dimension_semantics=("parallel",)),
    )(samples, vol)


def kernel(origins, directions, weights, densities, colors):
    samples = _sc_samples(weights)
    vol = _tc_volumetric(densities, colors)
    return jnp.concatenate([samples, vol], axis=1)

# --- scband reference (transcript-rebuilt; emitter-appended) ---
"""Pipeline reference for scband-mip-ne-rfrenderer-47536698032154 (READ-ONLY COPY).

The authoritative reference and input builder live on the scoring server;
editing this copy changes nothing except your own understanding.
"""

import jax, jax.numpy as jnp
import numpy as np

NEAR = 2.0
FAR = 6.0
NUM_SAMPLES = 64
NUM_IMPORTANCE = 128
N_RAYS = 65536


def setup_inputs(seed: int = 0) -> dict:
    key = jax.random.key(seed)
    k1, k2, k3, k4, k5 = jax.random.split(key, 5)
    origins = jax.random.normal(k1, (N_RAYS, 3), dtype=jnp.float32)
    directions = jax.random.normal(k2, (N_RAYS, 3), dtype=jnp.float32)
    weights = jax.random.uniform(k3, (N_RAYS, NUM_SAMPLES), dtype=jnp.float32)
    densities = jax.random.uniform(k4, (N_RAYS, NUM_SAMPLES, 1), dtype=jnp.float32)
    colors = jax.random.uniform(k5, (N_RAYS, NUM_SAMPLES, 3), dtype=jnp.float32)
    return {"origins": origins, "directions": directions, "weights": weights,
            "densities": densities, "colors": colors}


def _sample_along_rays(origins):
    # perturb=False branch (deterministic): inverse-depth spacing
    t = jnp.linspace(0.0, 1.0, NUM_SAMPLES, dtype=jnp.float32)
    t = 1.0 / (1.0 / NEAR * (1.0 - t) + 1.0 / FAR * t)
    return jnp.broadcast_to(t, origins.shape[:-1] + (NUM_SAMPLES,))


def _hierarchical_sample(t_vals, weights):
    w = weights[..., 1:-1] + 1e-05
    pdf = w / jnp.sum(w, axis=-1, keepdims=True)
    cdf = jnp.cumsum(pdf, axis=-1)
    cdf = jnp.concatenate([jnp.zeros_like(cdf[..., :1]), cdf], axis=-1)
    # perturb=False branch: deterministic linspace u
    u = jnp.linspace(0.0, 1.0, NUM_IMPORTANCE, dtype=jnp.float32)
    u = jnp.broadcast_to(u, cdf.shape[:-1] + (NUM_IMPORTANCE,))
    inds = jax.vmap(lambda c, uu: jnp.searchsorted(c, uu, side='right'))(cdf, u)
    below = jnp.clip(inds - 1, 0, cdf.shape[-1] - 1)
    above = jnp.clip(inds, 0, cdf.shape[-1] - 1)
    inds_g = jnp.stack([below, above], axis=-1)  # [N, num_importance, 2]
    cdf_g = jax.vmap(lambda c, i: c[i])(cdf, inds_g)
    bins_g = jax.vmap(lambda b, i: b[i])(t_vals, inds_g)
    denom = cdf_g[..., 1] - cdf_g[..., 0]
    denom = jnp.where(denom < 1e-05, jnp.ones_like(denom), denom)
    t = (u - cdf_g[..., 0]) / denom
    samples = bins_g[..., 0] + t * (bins_g[..., 1] - bins_g[..., 0])
    return samples


def _volumetric_rendering(densities, colors, t_vals):
    dists = jnp.diff(t_vals, axis=-1)
    dists = jnp.concatenate([dists, jnp.full_like(dists[..., :1], 1e10)], axis=-1)
    alpha = 1.0 - jnp.exp(-jax.nn.relu(densities[..., 0]) * dists)
    trans = jnp.cumprod(1.0 - alpha + 1e-10, axis=-1)
    trans = jnp.concatenate([jnp.ones_like(trans[..., :1]), trans], axis=-1)[..., :-1]
    w = alpha * trans
    rgb = jnp.sum(w[..., None] * colors, axis=-2)
    depth = jnp.sum(w * t_vals, axis=-1)
    acc_alpha = jnp.sum(w, axis=-1)
    return rgb, depth, acc_alpha, w


def reference(origins, directions, weights, densities, colors):
    t_vals = _sample_along_rays(origins)
    samples = _hierarchical_sample(t_vals, weights)
    rgb, depth, acc_alpha, w = _volumetric_rendering(densities, colors, t_vals)
    return jnp.concatenate(
        [samples, rgb, depth[..., None], acc_alpha[..., None], w], axis=-1)

if __name__ == "__main__":
    import jax
    _d = setup_inputs()
    print(jax.jit(kernel)(*tuple(_d.values())))

</pallas_src>

<mosaic_0001>
#map = affine_map<(d0, d1) -> (0, 0)>
module attributes {stable_mosaic.version = 14 : i64} {
  func.func @_sc_body(%arg0: i32, %arg1: i32, %arg2: memref<65536x64xf32, #tpu.memory_space<hbm>>, %arg3: memref<65536x128xf32, #tpu.memory_space<hbm>>, %arg4: memref<128x64xf32, #tpu.memory_space<vmem>>, %arg5: memref<128x128xf32, #tpu.memory_space<vmem>>, %arg6: memref<8192xf32, #tpu.memory_space<vmem>>, %arg7: memref<18432xf32, #tpu.memory_space<vmem>>, %arg8: memref<64xf32, #tpu.memory_space<vmem>>) attributes {dimension_semantics = [#tpu.dimension_semantics<core_parallel>, #tpu.dimension_semantics<subcore_parallel>], iteration_bounds = array<i64: 2, 16>, scalar_prefetch = 0 : i64, scratch_operands = 5 : i64, tpu.core_type = #tpu.core_type<sc_vector_subcore>, window_params = [{transform_indices = #map}, {transform_indices = #map}]} {
    %mul3A = arith.constant 2 : i32
    %mul3A_0 = arith.muli %arg1, %mul3A : i32
    %add3A = arith.addi %mul3A_0, %arg0 : i32
    %mul3A_1 = arith.constant 2048 : i32
    %mul3A_2 = arith.muli %add3A, %mul3A_1 : i32
    %iota3A = tpu.iota {dimensions = array<i32: 0>} : vector<16xi32>
    %convert_element_type3A = arith.sitofp %iota3A : vector<16xi32> to vector<16xf32>
    %broadcast_in_dim3A = arith.constant 0.000000e+00 : f32
    %broadcast_in_dim3A_3 = vector.broadcast %broadcast_in_dim3A : f32 to vector<16xf32>
    %broadcast_in_dim3A_4 = arith.constant 1.000000e+00 : f32
    %broadcast_in_dim3A_5 = vector.broadcast %broadcast_in_dim3A_4 : f32 to vector<16xf32>
    %add3A_6 = arith.constant 0.000000e+00 : f32
    %add3A_7 = vector.broadcast %add3A_6 : f32 to vector<16xf32>
    %add3A_8 = arith.addf %convert_element_type3A, %add3A_7 : vector<16xf32>
    %sub3A = arith.constant 9.450000e+01 : f32
    %sub3A_9 = vector.broadcast %sub3A : f32 to vector<16xf32>
    %sub3A_10 = arith.subf %sub3A_9, %add3A_8 : vector<16xf32>
    %div3A = arith.constant 1.890000e+02 : f32
    %div3A_11 = vector.broadcast %div3A : f32 to vector<16xf32>
    %div3A_12 = arith.divf %div3A_11, %sub3A_10 : vector<16xf32>
    %swap3A = arith.constant 0 : index
    %swap3A_13 = tpu.vector_load %arg8[%swap3A] {strides = array<i32>} : memref<64xf32, #tpu.memory_space<vmem>>, vector<16xf32>,
    tpu.vector_store %arg8[%swap3A], %div3A_12 {strides = array<i32>} : memref<64xf32, #tpu.memory_space<vmem>>, vector<16xf32>,
    %add3A_14 = arith.constant 1.600000e+01 : f32
    %add3A_15 = vector.broadcast %add3A_14 : f32 to vector<16xf32>
    %add3A_16 = arith.addf %convert_element_type3A, %add3A_15 : vector<16xf32>
    %sub3A_17 = arith.constant 9.450000e+01 : f32
    %sub3A_18 = vector.broadcast %sub3A_17 : f32 to vector<16xf32>
    %sub3A_19 = arith.subf %sub3A_18, %add3A_16 : vector<16xf32>
    %div3A_20 = arith.constant 1.890000e+02 : f32
    %div3A_21 = vector.broadcast %div3A_20 : f32 to vector<16xf32>
    %div3A_22 = arith.divf %div3A_21, %sub3A_19 : vector<16xf32>
    %swap3A_23 = arith.constant 16 : index
    %swap3A_24 = tpu.vector_load %arg8[%swap3A_23] {strides = array<i32>} : memref<64xf32, #tpu.memory_space<vmem>>, vector<16xf32>,
    tpu.vector_store %arg8[%swap3A_23], %div3A_22 {strides = array<i32>} : memref<64xf32, #tpu.memory_space<vmem>>, vector<16xf32>,
    %add3A_25 = arith.constant 3.200000e+01 : f32
    %add3A_26 = vector.broadcast %add3A_25 : f32 to vector<16xf32>
    %add3A_27 = arith.addf %convert_element_type3A, %add3A_26 : vector<16xf32>
    %sub3A_28 = arith.constant 9.450000e+01 : f32
    %sub3A_29 = vector.broadcast %sub3A_28 : f32 to vector<16xf32>
    %sub3A_30 = arith.subf %sub3A_29, %add3A_27 : vector<16xf32>
    %div3A_31 = arith.constant 1.890000e+02 : f32
    %div3A_32 = vector.broadcast %div3A_31 : f32 to vector<16xf32>
    %div3A_33 = arith.divf %div3A_32, %sub3A_30 : vector<16xf32>
    %swap3A_34 = arith.constant 32 : index
    %swap3A_35 = tpu.vector_load %arg8[%swap3A_34] {strides = array<i32>} : memref<64xf32, #tpu.memory_space<vmem>>, vector<16xf32>,
    tpu.vector_store %arg8[%swap3A_34], %div3A_33 {strides = array<i32>} : memref<64xf32, #tpu.memory_space<vmem>>, vector<16xf32>,
    %add3A_36 = arith.constant 4.800000e+01 : f32
    %add3A_37 = vector.broadcast %add3A_36 : f32 to vector<16xf32>
    %add3A_38 = arith.addf %convert_element_type3A, %add3A_37 : vector<16xf32>
    %sub3A_39 = arith.constant 9.450000e+01 : f32
    %sub3A_40 = vector.broadcast %sub3A_39 : f32 to vector<16xf32>
    %sub3A_41 = arith.subf %sub3A_40, %add3A_38 : vector<16xf32>
    %div3A_42 = arith.constant 1.890000e+02 : f32
    %div3A_43 = vector.broadcast %div3A_42 : f32 to vector<16xf32>
    %div3A_44 = arith.divf %div3A_43, %sub3A_41 : vector<16xf32>
    %swap3A_45 = arith.constant 48 : index
    %swap3A_46 = tpu.vector_load %arg8[%swap3A_45] {strides = array<i32>} : memref<64xf32, #tpu.memory_space<vmem>>, vector<16xf32>,
    tpu.vector_store %arg8[%swap3A_45], %div3A_44 {strides = array<i32>} : memref<64xf32, #tpu.memory_space<vmem>>, vector<16xf32>,
    %scan3A = arith.constant 0 : i32
    %scan3A_47 = arith.constant 0 : i32
    %scan3A_48 = arith.constant 16 : i32
    %scan3A_49 = arith.addi %scan3A_47, %scan3A_48 : i32
    %scan3A_50 = arith.constant 1 : i32
    scf.for %scan3A_52 = %scan3A_47 to %scan3A_49 step %scan3A_50  : i32 {
      %mul3A_53 = arith.constant 128 : i32
      %mul3A_54 = arith.muli %scan3A_52, %mul3A_53 : i32
      %add3A_55 = arith.addi %mul3A_2, %mul3A_54 : i32
      "tpu.region"() ({
        %run_scoped3A = tpu.sem_alloc : memref<!tpu.dma_semaphore, #tpu.memory_space<semaphore_mem>>
        %dma_start3A = arith.constant 0 : i32
        %dma_start3A_58 = tpu.memref_slice %arg2[%add3A_55, %dma_start3A] : memref<65536x64xf32, #tpu.memory_space<hbm>> -> memref<128x64xf32, #tpu.memory_space<hbm>>
        %dma_start3A_59 = arith.constant 0 : i32
        %dma_start3A_60 = tpu.memref_slice %arg2[%add3A_55, %dma_start3A_59] : memref<65536x64xf32, #tpu.memory_space<hbm>> -> memref<128x64xf32, #tpu.memory_space<hbm>>
        tpu.enqueue_dma source(%dma_start3A_60 : memref<128x64xf32, #tpu.memory_space<hbm>>) target(%arg4 : memref<128x64xf32, #tpu.memory_space<vmem>>) target_semaphore(%run_scoped3A : memref<!tpu.dma_semaphore, #tpu.memory_space<semaphore_mem>>)
        %dma_wait3A = arith.constant 0 : i32
        %dma_wait3A_61 = tpu.memref_slice %arg2[%add3A_55, %dma_wait3A] : memref<65536x64xf32, #tpu.memory_space<hbm>> -> memref<128x64xf32, #tpu.memory_space<hbm>>
        %dma_wait3A_62 = arith.constant 0 : i32
        %dma_wait3A_63 = tpu.memref_slice %arg2[%add3A_55, %dma_wait3A_62] : memref<65536x64xf32, #tpu.memory_space<hbm>> -> memref<128x64xf32, #tpu.memory_space<hbm>>
        tpu.wait_dma2 semaphore(%run_scoped3A : memref<!tpu.dma_semaphore, #tpu.memory_space<semaphore_mem>>) src(%dma_wait3A_63 : memref<128x64xf32, #tpu.memory_space<hbm>>) dst(%arg4 : memref<128x64xf32, #tpu.memory_space<vmem>>)
        tpu.yield
      }) : () -> ()
      %parallel_loop3A = arith.constant 0 : i32
      %parallel_loop3A_56 = arith.constant 128 : i32
      %parallel_loop3A_57 = arith.constant 1 : i32
      scf.for %parallel_loop3A_58 = %parallel_loop3A to %parallel_loop3A_56 step %parallel_loop3A_57  : i32 {
        %parallel_loop3A_59 = arith.constant 64 : i32
        %parallel_loop3A_60 = arith.muli %parallel_loop3A_58, %parallel_loop3A_59 : i32
        %parallel_loop3A_61 = arith.constant 144 : i32
        %parallel_loop3A_62 = arith.muli %parallel_loop3A_58, %parallel_loop3A_61 : i32
        %parallel_loop3A_63 = vector.broadcast %parallel_loop3A_60 : i32 to vector<16xi32>
        %parallel_loop3A_64 = vector.broadcast %parallel_loop3A_62 : i32 to vector<16xi32>
        %parallel_loop3A_65 = arith.index_cast %parallel_loop3A_58 : i32 to index
        %parallel_loop3A_66 = arith.constant 0 : index
        %parallel_loop3A_67 = tpu.vector_load %arg4[%parallel_loop3A_65, %parallel_loop3A_66] {strides = array<i32>} : memref<128x64xf32, #tpu.memory_space<vmem>>, vector<16xf32>,
        %parallel_loop3A_68 = arith.constant 9.99999974E-6 : f32
        %parallel_loop3A_69 = vector.broadcast %parallel_loop3A_68 : f32 to vector<16xf32>
        %parallel_loop3A_70 = arith.addf %parallel_loop3A_67, %parallel_loop3A_69 : vector<16xf32>
        %parallel_loop3A_71 = arith.constant 0 : i32
        %parallel_loop3A_72 = vector.broadcast %parallel_loop3A_71 : i32 to vector<16xi32>
        %parallel_loop3A_73 = arith.cmpi eq, %iota3A, %parallel_loop3A_72 : vector<16xi32>
        %parallel_loop3A_74 = arith.constant 0.000000e+00 : f32
        %parallel_loop3A_75 = vector.broadcast %parallel_loop3A_74 : f32 to vector<16xf32>
        %parallel_loop3A_76 = arith.select %parallel_loop3A_73, %parallel_loop3A_75, %parallel_loop3A_70 : vector<16xi1>, vector<16xf32>
        %parallel_loop3A_77 = arith.index_cast %parallel_loop3A_58 : i32 to index
        %parallel_loop3A_78 = arith.constant 16 : index
        %parallel_loop3A_79 = tpu.vector_load %arg4[%parallel_loop3A_77, %parallel_loop3A_78] {strides = array<i32>} : memref<128x64xf32, #tpu.memory_space<vmem>>, vector<16xf32>,
        %parallel_loop3A_80 = arith.constant 9.99999974E-6 : f32
        %parallel_loop3A_81 = vector.broadcast %parallel_loop3A_80 : f32 to vector<16xf32>
        %parallel_loop3A_82 = arith.addf %parallel_loop3A_79, %parallel_loop3A_81 : vector<16xf32>
        %parallel_loop3A_83 = arith.index_cast %parallel_loop3A_58 : i32 to index
        %parallel_loop3A_84 = arith.constant 32 : index
        %parallel_loop3A_85 = tpu.vector_load %arg4[%parallel_loop3A_83, %parallel_loop3A_84] {strides = array<i32>} : memref<128x64xf32, #tpu.memory_space<vmem>>, vector<16xf32>,
        %parallel_loop3A_86 = arith.constant 9.99999974E-6 : f32
        %parallel_loop3A_87 = vector.broadcast %parallel_loop3A_86 : f32 to vector<16xf32>
        %parallel_loop3A_88 = arith.addf %parallel_loop3A_85, %parallel_loop3A_87 : vector<16xf32>
        %parallel_loop3A_89 = arith.index_cast %parallel_loop3A_58 : i32 to index
        %parallel_loop3A_90 = arith.constant 48 : index
        %parallel_loop3A_91 = tpu.vector_load %arg4[%parallel_loop3A_89, %parallel_loop3A_90] {strides = array<i32>} : memref<128x64xf32, #tpu.memory_space<vmem>>, vector<16xf32>,
        %parallel_loop3A_92 = arith.constant 9.99999974E-6 : f32
        %parallel_loop3A_93 = vector.broadcast %parallel_loop3A_92 : f32 to vector<16xf32>
        %parallel_loop3A_94 = arith.addf %parallel_loop3A_91, %parallel_loop3A_93 : vector<16xf32>
        %parallel_loop3A_95 = arith.constant 15 : i32
        %parallel_loop3A_96 = vector.broadcast %parallel_loop3A_95 : i32 to vector<16xi32>
        %parallel_loop3A_97 = arith.cmpi eq, %iota3A, %parallel_loop3A_96 : vector<16xi32>
        %parallel_loop3A_98 = arith.constant 0.000000e+00 : f32
        %parallel_loop3A_99 = vector.broadcast %parallel_loop3A_98 : f32 to vector<16xf32>
        %parallel_loop3A_100 = arith.select %parallel_loop3A_97, %parallel_loop3A_99, %parallel_loop3A_94 : vector<16xi1>, vector<16xf32>
        %parallel_loop3A_101 = arith.addf %parallel_loop3A_76, %parallel_loop3A_82 : vector<16xf32>
        %parallel_loop3A_102 = arith.addf %parallel_loop3A_101, %parallel_loop3A_88 : vector<16xf32>
        %parallel_loop3A_103 = arith.addf %parallel_loop3A_102, %parallel_loop3A_100 : vector<16xf32>
        %parallel_loop3A_104 = arith.constant true
        %parallel_loop3A_105 = vector.broadcast %parallel_loop3A_104 : i1 to vector<16xi1>
        %parallel_loop3A_106 = tpu.scan <sum>, %parallel_loop3A_76 masked %parallel_loop3A_105 : vector<16xf32>, vector<16xi1> -> vector<16xf32>
        %parallel_loop3A_107 = vector.extract %parallel_loop3A_106[15] : f32 from vector<16xf32>
        %parallel_loop3A_108 = arith.constant true
        %parallel_loop3A_109 = vector.broadcast %parallel_loop3A_108 : i1 to vector<16xi1>
        %parallel_loop3A_110 = tpu.scan <sum>, %parallel_loop3A_101 masked %parallel_loop3A_109 : vector<16xf32>, vector<16xi1> -> vector<16xf32>
        %parallel_loop3A_111 = vector.extract %parallel_loop3A_110[15] : f32 from vector<16xf32>
        %parallel_loop3A_112 = arith.constant true
        %parallel_loop3A_113 = vector.broadcast %parallel_loop3A_112 : i1 to vector<16xi1>
        %parallel_loop3A_114 = tpu.scan <sum>, %parallel_loop3A_102 masked %parallel_loop3A_113 : vector<16xf32>, vector<16xi1> -> vector<16xf32>
        %parallel_loop3A_115 = vector.extract %parallel_loop3A_114[15] : f32 from vector<16xf32>
        %parallel_loop3A_116 = arith.constant true
        %parallel_loop3A_117 = vector.broadcast %parallel_loop3A_116 : i1 to vector<16xi1>
        %parallel_loop3A_118 = tpu.scan <sum>, %parallel_loop3A_103 masked %parallel_loop3A_117 : vector<16xf32>, vector<16xi1> -> vector<16xf32>
        %parallel_loop3A_119 = vector.extract %parallel_loop3A_118[15] : f32 from vector<16xf32>
        %parallel_loop3A_120 = vector.broadcast %parallel_loop3A_119 : f32 to vector<16xf32>
        %parallel_loop3A_121 = arith.constant 1.270000e+02 : f32
        %parallel_loop3A_122 = vector.broadcast %parallel_loop3A_121 : f32 to vector<16xf32>
        %parallel_loop3A_123 = arith.divf %parallel_loop3A_122, %parallel_loop3A_120 : vector<16xf32>
        %parallel_loop3A_124 = arith.constant true
        %parallel_loop3A_125 = vector.broadcast %parallel_loop3A_124 : i1 to vector<16xi1>
        %parallel_loop3A_126 = tpu.scan <sum>, %parallel_loop3A_76 masked %parallel_loop3A_125 : vector<16xf32>, vector<16xi1> -> vector<16xf32>
        %parallel_loop3A_127 = arith.constant 0.000000e+00 : f32
        %parallel_loop3A_128 = vector.broadcast %parallel_loop3A_127 : f32 to vector<16xf32>
        %parallel_loop3A_129 = arith.addf %parallel_loop3A_126, %parallel_loop3A_128 : vector<16xf32>
        %parallel_loop3A_130 = arith.constant 0 : i32
        %parallel_loop3A_131 = arith.addi %parallel_loop3A_60, %parallel_loop3A_130 : i32
        %parallel_loop3A_132 = arith.index_cast %parallel_loop3A_131 : i32 to index
        %parallel_loop3A_133 = tpu.vector_load %arg6[%parallel_loop3A_132] {strides = array<i32>} : memref<8192xf32, #tpu.memory_space<vmem>>, vector<16xf32>,
        tpu.vector_store %arg6[%parallel_loop3A_132], %parallel_loop3A_129 {strides = array<i32>} : memref<8192xf32, #tpu.memory_space<vmem>>, vector<16xf32>,
        %parallel_loop3A_134 = arith.mulf %parallel_loop3A_129, %parallel_loop3A_123 : vector<16xf32>
        %parallel_loop3A_135 = arith.fptosi %parallel_loop3A_134 : vector<16xf32> to vector<16xi32>
        %parallel_loop3A_136 = arith.sitofp %parallel_loop3A_135 : vector<16xi32> to vector<16xf32>
        %parallel_loop3A_137 = arith.cmpf olt, %parallel_loop3A_136, %parallel_loop3A_134 : vector<16xf32>
        %parallel_loop3A_138 = arith.constant 1 : i32
        %parallel_loop3A_139 = vector.broadcast %parallel_loop3A_138 : i32 to vector<16xi32>
        %parallel_loop3A_140 = arith.addi %parallel_loop3A_135, %parallel_loop3A_139 : vector<16xi32>
        %parallel_loop3A_141 = arith.select %parallel_loop3A_137, %parallel_loop3A_140, %parallel_loop3A_135 : vector<16xi1>, vector<16xi32>
        %parallel_loop3A_142 = arith.constant true
        %parallel_loop3A_143 = vector.broadcast %parallel_loop3A_142 : i1 to vector<16xi1>
        %parallel_loop3A_144 = tpu.scan <sum>, %parallel_loop3A_82 masked %parallel_loop3A_143 : vector<16xf32>, vector<16xi1> -> vector<16xf32>
        %parallel_loop3A_145 = vector.broadcast %parallel_loop3A_107 : f32 to vector<16xf32>
        %parallel_loop3A_146 = arith.addf %parallel_loop3A_144, %parallel_loop3A_145 : vector<16xf32>
        %parallel_loop3A_147 = arith.constant 16 : i32
        %parallel_loop3A_148 = arith.addi %parallel_loop3A_60, %parallel_loop3A_147 : i32
        %parallel_loop3A_149 = arith.index_cast %parallel_loop3A_148 : i32 to index
        %parallel_loop3A_150 = tpu.vector_load %arg6[%parallel_loop3A_149] {strides = array<i32>} : memref<8192xf32, #tpu.memory_space<vmem>>, vector<16xf32>,
        tpu.vector_store %arg6[%parallel_loop3A_149], %parallel_loop3A_146 {strides = array<i32>} : memref<8192xf32, #tpu.memory_space<vmem>>, vector<16xf32>,
        %parallel_loop3A_151 = arith.mulf %parallel_loop3A_146, %parallel_loop3A_123 : vector<16xf32>
        %parallel_loop3A_152 = arith.fptosi %parallel_loop3A_151 : vector<16xf32> to vector<16xi32>
        %parallel_loop3A_153 = arith.sitofp %parallel_loop3A_152 : vector<16xi32> to vector<16xf32>
        %parallel_loop3A_154 = arith.cmpf olt, %parallel_loop3A_153, %parallel_loop3A_151 : vector<16xf32>
        %parallel_loop3A_155 = arith.constant 1 : i32
        %parallel_loop3A_156 = vector.broadcast %parallel_loop3A_155 : i32 to vector<16xi32>
        %parallel_loop3A_157 = arith.addi %parallel_loop3A_152, %parallel_loop3A_156 : vector<16xi32>
        %parallel_loop3A_158 = arith.select %parallel_loop3A_154, %parallel_loop3A_157, %parallel_loop3A_152 : vector<16xi1>, vector<16xi32>
        %parallel_loop3A_159 = arith.constant true
        %parallel_loop3A_160 = vector.broadcast %parallel_loop3A_159 : i1 to vector<16xi1>
        %parallel_loop3A_161 = tpu.scan <sum>, %parallel_loop3A_88 masked %parallel_loop3A_160 : vector<16xf32>, vector<16xi1> -> vector<16xf32>
        %parallel_loop3A_162 = vector.broadcast %parallel_loop3A_111 : f32 to vector<16xf32>
        %parallel_loop3A_163 = arith.addf %parallel_loop3A_161, %parallel_loop3A_162 : vector<16xf32>
        %parallel_loop3A_164 = arith.constant 32 : i32
        %parallel_loop3A_165 = arith.addi %parallel_loop3A_60, %parallel_loop3A_164 : i32
        %parallel_loop3A_166 = arith.index_cast %parallel_loop3A_165 : i32 to index
        %parallel_loop3A_167 = tpu.vector_load %arg6[%parallel_loop3A_166] {strides = array<i32>} : memref<8192xf32, #tpu.memory_space<vmem>>, vector<16xf32>,
        tpu.vector_store %arg6[%parallel_loop3A_166], %parallel_loop3A_163 {strides = array<i32>} : memref<8192xf32, #tpu.memory_space<vmem>>, vector<16xf32>,
        %parallel_loop3A_168 = arith.mulf %parallel_loop3A_163, %parallel_loop3A_123 : vector<16xf32>
        %parallel_loop3A_169 = arith.fptosi %parallel_loop3A_168 : vector<16xf32> to vector<16xi32>
        %parallel_loop3A_170 = arith.sitofp %parallel_loop3A_169 : vector<16xi32> to vector<16xf32>
        %parallel_loop3A_171 = arith.cmpf olt, %parallel_loop3A_170, %parallel_loop3A_168 : vector<16xf32>
        %parallel_loop3A_172 = arith.constant 1 : i32
        %parallel_loop3A_173 = vector.broadcast %parallel_loop3A_172 : i32 to vector<16xi32>
        %parallel_loop3A_174 = arith.addi %parallel_loop3A_169, %parallel_loop3A_173 : vector<16xi32>
        %parallel_loop3A_175 = arith.select %parallel_loop3A_171, %parallel_loop3A_174, %parallel_loop3A_169 : vector<16xi1>, vector<16xi32>
        %parallel_loop3A_176 = arith.constant true
        %parallel_loop3A_177 = vector.broadcast %parallel_loop3A_176 : i1 to vector<16xi1>
        %parallel_loop3A_178 = tpu.scan <sum>, %parallel_loop3A_100 masked %parallel_loop3A_177 : vector<16xf32>, vector<16xi1> -> vector<16xf32>
        %parallel_loop3A_179 = vector.broadcast %parallel_loop3A_115 : f32 to vector<16xf32>
        %parallel_loop3A_180 = arith.addf %parallel_loop3A_178, %parallel_loop3A_179 : vector<16xf32>
        %parallel_loop3A_181 = arith.constant 48 : i32
        %parallel_loop3A_182 = arith.addi %parallel_loop3A_60, %parallel_loop3A_181 : i32
        %parallel_loop3A_183 = arith.index_cast %parallel_loop3A_182 : i32 to index
        %parallel_loop3A_184 = tpu.vector_load %arg6[%parallel_loop3A_183] {strides = array<i32>} : memref<8192xf32, #tpu.memory_space<vmem>>, vector<16xf32>,
        tpu.vector_store %arg6[%parallel_loop3A_183], %parallel_loop3A_180 {strides = array<i32>} : memref<8192xf32, #tpu.memory_space<vmem>>, vector<16xf32>,
        %parallel_loop3A_185 = arith.mulf %parallel_loop3A_180, %parallel_loop3A_123 : vector<16xf32>
        %parallel_loop3A_186 = arith.fptosi %parallel_loop3A_185 : vector<16xf32> to vector<16xi32>
        %parallel_loop3A_187 = arith.sitofp %parallel_loop3A_186 : vector<16xi32> to vector<16xf32>
        %parallel_loop3A_188 = arith.cmpf olt, %parallel_loop3A_187, %parallel_loop3A_185 : vector<16xf32>
        %parallel_loop3A_189 = arith.constant 1 : i32
        %parallel_loop3A_190 = vector.broadcast %parallel_loop3A_189 : i32 to vector<16xi32>
        %parallel_loop3A_191 = arith.addi %parallel_loop3A_186, %parallel_loop3A_190 : vector<16xi32>
        %parallel_loop3A_192 = arith.select %parallel_loop3A_188, %parallel_loop3A_191, %parallel_loop3A_186 : vector<16xi1>, vector<16xi32>
        %parallel_loop3A_193 = arith.constant 15 : i32
        %parallel_loop3A_194 = vector.broadcast %parallel_loop3A_193 : i32 to vector<16xi32>
        %parallel_loop3A_195 = arith.cmpi eq, %iota3A, %parallel_loop3A_194 : vector<16xi32>
        %parallel_loop3A_196 = arith.constant 143 : i32
        %parallel_loop3A_197 = vector.broadcast %parallel_loop3A_196 : i32 to vector<16xi32>
        %parallel_loop3A_198 = arith.select %parallel_loop3A_195, %parallel_loop3A_197, %parallel_loop3A_192 : vector<16xi1>, vector<16xi32>
        %parallel_loop3A_199 = arith.constant 0 : i32
        %parallel_loop3A_200 = arith.addi %parallel_loop3A_62, %parallel_loop3A_199 : i32
        %parallel_loop3A_201 = arith.index_cast %parallel_loop3A_200 : i32 to index
        %parallel_loop3A_202 = tpu.vector_load %arg7[%parallel_loop3A_201] {strides = array<i32>} : memref<18432xf32, #tpu.memory_space<vmem>>, vector<16xf32>,
        tpu.vector_store %arg7[%parallel_loop3A_201], %broadcast_in_dim3A_3 {strides = array<i32>} : memref<18432xf32, #tpu.memory_space<vmem>>, vector<16xf32>,
        %parallel_loop3A_203 = arith.constant 16 : i32
        %parallel_loop3A_204 = arith.addi %parallel_loop3A_62, %parallel_loop3A_203 : i32
        %parallel_loop3A_205 = arith.index_cast %parallel_loop3A_204 : i32 to index
        %parallel_loop3A_206 = tpu.vector_load %arg7[%parallel_loop3A_205] {strides = array<i32>} : memref<18432xf32, #tpu.memory_space<vmem>>, vector<16xf32>,
        tpu.vector_store %arg7[%parallel_loop3A_205], %broadcast_in_dim3A_3 {strides = array<i32>} : memref<18432xf32, #tpu.memory_space<vmem>>, vector<16xf32>,
        %parallel_loop3A_207 = arith.constant 32 : i32
        %parallel_loop3A_208 = arith.addi %parallel_loop3A_62, %parallel_loop3A_207 : i32
        %parallel_loop3A_209 = arith.index_cast %parallel_loop3A_208 : i32 to index
        %parallel_loop3A_210 = tpu.vector_load %arg7[%parallel_loop3A_209] {strides = array<i32>} : memref<18432xf32, #tpu.memory_space<vmem>>, vector<16xf32>,
        tpu.vector_store %arg7[%parallel_loop3A_209], %broadcast_in_dim3A_3 {strides = array<i32>} : memref<18432xf32, #tpu.memory_space<vmem>>, vector<16xf32>,
        %parallel_loop3A_211 = arith.constant 48 : i32
        %parallel_loop3A_212 = arith.addi %parallel_loop3A_62, %parallel_loop3A_211 : i32
        %parallel_loop3A_213 = arith.index_cast %parallel_loop3A_212 : i32 to index
        %parallel_loop3A_214 = tpu.vector_load %arg7[%parallel_loop3A_213] {strides = array<i32>} : memref<18432xf32, #tpu.memory_space<vmem>>, vector<16xf32>,
        tpu.vector_store %arg7[%parallel_loop3A_213], %broadcast_in_dim3A_3 {strides = array<i32>} : memref<18432xf32, #tpu.memory_space<vmem>>, vector<16xf32>,
        %parallel_loop3A_215 = arith.constant 64 : i32
        %parallel_loop3A_216 = arith.addi %parallel_loop3A_62, %parallel_loop3A_215 : i32
        %parallel_loop3A_217 = arith.index_cast %parallel_loop3A_216 : i32 to index
        %parallel_loop3A_218 = tpu.vector_load %arg7[%parallel_loop3A_217] {strides = array<i32>} : memref<18432xf32, #tpu.memory_space<vmem>>, vector<16xf32>,
        tpu.vector_store %arg7[%parallel_loop3A_217], %broadcast_in_dim3A_3 {strides = array<i32>} : memref<18432xf32, #tpu.memory_space<vmem>>, vector<16xf32>,
        %parallel_loop3A_219 = arith.constant 80 : i32
        %parallel_loop3A_220 = arith.addi %parallel_loop3A_62, %parallel_loop3A_219 : i32
        %parallel_loop3A_221 = arith.index_cast %parallel_loop3A_220 : i32 to index
        %parallel_loop3A_222 = tpu.vector_load %arg7[%parallel_loop3A_221] {strides = array<i32>} : memref<18432xf32, #tpu.memory_space<vmem>>, vector<16xf32>,
        tpu.vector_store %arg7[%parallel_loop3A_221], %broadcast_in_dim3A_3 {strides = array<i32>} : memref<18432xf32, #tpu.memory_space<vmem>>, vector<16xf32>,
        %parallel_loop3A_223 = arith.constant 96 : i32
        %parallel_loop3A_224 = arith.addi %parallel_loop3A_62, %parallel_loop3A_223 : i32
        %parallel_loop3A_225 = arith.index_cast %parallel_loop3A_224 : i32 to index
        %parallel_loop3A_226 = tpu.vector_load %arg7[%parallel_loop3A_225] {strides = array<i32>} : memref<18432xf32, #tpu.memory_space<vmem>>, vector<16xf32>,
        tpu.vector_store %arg7[%parallel_loop3A_225], %broadcast_in_dim3A_3 {strides = array<i32>} : memref<18432xf32, #tpu.memory_space<vmem>>, vector<16xf32>,
        %parallel_loop3A_227 = arith.constant 112 : i32
        %parallel_loop3A_228 = arith.addi %parallel_loop3A_62, %parallel_loop3A_227 : i32
        %parallel_loop3A_229 = arith.index_cast %parallel_loop3A_228 : i32 to index
        %parallel_loop3A_230 = tpu.vector_load %arg7[%parallel_loop3A_229] {strides = array<i32>} : memref<18432xf32, #tpu.memory_space<vmem>>, vector<16xf32>,
        tpu.vector_store %arg7[%parallel_loop3A_229], %broadcast_in_dim3A_3 {strides = array<i32>} : memref<18432xf32, #tpu.memory_space<vmem>>, vector<16xf32>,
        %parallel_loop3A_231 = arith.constant 128 : i32
        %parallel_loop3A_232 = arith.addi %parallel_loop3A_62, %parallel_loop3A_231 : i32
        %parallel_loop3A_233 = arith.index_cast %parallel_loop3A_232 : i32 to index
        %parallel_loop3A_234 = tpu.vector_load %arg7[%parallel_loop3A_233] {strides = array<i32>} : memref<18432xf32, #tpu.memory_space<vmem>>, vector<16xf32>,
        tpu.vector_store %arg7[%parallel_loop3A_233], %broadcast_in_dim3A_3 {strides = array<i32>} : memref<18432xf32, #tpu.memory_space<vmem>>, vector<16xf32>,
        %parallel_loop3A_235 = arith.addi %parallel_loop3A_141, %parallel_loop3A_64 : vector<16xi32>
        tpu.vector_store_idx %arg7[%parallel_loop3A_235], %broadcast_in_dim3A_5 {add = true} : memref<18432xf32, #tpu.memory_space<vmem>>[vector<16xi32>], vector<16xf32>,
        %parallel_loop3A_236 = arith.addi %parallel_loop3A_158, %parallel_loop3A_64 : vector<16xi32>
        tpu.vector_store_idx %arg7[%parallel_loop3A_236], %broadcast_in_dim3A_5 {add = true} : memref<18432xf32, #tpu.memory_space<vmem>>[vector<16xi32>], vector<16xf32>,
        %parallel_loop3A_237 = arith.addi %parallel_loop3A_175, %parallel_loop3A_64 : vector<16xi32>
        tpu.vector_store_idx %arg7[%parallel_loop3A_237], %broadcast_in_dim3A_5 {add = true} : memref<18432xf32, #tpu.memory_space<vmem>>[vector<16xi32>], vector<16xf32>,
        %parallel_loop3A_238 = arith.addi %parallel_loop3A_198, %parallel_loop3A_64 : vector<16xi32>
        tpu.vector_store_idx %arg7[%parallel_loop3A_238], %broadcast_in_dim3A_5 {add = true} : memref<18432xf32, #tpu.memory_space<vmem>>[vector<16xi32>], vector<16xf32>,
        %parallel_loop3A_239 = arith.constant 0 : i32
        %parallel_loop3A_240 = arith.addi %parallel_loop3A_62, %parallel_loop3A_239 : i32
        %parallel_loop3A_241 = arith.index_cast %parallel_loop3A_240 : i32 to index
        %parallel_loop3A_242 = tpu.vector_load %arg7[%parallel_loop3A_241] {strides = array<i32>} : memref<18432xf32, #tpu.memory_space<vmem>>, vector<16xf32>,
        %parallel_loop3A_243 = arith.constant 16 : i32
        %parallel_loop3A_244 = arith.addi %parallel_loop3A_62, %parallel_loop3A_243 : i32
        %parallel_loop3A_245 = arith.index_cast %parallel_loop3A_244 : i32 to index
        %parallel_loop3A_246 = tpu.vector_load %arg7[%parallel_loop3A_245] {strides = array<i32>} : memref<18432xf32, #tpu.memory_space<vmem>>, vector<16xf32>,
        %parallel_loop3A_247 = arith.constant 32 : i32
        %parallel_loop3A_248 = arith.addi %parallel_loop3A_62, %parallel_loop3A_247 : i32
        %parallel_loop3A_249 = arith.index_cast %parallel_loop3A_248 : i32 to index
        %parallel_loop3A_250 = tpu.vector_load %arg7[%parallel_loop3A_249] {strides = array<i32>} : memref<18432xf32, #tpu.memory_space<vmem>>, vector<16xf32>,
        %parallel_loop3A_251 = arith.constant 48 : i32
        %parallel_loop3A_252 = arith.addi %parallel_loop3A_62, %parallel_loop3A_251 : i32
        %parallel_loop3A_253 = arith.index_cast %parallel_loop3A_252 : i32 to index
        %parallel_loop3A_254 = tpu.vector_load %arg7[%parallel_loop3A_253] {strides = array<i32>} : memref<18432xf32, #tpu.memory_space<vmem>>, vector<16xf32>,
        %parallel_loop3A_255 = arith.constant 64 : i32
        %parallel_loop3A_256 = arith.addi %parallel_loop3A_62, %parallel_loop3A_255 : i32
        %parallel_loop3A_257 = arith.index_cast %parallel_loop3A_256 : i32 to index
        %parallel_loop3A_258 = tpu.vector_load %arg7[%parallel_loop3A_257] {strides = array<i32>} : memref<18432xf32, #tpu.memory_space<vmem>>, vector<16xf32>,
        %parallel_loop3A_259 = arith.constant 80 : i32
        %parallel_loop3A_260 = arith.addi %parallel_loop3A_62, %parallel_loop3A_259 : i32
        %parallel_loop3A_261 = arith.index_cast %parallel_loop3A_260 : i32 to index
        %parallel_loop3A_262 = tpu.vector_load %arg7[%parallel_loop3A_261] {strides = array<i32>} : memref<18432xf32, #tpu.memory_space<vmem>>, vector<16xf32>,
        %parallel_loop3A_263 = arith.constant 96 : i32
        %parallel_loop3A_264 = arith.addi %parallel_loop3A_62, %parallel_loop3A_263 : i32
        %parallel_loop3A_265 = arith.index_cast %parallel_loop3A_264 : i32 to index
        %parallel_loop3A_266 = tpu.vector_load %arg7[%parallel_loop3A_265] {strides = array<i32>} : memref<18432xf32, #tpu.memory_space<vmem>>, vector<16xf32>,
        %parallel_loop3A_267 = arith.constant 112 : i32
        %parallel_loop3A_268 = arith.addi %parallel_loop3A_62, %parallel_loop3A_267 : i32
        %parallel_loop3A_269 = arith.index_cast %parallel_loop3A_268 : i32 to index
        %parallel_loop3A_270 = tpu.vector_load %arg7[%parallel_loop3A_269] {strides = array<i32>} : memref<18432xf32, #tpu.memory_space<vmem>>, vector<16xf32>,
        %parallel_loop3A_271 = arith.constant true
        %parallel_loop3A_272 = vector.broadcast %parallel_loop3A_271 : i1 to vector<16xi1>
        %parallel_loop3A_273 = tpu.scan <sum>, %parallel_loop3A_242 masked %parallel_loop3A_272 : vector<16xf32>, vector<16xi1> -> vector<16xf32>
        %parallel_loop3A_274 = vector.extract %parallel_loop3A_273[15] : f32 from vector<16xf32>
        %parallel_loop3A_275 = arith.addf %parallel_loop3A_242, %parallel_loop3A_246 : vector<16xf32>
        %parallel_loop3A_276 = arith.constant true
        %parallel_loop3A_277 = vector.broadcast %parallel_loop3A_276 : i1 to vector<16xi1>
        %parallel_loop3A_278 = tpu.scan <sum>, %parallel_loop3A_275 masked %parallel_loop3A_277 : vector<16xf32>, vector<16xi1> -> vector<16xf32>
        %parallel_loop3A_279 = vector.extract %parallel_loop3A_278[15] : f32 from vector<16xf32>
        %parallel_loop3A_280 = arith.addf %parallel_loop3A_275, %parallel_loop3A_250 : vector<16xf32>
        %parallel_loop3A_281 = arith.constant true
        %parallel_loop3A_282 = vector.broadcast %parallel_loop3A_281 : i1 to vector<16xi1>
        %parallel_loop3A_283 = tpu.scan <sum>, %parallel_loop3A_280 masked %parallel_loop3A_282 : vector<16xf32>, vector<16xi1> -> vector<16xf32>
        %parallel_loop3A_284 = vector.extract %parallel_loop3A_283[15] : f32 from vector<16xf32>
        %parallel_loop3A_285 = arith.addf %parallel_loop3A_280, %parallel_loop3A_254 : vector<16xf32>
        %parallel_loop3A_286 = arith.constant true
        %parallel_loop3A_287 = vector.broadcast %parallel_loop3A_286 : i1 to vector<16xi1>
        %parallel_loop3A_288 = tpu.scan <sum>, %parallel_loop3A_285 masked %parallel_loop3A_287 : vector<16xf32>, vector<16xi1> -> vector<16xf32>
        %parallel_loop3A_289 = vector.extract %parallel_loop3A_288[15] : f32 from vector<16xf32>
        %parallel_loop3A_290 = arith.addf %parallel_loop3A_285, %parallel_loop3A_258 : vector<16xf32>
        %parallel_loop3A_291 = arith.constant true
        %parallel_loop3A_292 = vector.broadcast %parallel_loop3A_291 : i1 to vector<16xi1>
        %parallel_loop3A_293 = tpu.scan <sum>, %parallel_loop3A_290 masked %parallel_loop3A_292 : vector<16xf32>, vector<16xi1> -> vector<16xf32>
        %parallel_loop3A_294 = vector.extract %parallel_loop3A_293[15] : f32 from vector<16xf32>
        %parallel_loop3A_295 = arith.addf %parallel_loop3A_290, %parallel_loop3A_262 : vector<16xf32>
        %parallel_loop3A_296 = arith.constant true
        %parallel_loop3A_297 = vector.broadcast %parallel_loop3A_296 : i1 to vector<16xi1>
        %parallel_loop3A_298 = tpu.scan <sum>, %parallel_loop3A_295 masked %parallel_loop3A_297 : vector<16xf32>, vector<16xi1> -> vector<16xf32>
        %parallel_loop3A_299 = vector.extract %parallel_loop3A_298[15] : f32 from vector<16xf32>
        %parallel_loop3A_300 = arith.addf %parallel_loop3A_295, %parallel_loop3A_266 : vector<16xf32>
        %parallel_loop3A_301 = arith.constant true
        %parallel_loop3A_302 = vector.broadcast %parallel_loop3A_301 : i1 to vector<16xi1>
        %parallel_loop3A_303 = tpu.scan <sum>, %parallel_loop3A_300 masked %parallel_loop3A_302 : vector<16xf32>, vector<16xi1> -> vector<16xf32>
        %parallel_loop3A_304 = vector.extract %parallel_loop3A_303[15] : f32 from vector<16xf32>
        %parallel_loop3A_305 = arith.constant true
        %parallel_loop3A_306 = vector.broadcast %parallel_loop3A_305 : i1 to vector<16xi1>
        %parallel_loop3A_307 = tpu.scan <sum>, %parallel_loop3A_242 masked %parallel_loop3A_306 : vector<16xf32>, vector<16xi1> -> vector<16xf32>
        %parallel_loop3A_308 = arith.constant 0.000000e+00 : f32
        %parallel_loop3A_309 = vector.broadcast %parallel_loop3A_308 : f32 to vector<16xf32>
        %parallel_loop3A_310 = arith.addf %parallel_loop3A_307, %parallel_loop3A_309 : vector<16xf32>
        %parallel_loop3A_311 = arith.constant 1.000000e+00 : f32
        %parallel_loop3A_312 = vector.broadcast %parallel_loop3A_311 : f32 to vector<16xf32>
        %parallel_loop3A_313 = arith.subf %parallel_loop3A_310, %parallel_loop3A_312 : vector<16xf32>
        %parallel_loop3A_314 = arith.constant 6.200000e+01 : f32
        %parallel_loop3A_315 = vector.broadcast %parallel_loop3A_314 : f32 to vector<16xf32>
        %parallel_loop3A_316 = arith.minimumf %parallel_loop3A_310, %parallel_loop3A_315 : vector<16xf32>
        %parallel_loop3A_317 = arith.fptosi %parallel_loop3A_313 : vector<16xf32> to vector<16xi32>
        %parallel_loop3A_318 = arith.fptosi %parallel_loop3A_316 : vector<16xf32> to vector<16xi32>
        %parallel_loop3A_319 = arith.addi %parallel_loop3A_317, %parallel_loop3A_63 : vector<16xi32>
        %parallel_loop3A_320 = tpu.vector_load_idx %arg6[%parallel_loop3A_319] : memref<8192xf32, #tpu.memory_space<vmem>>[vector<16xi32>], vector<16xf32>,
        %parallel_loop3A_321 = arith.addi %parallel_loop3A_318, %parallel_loop3A_63 : vector<16xi32>
        %parallel_loop3A_322 = tpu.vector_load_idx %arg6[%parallel_loop3A_321] : memref<8192xf32, #tpu.memory_space<vmem>>[vector<16xi32>], vector<16xf32>,
        %parallel_loop3A_323 = tpu.vector_load_idx %arg8[%parallel_loop3A_317] : memref<64xf32, #tpu.memory_space<vmem>>[vector<16xi32>], vector<16xf32>,
        %parallel_loop3A_324 = tpu.vector_load_idx %arg8[%parallel_loop3A_318] : memref<64xf32, #tpu.memory_space<vmem>>[vector<16xi32>], vector<16xf32>,
        %parallel_loop3A_325 = arith.constant 0.000000e+00 : f32
        %parallel_loop3A_326 = vector.broadcast %parallel_loop3A_325 : f32 to vector<16xf32>
        %parallel_loop3A_327 = arith.addf %convert_element_type3A, %parallel_loop3A_326 : vector<16xf32>
        %parallel_loop3A_328 = arith.constant 0.00787401571 : f32
        %parallel_loop3A_329 = vector.broadcast %parallel_loop3A_328 : f32 to vector<16xf32>
        %parallel_loop3A_330 = arith.mulf %parallel_loop3A_327, %parallel_loop3A_329 : vector<16xf32>
        %parallel_loop3A_331 = arith.mulf %parallel_loop3A_330, %parallel_loop3A_120 : vector<16xf32>
        %parallel_loop3A_332 = arith.subf %parallel_loop3A_322, %parallel_loop3A_320 : vector<16xf32>
        %parallel_loop3A_333 = arith.constant 9.99999974E-6 : f32
        %parallel_loop3A_334 = vector.broadcast %parallel_loop3A_333 : f32 to vector<16xf32>
        %parallel_loop3A_335 = arith.mulf %parallel_loop3A_334, %parallel_loop3A_120 : vector<16xf32>
        %parallel_loop3A_336 = arith.cmpf olt, %parallel_loop3A_332, %parallel_loop3A_335 : vector<16xf32>
        %parallel_loop3A_337 = arith.select %parallel_loop3A_336, %parallel_loop3A_120, %parallel_loop3A_332 : vector<16xi1>, vector<16xf32>
        %parallel_loop3A_338 = arith.subf %parallel_loop3A_331, %parallel_loop3A_320 : vector<16xf32>
        %parallel_loop3A_339 = arith.divf %parallel_loop3A_338, %parallel_loop3A_337 : vector<16xf32>
        %parallel_loop3A_340 = arith.subf %parallel_loop3A_324, %parallel_loop3A_323 : vector<16xf32>
        %parallel_loop3A_341 = arith.mulf %parallel_loop3A_339, %parallel_loop3A_340 : vector<16xf32>
        %parallel_loop3A_342 = arith.addf %parallel_loop3A_323, %parallel_loop3A_341 : vector<16xf32>
        %parallel_loop3A_343 = arith.index_cast %parallel_loop3A_58 : i32 to index
        %parallel_loop3A_344 = arith.constant 0 : index
        %parallel_loop3A_345 = tpu.vector_load %arg5[%parallel_loop3A_343, %parallel_loop3A_344] {strides = array<i32>} : memref<128x128xf32, #tpu.memory_space<vmem>>, vector<16xf32>,
        tpu.vector_store %arg5[%parallel_loop3A_343, %parallel_loop3A_344], %parallel_loop3A_342 {strides = array<i32>} : memref<128x128xf32, #tpu.memory_space<vmem>>, vector<16xf32>,
        %parallel_loop3A_346 = arith.constant true
        %parallel_loop3A_347 = vector.broadcast %parallel_loop3A_346 : i1 to vector<16xi1>
        %parallel_loop3A_348 = tpu.scan <sum>, %parallel_loop3A_246 masked %parallel_loop3A_347 : vector<16xf32>, vector<16xi1> -> vector<16xf32>
        %parallel_loop3A_349 = vector.broadcast %parallel_loop3A_274 : f32 to vector<16xf32>
        %parallel_loop3A_350 = arith.addf %parallel_loop3A_348, %parallel_loop3A_349 : vector<16xf32>
        %parallel_loop3A_351 = arith.constant 1.000000e+00 : f32
        %parallel_loop3A_352 = vector.broadcast %parallel_loop3A_351 : f32 to vector<16xf32>
        %parallel_loop3A_353 = arith.subf %parallel_loop3A_350, %parallel_loop3A_352 : vector<16xf32>
        %parallel_loop3A_354 = arith.constant 6.200000e+01 : f32
        %parallel_loop3A_355 = vector.broadcast %parallel_loop3A_354 : f32 to vector<16xf32>
        %parallel_loop3A_356 = arith.minimumf %parallel_loop3A_350, %parallel_loop3A_355 : vector<16xf32>
        %parallel_loop3A_357 = arith.fptosi %parallel_loop3A_353 : vector<16xf32> to vector<16xi32>
        %parallel_loop3A_358 = arith.fptosi %parallel_loop3A_356 : vector<16xf32> to vector<16xi32>
        %parallel_loop3A_359 = arith.addi %parallel_loop3A_357, %parallel_loop3A_63 : vector<16xi32>
        %parallel_loop3A_360 = tpu.vector_load_idx %arg6[%parallel_loop3A_359] : memref<8192xf32, #tpu.memory_space<vmem>>[vector<16xi32>], vector<16xf32>,
        %parallel_loop3A_361 = arith.addi %parallel_loop3A_358, %parallel_loop3A_63 : vector<16xi32>
        %parallel_loop3A_362 = tpu.vector_load_idx %arg6[%parallel_loop3A_361] : memref<8192xf32, #tpu.memory_space<vmem>>[vector<16xi32>], vector<16xf32>,
        %parallel_loop3A_363 = tpu.vector_load_idx %arg8[%parallel_loop3A_357] : memref<64xf32, #tpu.memory_space<vmem>>[vector<16xi32>], vector<16xf32>,
        %parallel_loop3A_364 = tpu.vector_load_idx %arg8[%parallel_loop3A_358] : memref<64xf32, #tpu.memory_space<vmem>>[vector<16xi32>], vector<16xf32>,
        %parallel_loop3A_365 = arith.constant 1.600000e+01 : f32
        %parallel_loop3A_366 = vector.broadcast %parallel_loop3A_365 : f32 to vector<16xf32>
        %parallel_loop3A_367 = arith.addf %convert_element_type3A, %parallel_loop3A_366 : vector<16xf32>
        %parallel_loop3A_368 = arith.constant 0.00787401571 : f32
        %parallel_loop3A_369 = vector.broadcast %parallel_loop3A_368 : f32 to vector<16xf32>
        %parallel_loop3A_370 = arith.mulf %parallel_loop3A_367, %parallel_loop3A_369 : vector<16xf32>
        %parallel_loop3A_371 = arith.mulf %parallel_loop3A_370, %parallel_loop3A_120 : vector<16xf32>
        %parallel_loop3A_372 = arith.subf %parallel_loop3A_362, %parallel_loop3A_360 : vector<16xf32>
        %parallel_loop3A_373 = arith.constant 9.99999974E-6 : f32
        %parallel_loop3A_374 = vector.broadcast %parallel_loop3A_373 : f32 to vector<16xf32>
        %parallel_loop3A_375 = arith.mulf %parallel_loop3A_374, %parallel_loop3A_120 : vector<16xf32>
        %parallel_loop3A_376 = arith.cmpf olt, %parallel_loop3A_372, %parallel_loop3A_375 : vector<16xf32>
        %parallel_loop3A_377 = arith.select %parallel_loop3A_376, %parallel_loop3A_120, %parallel_loop3A_372 : vector<16xi1>, vector<16xf32>
        %parallel_loop3A_378 = arith.subf %parallel_loop3A_371, %parallel_loop3A_360 : vector<16xf32>
        %parallel_loop3A_379 = arith.divf %parallel_loop3A_378, %parallel_loop3A_377 : vector<16xf32>
        %parallel_loop3A_380 = arith.subf %parallel_loop3A_364, %parallel_loop3A_363 : vector<16xf32>
        %parallel_loop3A_381 = arith.mulf %parallel_loop3A_379, %parallel_loop3A_380 : vector<16xf32>
        %parallel_loop3A_382 = arith.addf %parallel_loop3A_363, %parallel_loop3A_381 : vector<16xf32>
        %parallel_loop3A_383 = arith.index_cast %parallel_loop3A_58 : i32 to index
        %parallel_loop3A_384 = arith.constant 16 : index
        %parallel_loop3A_385 = tpu.vector_load %arg5[%parallel_loop3A_383, %parallel_loop3A_384] {strides = array<i32>} : memref<128x128xf32, #tpu.memory_space<vmem>>, vector<16xf32>,
        tpu.vector_store %arg5[%parallel_loop3A_383, %parallel_loop3A_384], %parallel_loop3A_382 {strides = array<i32>} : memref<128x128xf32, #tpu.memory_space<vmem>>, vector<16xf32>,
        %parallel_loop3A_386 = arith.constant true
        %parallel_loop3A_387 = vector.broadcast %parallel_loop3A_386 : i1 to vector<16xi1>
        %parallel_loop3A_388 = tpu.scan <sum>, %parallel_loop3A_250 masked %parallel_loop3A_387 : vector<16xf32>, vector<16xi1> -> vector<16xf32>
        %parallel_loop3A_389 = vector.broadcast %parallel_loop3A_279 : f32 to vector<16xf32>
        %parallel_loop3A_390 = arith.addf %parallel_loop3A_388, %parallel_loop3A_389 : vector<16xf32>
        %parallel_loop3A_391 = arith.constant 1.000000e+00 : f32
        %parallel_loop3A_392 = vector.broadcast %parallel_loop3A_391 : f32 to vector<16xf32>
        %parallel_loop3A_393 = arith.subf %parallel_loop3A_390, %parallel_loop3A_392 : vector<16xf32>
        %parallel_loop3A_394 = arith.constant 6.200000e+01 : f32
        %parallel_loop3A_395 = vector.broadcast %parallel_loop3A_394 : f32 to vector<16xf32>
        %parallel_loop3A_396 = arith.minimumf %parallel_loop3A_390, %parallel_loop3A_395 : vector<16xf32>
        %parallel_loop3A_397 = arith.fptosi %parallel_loop3A_393 : vector<16xf32> to vector<16xi32>
        %parallel_loop3A_398 = arith.fptosi %parallel_loop3A_396 : vector<16xf32> to vector<16xi32>
        %parallel_loop3A_399 = arith.addi %parallel_loop3A_397, %parallel_loop3A_63 : vector<16xi32>
        %parallel_loop3A_400 = tpu.vector_load_idx %arg6[%parallel_loop3A_399] : memref<8192xf32, #tpu.memory_space<vmem>>[vector<16xi32>], vector<16xf32>,
        %parallel_loop3A_401 = arith.addi %parallel_loop3A_398, %parallel_loop3A_63 : vector<16xi32>
        %parallel_loop3A_402 = tpu.vector_load_idx %arg6[%parallel_loop3A_401] : memref<8192xf32, #tpu.memory_space<vmem>>[vector<16xi32>], vector<16xf32>,
        %parallel_loop3A_403 = tpu.vector_load_idx %arg8[%parallel_loop3A_397] : memref<64xf32, #tpu.memory_space<vmem>>[vector<16xi32>], vector<16xf32>,
        %parallel_loop3A_404 = tpu.vector_load_idx %arg8[%parallel_loop3A_398] : memref<64xf32, #tpu.memory_space<vmem>>[vector<16xi32>], vector<16xf32>,
        %parallel_loop3A_405 = arith.constant 3.200000e+01 : f32
        %parallel_loop3A_406 = vector.broadcast %parallel_loop3A_405 : f32 to vector<16xf32>
        %parallel_loop3A_407 = arith.addf %convert_element_type3A, %parallel_loop3A_406 : vector<16xf32>
        %parallel_loop3A_408 = arith.constant 0.00787401571 : f32
        %parallel_loop3A_409 = vector.broadcast %parallel_loop3A_408 : f32 to vector<16xf32>
        %parallel_loop3A_410 = arith.mulf %parallel_loop3A_407, %parallel_loop3A_409 : vector<16xf32>
        %parallel_loop3A_411 = arith.mulf %parallel_loop3A_410, %parallel_loop3A_120 : vector<16xf32>
        %parallel_loop3A_412 = arith.subf %parallel_loop3A_402, %parallel_loop3A_400 : vector<16xf32>
        %parallel_loop3A_413 = arith.constant 9.99999974E-6 : f32
        %parallel_loop3A_414 = vector.broadcast %parallel_loop3A_413 : f32 to vector<16xf32>
        %parallel_loop3A_415 = arith.mulf %parallel_loop3A_414, %parallel_loop3A_120 : vector<16xf32>
        %parallel_loop3A_416 = arith.cmpf olt, %parallel_loop3A_412, %parallel_loop3A_415 : vector<16xf32>
        %parallel_loop3A_417 = arith.select %parallel_loop3A_416, %parallel_loop3A_120, %parallel_loop3A_412 : vector<16xi1>, vector<16xf32>
        %parallel_loop3A_418 = arith.subf %parallel_loop3A_411, %parallel_loop3A_400 : vector<16xf32>
        %parallel_loop3A_419 = arith.divf %parallel_loop3A_418, %parallel_loop3A_417 : vector<16xf32>
        %parallel_loop3A_420 = arith.subf %parallel_loop3A_404, %parallel_loop3A_403 : vector<16xf32>
        %parallel_loop3A_421 = arith.mulf %parallel_loop3A_419, %parallel_loop3A_420 : vector<16xf32>
        %parallel_loop3A_422 = arith.addf %parallel_loop3A_403, %parallel_loop3A_421 : vector<16xf32>
        %parallel_loop3A_423 = arith.index_cast %parallel_loop3A_58 : i32 to index
        %parallel_loop3A_424 = arith.constant 32 : index
        %parallel_loop3A_425 = tpu.vector_load %arg5[%parallel_loop3A_423, %parallel_loop3A_424] {strides = array<i32>} : memref<128x128xf32, #tpu.memory_space<vmem>>, vector<16xf32>,
        tpu.vector_store %arg5[%parallel_loop3A_423, %parallel_loop3A_424], %parallel_loop3A_422 {strides = array<i32>} : memref<128x128xf32, #tpu.memory_space<vmem>>, vector<16xf32>,
        %parallel_loop3A_426 = arith.constant true
        %parallel_loop3A_427 = vector.broadcast %parallel_loop3A_426 : i1 to vector<16xi1>
        %parallel_loop3A_428 = tpu.scan <sum>, %parallel_loop3A_254 masked %parallel_loop3A_427 : vector<16xf32>, vector<16xi1> -> vector<16xf32>
        %parallel_loop3A_429 = vector.broadcast %parallel_loop3A_284 : f32 to vector<16xf32>
        %parallel_loop3A_430 = arith.addf %parallel_loop3A_428, %parallel_loop3A_429 : vector<16xf32>
        %parallel_loop3A_431 = arith.constant 1.000000e+00 : f32
        %parallel_loop3A_432 = vector.broadcast %parallel_loop3A_431 : f32 to vector<16xf32>
        %parallel_loop3A_433 = arith.subf %parallel_loop3A_430, %parallel_loop3A_432 : vector<16xf32>
        %parallel_loop3A_434 = arith.constant 6.200000e+01 : f32
        %parallel_loop3A_435 = vector.broadcast %parallel_loop3A_434 : f32 to vector<16xf32>
        %parallel_loop3A_436 = arith.minimumf %parallel_loop3A_430, %parallel_loop3A_435 : vector<16xf32>
        %parallel_loop3A_437 = arith.fptosi %parallel_loop3A_433 : vector<16xf32> to vector<16xi32>
        %parallel_loop3A_438 = arith.fptosi %parallel_loop3A_436 : vector<16xf32> to vector<16xi32>
        %parallel_loop3A_439 = arith.addi %parallel_loop3A_437, %parallel_loop3A_63 : vector<16xi32>
        %parallel_loop3A_440 = tpu.vector_load_idx %arg6[%parallel_loop3A_439] : memref<8192xf32, #tpu.memory_space<vmem>>[vector<16xi32>], vector<16xf32>,
        %parallel_loop3A_441 = arith.addi %parallel_loop3A_438, %parallel_loop3A_63 : vector<16xi32>
        %parallel_loop3A_442 = tpu.vector_load_idx %arg6[%parallel_loop3A_441] : memref<8192xf32, #tpu.memory_space<vmem>>[vector<16xi32>], vector<16xf32>,
        %parallel_loop3A_443 = tpu.vector_load_idx %arg8[%parallel_loop3A_437] : memref<64xf32, #tpu.memory_space<vmem>>[vector<16xi32>], vector<16xf32>,
        %parallel_loop3A_444 = tpu.vector_load_idx %arg8[%parallel_loop3A_438] : memref<64xf32, #tpu.memory_space<vmem>>[vector<16xi32>], vector<16xf32>,
        %parallel_loop3A_445 = arith.constant 4.800000e+01 : f32
        %parallel_loop3A_446 = vector.broadcast %parallel_loop3A_445 : f32 to vector<16xf32>
        %parallel_loop3A_447 = arith.addf %convert_element_type3A, %parallel_loop3A_446 : vector<16xf32>
        %parallel_loop3A_448 = arith.constant 0.00787401571 : f32
        %parallel_loop3A_449 = vector.broadcast %parallel_loop3A_448 : f32 to vector<16xf32>
        %parallel_loop3A_450 = arith.mulf %parallel_loop3A_447, %parallel_loop3A_449 : vector<16xf32>
        %parallel_loop3A_451 = arith.mulf %parallel_loop3A_450, %parallel_loop3A_120 : vector<16xf32>
        %parallel_loop3A_452 = arith.subf %parallel_loop3A_442, %parallel_loop3A_440 : vector<16xf32>
        %parallel_loop3A_453 = arith.constant 9.99999974E-6 : f32
        %parallel_loop3A_454 = vector.broadcast %parallel_loop3A_453 : f32 to vector<16xf32>
        %parallel_loop3A_455 = arith.mulf %parallel_loop3A_454, %parallel_loop3A_120 : vector<16xf32>
        %parallel_loop3A_456 = arith.cmpf olt, %parallel_loop3A_452, %parallel_loop3A_455 : vector<16xf32>
        %parallel_loop3A_457 = arith.select %parallel_loop3A_456, %parallel_loop3A_120, %parallel_loop3A_452 : vector<16xi1>, vector<16xf32>
        %parallel_loop3A_458 = arith.subf %parallel_loop3A_451, %parallel_loop3A_440 : vector<16xf32>
        %parallel_loop3A_459 = arith.divf %parallel_loop3A_458, %parallel_loop3A_457 : vector<16xf32>
        %parallel_loop3A_460 = arith.subf %parallel_loop3A_444, %parallel_loop3A_443 : vector<16xf32>
        %parallel_loop3A_461 = arith.mulf %parallel_loop3A_459, %parallel_loop3A_460 : vector<16xf32>
        %parallel_loop3A_462 = arith.addf %parallel_loop3A_443, %parallel_loop3A_461 : vector<16xf32>
        %parallel_loop3A_463 = arith.index_cast %parallel_loop3A_58 : i32 to index
        %parallel_loop3A_464 = arith.constant 48 : index
        %parallel_loop3A_465 = tpu.vector_load %arg5[%parallel_loop3A_463, %parallel_loop3A_464] {strides = array<i32>} : memref<128x128xf32, #tpu.memory_space<vmem>>, vector<16xf32>,
        tpu.vector_store %arg5[%parallel_loop3A_463, %parallel_loop3A_464], %parallel_loop3A_462 {strides = array<i32>} : memref<128x128xf32, #tpu.memory_space<vmem>>, vector<16xf32>,
        %parallel_loop3A_466 = arith.constant true
        %parallel_loop3A_467 = vector.broadcast %parallel_loop3A_466 : i1 to vector<16xi1>
        %parallel_loop3A_468 = tpu.scan <sum>, %parallel_loop3A_258 masked %parallel_loop3A_467 : vector<16xf32>, vector<16xi1> -> vector<16xf32>
        %parallel_loop3A_469 = vector.broadcast %parallel_loop3A_289 : f32 to vector<16xf32>
        %parallel_loop3A_470 = arith.addf %parallel_loop3A_468, %parallel_loop3A_469 : vector<16xf32>
        %parallel_loop3A_471 = arith.constant 1.000000e+00 : f32
        %parallel_loop3A_472 = vector.broadcast %parallel_loop3A_471 : f32 to vector<16xf32>
        %parallel_loop3A_473 = arith.subf %parallel_loop3A_470, %parallel_loop3A_472 : vector<16xf32>
        %parallel_loop3A_474 = arith.constant 6.200000e+01 : f32
        %parallel_loop3A_475 = vector.broadcast %parallel_loop3A_474 : f32 to vector<16xf32>
        %parallel_loop3A_476 = arith.minimumf %parallel_loop3A_470, %parallel_loop3A_475 : vector<16xf32>
        %parallel_loop3A_477 = arith.fptosi %parallel_loop3A_473 : vector<16xf32> to vector<16xi32>
        %parallel_loop3A_478 = arith.fptosi %parallel_loop3A_476 : vector<16xf32> to vector<16xi32>
        %parallel_loop3A_479 = arith.addi %parallel_loop3A_477, %parallel_loop3A_63 : vector<16xi32>
        %parallel_loop3A_480 = tpu.vector_load_idx %arg6[%parallel_loop3A_479] : memref<8192xf32, #tpu.memory_space<vmem>>[vector<16xi32>], vector<16xf32>,
        %parallel_loop3A_481 = arith.addi %parallel_loop3A_478, %parallel_loop3A_63 : vector<16xi32>
        %parallel_loop3A_482 = tpu.vector_load_idx %arg6[%parallel_loop3A_481] : memref<8192xf32, #tpu.memory_space<vmem>>[vector<16xi32>], vector<16xf32>,
        %parallel_loop3A_483 = tpu.vector_load_idx %arg8[%parallel_loop3A_477] : memref<64xf32, #tpu.memory_space<vmem>>[vector<16xi32>], vector<16xf32>,
        %parallel_loop3A_484 = tpu.vector_load_idx %arg8[%parallel_loop3A_478] : memref<64xf32, #tpu.memory_space<vmem>>[vector<16xi32>], vector<16xf32>,
        %parallel_loop3A_485 = arith.constant 6.400000e+01 : f32
        %parallel_loop3A_486 = vector.broadcast %parallel_loop3A_485 : f32 to vector<16xf32>
        %parallel_loop3A_487 = arith.addf %convert_element_type3A, %parallel_loop3A_486 : vector<16xf32>
        %parallel_loop3A_488 = arith.constant 0.00787401571 : f32
        %parallel_loop3A_489 = vector.broadcast %parallel_loop3A_488 : f32 to vector<16xf32>
        %parallel_loop3A_490 = arith.mulf %parallel_loop3A_487, %parallel_loop3A_489 : vector<16xf32>
        %parallel_loop3A_491 = arith.mulf %parallel_loop3A_490, %parallel_loop3A_120 : vector<16xf32>
        %parallel_loop3A_492 = arith.subf %parallel_loop3A_482, %parallel_loop3A_480 : vector<16xf32>
        %parallel_loop3A_493 = arith.constant 9.99999974E-6 : f32
        %parallel_loop3A_494 = vector.broadcast %parallel_loop3A_493 : f32 to vector<16xf32>
        %parallel_loop3A_495 = arith.mulf %parallel_loop3A_494, %parallel_loop3A_120 : vector<16xf32>
        %parallel_loop3A_496 = arith.cmpf olt, %parallel_loop3A_492, %parallel_loop3A_495 : vector<16xf32>
        %parallel_loop3A_497 = arith.select %parallel_loop3A_496, %parallel_loop3A_120, %parallel_loop3A_492 : vector<16xi1>, vector<16xf32>
        %parallel_loop3A_498 = arith.subf %parallel_loop3A_491, %parallel_loop3A_480 : vector<16xf32>
        %parallel_loop3A_499 = arith.divf %parallel_loop3A_498, %parallel_loop3A_497 : vector<16xf32>
        %parallel_loop3A_500 = arith.subf %parallel_loop3A_484, %parallel_loop3A_483 : vector<16xf32>
        %parallel_loop3A_501 = arith.mulf %parallel_loop3A_499, %parallel_loop3A_500 : vector<16xf32>
        %parallel_loop3A_502 = arith.addf %parallel_loop3A_483, %parallel_loop3A_501 : vector<16xf32>
        %parallel_loop3A_503 = arith.index_cast %parallel_loop3A_58 : i32 to index
        %parallel_loop3A_504 = arith.constant 64 : index
        %parallel_loop3A_505 = tpu.vector_load %arg5[%parallel_loop3A_503, %parallel_loop3A_504] {strides = array<i32>} : memref<128x128xf32, #tpu.memory_space<vmem>>, vector<16xf32>,
        tpu.vector_store %arg5[%parallel_loop3A_503, %parallel_loop3A_504], %parallel_loop3A_502 {strides = array<i32>} : memref<128x128xf32, #tpu.memory_space<vmem>>, vector<16xf32>,
        %parallel_loop3A_506 = arith.constant true
        %parallel_loop3A_507 = vector.broadcast %parallel_loop3A_506 : i1 to vector<16xi1>
        %parallel_loop3A_508 = tpu.scan <sum>, %parallel_loop3A_262 masked %parallel_loop3A_507 : vector<16xf32>, vector<16xi1> -> vector<16xf32>
        %parallel_loop3A_509 = vector.broadcast %parallel_loop3A_294 : f32 to vector<16xf32>
        %parallel_loop3A_510 = arith.addf %parallel_loop3A_508, %parallel_loop3A_509 : vector<16xf32>
        %parallel_loop3A_511 = arith.constant 1.000000e+00 : f32
        %parallel_loop3A_512 = vector.broadcast %parallel_loop3A_511 : f32 to vector<16xf32>
        %parallel_loop3A_513 = arith.subf %parallel_loop3A_510, %parallel_loop3A_512 : vector<16xf32>
        %parallel_loop3A_514 = arith.constant 6.200000e+01 : f32
        %parallel_loop3A_515 = vector.broadcast %parallel_loop3A_514 : f32 to vector<16xf32>
        %parallel_loop3A_516 = arith.minimumf %parallel_loop3A_510, %parallel_loop3A_515 : vector<16xf32>
        %parallel_loop3A_517 = arith.fptosi %parallel_loop3A_513 : vector<16xf32> to vector<16xi32>
        %parallel_loop3A_518 = arith.fptosi %parallel_loop3A_516 : vector<16xf32> to vector<16xi32>
        %parallel_loop3A_519 = arith.addi %parallel_loop3A_517, %parallel_loop3A_63 : vector<16xi32>
        %parallel_loop3A_520 = tpu.vector_load_idx %arg6[%parallel_loop3A_519] : memref<8192xf32, #tpu.memory_space<vmem>>[vector<16xi32>], vector<16xf32>,
        %parallel_loop3A_521 = arith.addi %parallel_loop3A_518, %parallel_loop3A_63 : vector<16xi32>
        %parallel_loop3A_522 = tpu.vector_load_idx %arg6[%parallel_loop3A_521] : memref<8192xf32, #tpu.memory_space<vmem>>[vector<16xi32>], vector<16xf32>,
        %parallel_loop3A_523 = tpu.vector_load_idx %arg8[%parallel_loop3A_517] : memref<64xf32, #tpu.memory_space<vmem>>[vector<16xi32>], vector<16xf32>,
        %parallel_loop3A_524 = tpu.vector_load_idx %arg8[%parallel_loop3A_518] : memref<64xf32, #tpu.memory_space<vmem>>[vector<16xi32>], vector<16xf32>,
        %parallel_loop3A_525 = arith.constant 8.000000e+01 : f32
        %parallel_loop3A_526 = vector.broadcast %parallel_loop3A_525 : f32 to vector<16xf32>
        %parallel_loop3A_527 = arith.addf %convert_element_type3A, %parallel_loop3A_526 : vector<16xf32>
        %parallel_loop3A_528 = arith.constant 0.00787401571 : f32
        %parallel_loop3A_529 = vector.broadcast %parallel_loop3A_528 : f32 to vector<16xf32>
        %parallel_loop3A_530 = arith.mulf %parallel_loop3A_527, %parallel_loop3A_529 : vector<16xf32>
        %parallel_loop3A_531 = arith.mulf %parallel_loop3A_530, %parallel_loop3A_120 : vector<16xf32>
        %parallel_loop3A_532 = arith.subf %parallel_loop3A_522, %parallel_loop3A_520 : vector<16xf32>
        %parallel_loop3A_533 = arith.constant 9.99999974E-6 : f32
        %parallel_loop3A_534 = vector.broadcast %parallel_loop3A_533 : f32 to vector<16xf32>
        %parallel_loop3A_535 = arith.mulf %parallel_loop3A_534, %parallel_loop3A_120 : vector<16xf32>
        %parallel_loop3A_536 = arith.cmpf olt, %parallel_loop3A_532, %parallel_loop3A_535 : vector<16xf32>
        %parallel_loop3A_537 = arith.select %parallel_loop3A_536, %parallel_loop3A_120, %parallel_loop3A_532 : vector<16xi1>, vector<16xf32>
        %parallel_loop3A_538 = arith.subf %parallel_loop3A_531, %parallel_loop3A_520 : vector<16xf32>
        %parallel_loop3A_539 = arith.divf %parallel_loop3A_538, %parallel_loop3A_537 : vector<16xf32>
        %parallel_loop3A_540 = arith.subf %parallel_loop3A_524, %parallel_loop3A_523 : vector<16xf32>
        %parallel_loop3A_541 = arith.mulf %parallel_loop3A_539, %parallel_loop3A_540 : vector<16xf32>
        %parallel_loop3A_542 = arith.addf %parallel_loop3A_523, %parallel_loop3A_541 : vector<16xf32>
        %parallel_loop3A_543 = arith.index_cast %parallel_loop3A_58 : i32 to index
        %parallel_loop3A_544 = arith.constant 80 : index
        %parallel_loop3A_545 = tpu.vector_load %arg5[%parallel_loop3A_543, %parallel_loop3A_544] {strides = array<i32>} : memref<128x128xf32, #tpu.memory_space<vmem>>, vector<16xf32>,
        tpu.vector_store %arg5[%parallel_loop3A_543, %parallel_loop3A_544], %parallel_loop3A_542 {strides = array<i32>} : memref<128x128xf32, #tpu.memory_space<vmem>>, vector<16xf32>,
        %parallel_loop3A_546 = arith.constant true
        %parallel_loop3A_547 = vector.broadcast %parallel_loop3A_546 : i1 to vector<16xi1>
        %parallel_loop3A_548 = tpu.scan <sum>, %parallel_loop3A_266 masked %parallel_loop3A_547 : vector<16xf32>, vector<16xi1> -> vector<16xf32>
        %parallel_loop3A_549 = vector.broadcast %parallel_loop3A_299 : f32 to vector<16xf32>
        %parallel_loop3A_550 = arith.addf %parallel_loop3A_548, %parallel_loop3A_549 : vector<16xf32>
        %parallel_loop3A_551 = arith.constant 1.000000e+00 : f32
        %parallel_loop3A_552 = vector.broadcast %parallel_loop3A_551 : f32 to vector<16xf32>
        %parallel_loop3A_553 = arith.subf %parallel_loop3A_550, %parallel_loop3A_552 : vector<16xf32>
        %parallel_loop3A_554 = arith.constant 6.200000e+01 : f32
        %parallel_loop3A_555 = vector.broadcast %parallel_loop3A_554 : f32 to vector<16xf32>
        %parallel_loop3A_556 = arith.minimumf %parallel_loop3A_550, %parallel_loop3A_555 : vector<16xf32>
        %parallel_loop3A_557 = arith.fptosi %parallel_loop3A_553 : vector<16xf32> to vector<16xi32>
        %parallel_loop3A_558 = arith.fptosi %parallel_loop3A_556 : vector<16xf32> to vector<16xi32>
        %parallel_loop3A_559 = arith.addi %parallel_loop3A_557, %parallel_loop3A_63 : vector<16xi32>
        %parallel_loop3A_560 = tpu.vector_load_idx %arg6[%parallel_loop3A_559] : memref<8192xf32, #tpu.memory_space<vmem>>[vector<16xi32>], vector<16xf32>,
        %parallel_loop3A_561 = arith.addi %parallel_loop3A_558, %parallel_loop3A_63 : vector<16xi32>
        %parallel_loop3A_562 = tpu.vector_load_idx %arg6[%parallel_loop3A_561] : memref<8192xf32, #tpu.memory_space<vmem>>[vector<16xi32>], vector<16xf32>,
        %parallel_loop3A_563 = tpu.vector_load_idx %arg8[%parallel_loop3A_557] : memref<64xf32, #tpu.memory_space<vmem>>[vector<16xi32>], vector<16xf32>,
        %parallel_loop3A_564 = tpu.vector_load_idx %arg8[%parallel_loop3A_558] : memref<64xf32, #tpu.memory_space<vmem>>[vector<16xi32>], vector<16xf32>,
        %parallel_loop3A_565 = arith.constant 9.600000e+01 : f32
        %parallel_loop3A_566 = vector.broadcast %parallel_loop3A_565 : f32 to vector<16xf32>
        %parallel_loop3A_567 = arith.addf %convert_element_type3A, %parallel_loop3A_566 : vector<16xf32>
        %parallel_loop3A_568 = arith.constant 0.00787401571 : f32
        %parallel_loop3A_569 = vector.broadcast %parallel_loop3A_568 : f32 to vector<16xf32>
        %parallel_loop3A_570 = arith.mulf %parallel_loop3A_567, %parallel_loop3A_569 : vector<16xf32>
        %parallel_loop3A_571 = arith.mulf %parallel_loop3A_570, %parallel_loop3A_120 : vector<16xf32>
        %parallel_loop3A_572 = arith.subf %parallel_loop3A_562, %parallel_loop3A_560 : vector<16xf32>
        %parallel_loop3A_573 = arith.constant 9.99999974E-6 : f32
        %parallel_loop3A_574 = vector.broadcast %parallel_loop3A_573 : f32 to vector<16xf32>
        %parallel_loop3A_575 = arith.mulf %parallel_loop3A_574, %parallel_loop3A_120 : vector<16xf32>
        %parallel_loop3A_576 = arith.cmpf olt, %parallel_loop3A_572, %parallel_loop3A_575 : vector<16xf32>
        %parallel_loop3A_577 = arith.select %parallel_loop3A_576, %parallel_loop3A_120, %parallel_loop3A_572 : vector<16xi1>, vector<16xf32>
        %parallel_loop3A_578 = arith.subf %parallel_loop3A_571, %parallel_loop3A_560 : vector<16xf32>
        %parallel_loop3A_579 = arith.divf %parallel_loop3A_578, %parallel_loop3A_577 : vector<16xf32>
        %parallel_loop3A_580 = arith.subf %parallel_loop3A_564, %parallel_loop3A_563 : vector<16xf32>
        %parallel_loop3A_581 = arith.mulf %parallel_loop3A_579, %parallel_loop3A_580 : vector<16xf32>
        %parallel_loop3A_582 = arith.addf %parallel_loop3A_563, %parallel_loop3A_581 : vector<16xf32>
        %parallel_loop3A_583 = arith.index_cast %parallel_loop3A_58 : i32 to index
        %parallel_loop3A_584 = arith.constant 96 : index
        %parallel_loop3A_585 = tpu.vector_load %arg5[%parallel_loop3A_583, %parallel_loop3A_584] {strides = array<i32>} : memref<128x128xf32, #tpu.memory_space<vmem>>, vector<16xf32>,
        tpu.vector_store %arg5[%parallel_loop3A_583, %parallel_loop3A_584], %parallel_loop3A_582 {strides = array<i32>} : memref<128x128xf32, #tpu.memory_space<vmem>>, vector<16xf32>,
        %parallel_loop3A_586 = arith.constant true
        %parallel_loop3A_587 = vector.broadcast %parallel_loop3A_586 : i1 to vector<16xi1>
        %parallel_loop3A_588 = tpu.scan <sum>, %parallel_loop3A_270 masked %parallel_loop3A_587 : vector<16xf32>, vector<16xi1> -> vector<16xf32>
        %parallel_loop3A_589 = vector.broadcast %parallel_loop3A_304 : f32 to vector<16xf32>
        %parallel_loop3A_590 = arith.addf %parallel_loop3A_588, %parallel_loop3A_589 : vector<16xf32>
        %parallel_loop3A_591 = arith.constant 1.000000e+00 : f32
        %parallel_loop3A_592 = vector.broadcast %parallel_loop3A_591 : f32 to vector<16xf32>
        %parallel_loop3A_593 = arith.subf %parallel_loop3A_590, %parallel_loop3A_592 : vector<16xf32>
        %parallel_loop3A_594 = arith.constant 6.200000e+01 : f32
        %parallel_loop3A_595 = vector.broadcast %parallel_loop3A_594 : f32 to vector<16xf32>
        %parallel_loop3A_596 = arith.minimumf %parallel_loop3A_590, %parallel_loop3A_595 : vector<16xf32>
        %parallel_loop3A_597 = arith.fptosi %parallel_loop3A_593 : vector<16xf32> to vector<16xi32>
        %parallel_loop3A_598 = arith.fptosi %parallel_loop3A_596 : vector<16xf32> to vector<16xi32>
        %parallel_loop3A_599 = arith.addi %parallel_loop3A_597, %parallel_loop3A_63 : vector<16xi32>
        %parallel_loop3A_600 = tpu.vector_load_idx %arg6[%parallel_loop3A_599] : memref<8192xf32, #tpu.memory_space<vmem>>[vector<16xi32>], vector<16xf32>,
        %parallel_loop3A_601 = arith.addi %parallel_loop3A_598, %parallel_loop3A_63 : vector<16xi32>
        %parallel_loop3A_602 = tpu.vector_load_idx %arg6[%parallel_loop3A_601] : memref<8192xf32, #tpu.memory_space<vmem>>[vector<16xi32>], vector<16xf32>,
        %parallel_loop3A_603 = tpu.vector_load_idx %arg8[%parallel_loop3A_597] : memref<64xf32, #tpu.memory_space<vmem>>[vector<16xi32>], vector<16xf32>,
        %parallel_loop3A_604 = tpu.vector_load_idx %arg8[%parallel_loop3A_598] : memref<64xf32, #tpu.memory_space<vmem>>[vector<16xi32>], vector<16xf32>,
        %parallel_loop3A_605 = arith.constant 1.120000e+02 : f32
        %parallel_loop3A_606 = vector.broadcast %parallel_loop3A_605 : f32 to vector<16xf32>
        %parallel_loop3A_607 = arith.addf %convert_element_type3A, %parallel_loop3A_606 : vector<16xf32>
        %parallel_loop3A_608 = arith.constant 0.00787401571 : f32
        %parallel_loop3A_609 = vector.broadcast %parallel_loop3A_608 : f32 to vector<16xf32>
        %parallel_loop3A_610 = arith.mulf %parallel_loop3A_607, %parallel_loop3A_609 : vector<16xf32>
        %parallel_loop3A_611 = arith.mulf %parallel_loop3A_610, %parallel_loop3A_120 : vector<16xf32>
        %parallel_loop3A_612 = arith.subf %parallel_loop3A_602, %parallel_loop3A_600 : vector<16xf32>
        %parallel_loop3A_613 = arith.constant 9.99999974E-6 : f32
        %parallel_loop3A_614 = vector.broadcast %parallel_loop3A_613 : f32 to vector<16xf32>
        %parallel_loop3A_615 = arith.mulf %parallel_loop3A_614, %parallel_loop3A_120 : vector<16xf32>
        %parallel_loop3A_616 = arith.cmpf olt, %parallel_loop3A_612, %parallel_loop3A_615 : vector<16xf32>
        %parallel_loop3A_617 = arith.select %parallel_loop3A_616, %parallel_loop3A_120, %parallel_loop3A_612 : vector<16xi1>, vector<16xf32>
        %parallel_loop3A_618 = arith.subf %parallel_loop3A_611, %parallel_loop3A_600 : vector<16xf32>
        %parallel_loop3A_619 = arith.divf %parallel_loop3A_618, %parallel_loop3A_617 : vector<16xf32>
        %parallel_loop3A_620 = arith.subf %parallel_loop3A_604, %parallel_loop3A_603 : vector<16xf32>
        %parallel_loop3A_621 = arith.mulf %parallel_loop3A_619, %parallel_loop3A_620 : vector<16xf32>
        %parallel_loop3A_622 = arith.addf %parallel_loop3A_603, %parallel_loop3A_621 : vector<16xf32>
        %parallel_loop3A_623 = arith.index_cast %parallel_loop3A_58 : i32 to index
        %parallel_loop3A_624 = arith.constant 112 : index
        %parallel_loop3A_625 = tpu.vector_load %arg5[%parallel_loop3A_623, %parallel_loop3A_624] {strides = array<i32>} : memref<128x128xf32, #tpu.memory_space<vmem>>, vector<16xf32>,
        tpu.vector_store %arg5[%parallel_loop3A_623, %parallel_loop3A_624], %parallel_loop3A_622 {strides = array<i32>} : memref<128x128xf32, #tpu.memory_space<vmem>>, vector<16xf32>,
      } {sc.loop_unroll_factor = 2 : i64, sc.parallel_access}
      "tpu.region"() ({
        %run_scoped3A = tpu.sem_alloc : memref<!tpu.dma_semaphore, #tpu.memory_space<semaphore_mem>>
        %dma_start3A = arith.constant 0 : i32
        %dma_start3A_58 = tpu.memref_slice %arg3[%add3A_55, %dma_start3A] : memref<65536x128xf32, #tpu.memory_space<hbm>> -> memref<128x128xf32, #tpu.memory_space<hbm>>
        %dma_start3A_59 = arith.constant 0 : i32
        %dma_start3A_60 = tpu.memref_slice %arg3[%add3A_55, %dma_start3A_59] : memref<65536x128xf32, #tpu.memory_space<hbm>> -> memref<128x128xf32, #tpu.memory_space<hbm>>
        tpu.enqueue_dma source(%arg5 : memref<128x128xf32, #tpu.memory_space<vmem>>) target(%dma_start3A_60 : memref<128x128xf32, #tpu.memory_space<hbm>>) target_semaphore(%run_scoped3A : memref<!tpu.dma_semaphore, #tpu.memory_space<semaphore_mem>>)
        %dma_wait3A = arith.constant 0 : i32
        %dma_wait3A_61 = tpu.memref_slice %arg3[%add3A_55, %dma_wait3A] : memref<65536x128xf32, #tpu.memory_space<hbm>> -> memref<128x128xf32, #tpu.memory_space<hbm>>
        %dma_wait3A_62 = arith.constant 0 : i32
        %dma_wait3A_63 = tpu.memref_slice %arg3[%add3A_55, %dma_wait3A_62] : memref<65536x128xf32, #tpu.memory_space<hbm>> -> memref<128x128xf32, #tpu.memory_space<hbm>>
        tpu.wait_dma2 semaphore(%run_scoped3A : memref<!tpu.dma_semaphore, #tpu.memory_space<semaphore_mem>>) src(%arg5 : memref<128x128xf32, #tpu.memory_space<vmem>>) dst(%dma_wait3A_63 : memref<128x128xf32, #tpu.memory_space<hbm>>)
        tpu.yield
      }) : () -> ()
    }
    %scan3A_51 = arith.constant 16 : i32
    return
  }
}

module attributes {stable_mosaic.version = 14 : i64} {
  func.func @_vol_kernel(%arg0: i32, %arg1: memref<512x64xf32, #tpu.memory_space<vmem>>, %arg2: memref<3x512x64xf32, #tpu.memory_space<vmem>>, %arg3: memref<512x69xf32, #tpu.memory_space<vmem>>) attributes {dimension_semantics = [#tpu.dimension_semantics<parallel>], iteration_bounds = array<i64: 128>, scalar_prefetch = 0 : i64, scratch_operands = 0 : i64, tpu.core_type = #tpu.core_type<tc>, window_params = [{transform_indices = @transform_0, window_bounds = array<i64: 512, 64>}, {transform_indices = @transform_1, window_bounds = array<i64: 3, 512, 64>}, {transform_indices = @transform_2, window_bounds = array<i64: 512, 69>}]} {
    %get3A = arith.constant 0 : index
    %get3A_0 = arith.constant 0 : index
    %get3A_1 = vector.load %arg1[%get3A, %get3A_0] : memref<512x64xf32, #tpu.memory_space<vmem>>, vector<512x64xf32>
    %iota3A = tpu.iota {dimensions = array<i32: 1>} : vector<1x64xi32>
    %convert_element_type3A = arith.sitofp %iota3A : vector<1x64xi32> to vector<1x64xf32>
    %sub3A = arith.constant 9.450000e+01 : f32
    %sub3A_2 = vector.broadcast %sub3A : f32 to vector<1x64xf32>
    %sub3A_3 = arith.subf %sub3A_2, %convert_element_type3A : vector<1x64xf32>
    %div3A = arith.constant 1.890000e+02 : f32
    %div3A_4 = vector.broadcast %div3A : f32 to vector<1x64xf32>
    %div3A_5 = arith.divf %div3A_4, %sub3A_3 : vector<1x64xf32>
    %ge3A = arith.constant 6.300000e+01 : f32
    %ge3A_6 = vector.broadcast %ge3A : f32 to vector<1x64xf32>
    %ge3A_7 = arith.cmpf oge, %convert_element_type3A, %ge3A_6 : vector<1x64xf32>
    %add3A = arith.constant 1.000000e+00 : f32
    %add3A_8 = vector.broadcast %add3A : f32 to vector<1x64xf32>
    %add3A_9 = arith.addf %convert_element_type3A, %add3A_8 : vector<1x64xf32>
    %sub3A_10 = arith.constant 9.450000e+01 : f32
    %sub3A_11 = vector.broadcast %sub3A_10 : f32 to vector<1x64xf32>
    %sub3A_12 = arith.subf %sub3A_11, %add3A_9 : vector<1x64xf32>
    %div3A_13 = arith.constant 1.890000e+02 : f32
    %div3A_14 = vector.broadcast %div3A_13 : f32 to vector<1x64xf32>
    %div3A_15 = arith.divf %div3A_14, %sub3A_12 : vector<1x64xf32>
    %sub3A_16 = arith.subf %div3A_15, %div3A_5 : vector<1x64xf32>
    %jit3A = arith.constant 1.000000e+10 : f32
    %broadcast_in_dim3A = vector.broadcast %jit3A : f32 to vector<1x64xf32>
    %select_n3A = arith.select %ge3A_7, %broadcast_in_dim3A, %sub3A_16 : vector<1x64xi1>, vector<1x64xf32>
    %max3A = arith.constant 0.000000e+00 : f32
    %max3A_17 = vector.broadcast %max3A : f32 to vector<512x64xf32>
    %max3A_18 = arith.maximumf %get3A_1, %max3A_17 : vector<512x64xf32>
    %neg3A = arith.constant 0.000000e+00 : f32
    %neg3A_19 = vector.broadcast %neg3A : f32 to vector<512x64xf32>
    %neg3A_20 = arith.subf %neg3A_19, %max3A_18 : vector<512x64xf32>
    %mul3A = vector.broadcast %select_n3A : vector<1x64xf32> to vector<512x64xf32>
    %mul3A_21 = arith.mulf %neg3A_20, %mul3A : vector<512x64xf32>
    %exp3A = math.exp %mul3A_21 : vector<512x64xf32>
    %sub3A_22 = arith.constant 1.000000e+00 : f32
    %sub3A_23 = vector.broadcast %sub3A_22 : f32 to vector<512x64xf32>
    %sub3A_24 = arith.subf %sub3A_23, %exp3A : vector<512x64xf32>
    %sub3A_25 = arith.constant 1.000000e+00 : f32
    %sub3A_26 = vector.broadcast %sub3A_25 : f32 to vector<512x64xf32>
    %sub3A_27 = arith.subf %sub3A_26, %sub3A_24 : vector<512x64xf32>
    %add3A_28 = arith.constant 1.000000e-10 : f32
    %add3A_29 = vector.broadcast %add3A_28 : f32 to vector<512x64xf32>
    %add3A_30 = arith.addf %sub3A_27, %add3A_29 : vector<512x64xf32>
    %broadcast_in_dim3A_31 = arith.constant 1.000000e+00 : f32
    %broadcast_in_dim3A_32 = vector.broadcast %broadcast_in_dim3A_31 : f32 to vector<512x1xf32>
    %slice3A = vector.extract_strided_slice %add3A_30 {offsets = [0, 0], sizes = [512, 63], strides = [1, 1]} : vector<512x64xf32> to vector<512x63xf32>
    %concatenate3A = tpu.concatenate %broadcast_in_dim3A_32, %slice3A in 1 : vector<512x1xf32>, vector<512x63xf32> -> vector<512x64xf32>
    %mul3A_33 = arith.mulf %add3A_30, %concatenate3A : vector<512x64xf32>
    %broadcast_in_dim3A_34 = arith.constant 1.000000e+00 : f32
    %broadcast_in_dim3A_35 = vector.broadcast %broadcast_in_dim3A_34 : f32 to vector<512x2xf32>
    %slice3A_36 = vector.extract_strided_slice %mul3A_33 {offsets = [0, 0], sizes = [512, 62], strides = [1, 1]} : vector<512x64xf32> to vector<512x62xf32>
    %concatenate3A_37 = tpu.concatenate %broadcast_in_dim3A_35, %slice3A_36 in 1 : vector<512x2xf32>, vector<512x62xf32> -> vector<512x64xf32>
    %mul3A_38 = arith.mulf %mul3A_33, %concatenate3A_37 : vector<512x64xf32>
    %broadcast_in_dim3A_39 = arith.constant 1.000000e+00 : f32
    %broadcast_in_dim3A_40 = vector.broadcast %broadcast_in_dim3A_39 : f32 to vector<512x4xf32>
    %slice3A_41 = vector.extract_strided_slice %mul3A_38 {offsets = [0, 0], sizes = [512, 60], strides = [1, 1]} : vector<512x64xf32> to vector<512x60xf32>
    %concatenate3A_42 = tpu.concatenate %broadcast_in_dim3A_40, %slice3A_41 in 1 : vector<512x4xf32>, vector<512x60xf32> -> vector<512x64xf32>
    %mul3A_43 = arith.mulf %mul3A_38, %concatenate3A_42 : vector<512x64xf32>
    %broadcast_in_dim3A_44 = arith.constant 1.000000e+00 : f32
    %broadcast_in_dim3A_45 = vector.broadcast %broadcast_in_dim3A_44 : f32 to vector<512x8xf32>
    %slice3A_46 = vector.extract_strided_slice %mul3A_43 {offsets = [0, 0], sizes = [512, 56], strides = [1, 1]} : vector<512x64xf32> to vector<512x56xf32>
    %concatenate3A_47 = tpu.concatenate %broadcast_in_dim3A_45, %slice3A_46 in 1 : vector<512x8xf32>, vector<512x56xf32> -> vector<512x64xf32>
    %mul3A_48 = arith.mulf %mul3A_43, %concatenate3A_47 : vector<512x64xf32>
    %broadcast_in_dim3A_49 = arith.constant 1.000000e+00 : f32
    %broadcast_in_dim3A_50 = vector.broadcast %broadcast_in_dim3A_49 : f32 to vector<512x16xf32>
    %slice3A_51 = vector.extract_strided_slice %mul3A_48 {offsets = [0, 0], sizes = [512, 48], strides = [1, 1]} : vector<512x64xf32> to vector<512x48xf32>
    %concatenate3A_52 = tpu.concatenate %broadcast_in_dim3A_50, %slice3A_51 in 1 : vector<512x16xf32>, vector<512x48xf32> -> vector<512x64xf32>
    %mul3A_53 = arith.mulf %mul3A_48, %concatenate3A_52 : vector<512x64xf32>
    %broadcast_in_dim3A_54 = arith.constant 1.000000e+00 : f32
    %broadcast_in_dim3A_55 = vector.broadcast %broadcast_in_dim3A_54 : f32 to vector<512x32xf32>
    %slice3A_56 = vector.extract_strided_slice %mul3A_53 {offsets = [0, 0], sizes = [512, 32], strides = [1, 1]} : vector<512x64xf32> to vector<512x32xf32>
    %concatenate3A_57 = tpu.concatenate %broadcast_in_dim3A_55, %slice3A_56 in 1 : vector<512x32xf32>, vector<512x32xf32> -> vector<512x64xf32>
    %mul3A_58 = arith.mulf %mul3A_53, %concatenate3A_57 : vector<512x64xf32>
    %broadcast_in_dim3A_59 = arith.constant 1.000000e+00 : f32
    %broadcast_in_dim3A_60 = vector.broadcast %broadcast_in_dim3A_59 : f32 to vector<512x1xf32>
    %slice3A_61 = vector.extract_strided_slice %mul3A_58 {offsets = [0, 0], sizes = [512, 63], strides = [1, 1]} : vector<512x64xf32> to vector<512x63xf32>
    %concatenate3A_62 = tpu.concatenate %broadcast_in_dim3A_60, %slice3A_61 in 1 : vector<512x1xf32>, vector<512x63xf32> -> vector<512x64xf32>
    %mul3A_63 = arith.mulf %sub3A_24, %concatenate3A_62 : vector<512x64xf32>
    %get3A_64 = arith.constant 0 : index
    %get3A_65 = arith.constant 0 : index
    %get3A_66 = arith.constant 0 : index
    %get3A_67 = vector.load %arg2[%get3A_64, %get3A_65, %get3A_66] : memref<3x512x64xf32, #tpu.memory_space<vmem>>, vector<1x512x64xf32>
    %get3A_68 = vector.shape_cast %get3A_67 : vector<1x512x64xf32> to vector<512x64xf32>
    %mul3A_69 = arith.mulf %mul3A_63, %get3A_68 : vector<512x64xf32>
    %reduce_sum3A = arith.constant dense<0.000000e+00> : vector<512xf32>
    %reduce_sum3A_70 = vector.multi_reduction <add>, %mul3A_69, %reduce_sum3A [1] : vector<512x64xf32> to vector<512xf32>
    %broadcast_in_dim3A_71 = vector.shape_cast %reduce_sum3A_70 : vector<512xf32> to vector<512x1xf32>
    %get3A_72 = arith.constant 1 : index
    %get3A_73 = arith.constant 0 : index
    %get3A_74 = arith.constant 0 : index
    %get3A_75 = vector.load %arg2[%get3A_72, %get3A_73, %get3A_74] : memref<3x512x64xf32, #tpu.memory_space<vmem>>, vector<1x512x64xf32>
    %get3A_76 = vector.shape_cast %get3A_75 : vector<1x512x64xf32> to vector<512x64xf32>
    %mul3A_77 = arith.mulf %mul3A_63, %get3A_76 : vector<512x64xf32>
    %reduce_sum3A_78 = arith.constant dense<0.000000e+00> : vector<512xf32>
    %reduce_sum3A_79 = vector.multi_reduction <add>, %mul3A_77, %reduce_sum3A_78 [1] : vector<512x64xf32> to vector<512xf32>
    %broadcast_in_dim3A_80 = vector.shape_cast %reduce_sum3A_79 : vector<512xf32> to vector<512x1xf32>
    %get3A_81 = arith.constant 2 : index
    %get3A_82 = arith.constant 0 : index
    %get3A_83 = arith.constant 0 : index
    %get3A_84 = vector.load %arg2[%get3A_81, %get3A_82, %get3A_83] : memref<3x512x64xf32, #tpu.memory_space<vmem>>, vector<1x512x64xf32>
    %get3A_85 = vector.shape_cast %get3A_84 : vector<1x512x64xf32> to vector<512x64xf32>
    %mul3A_86 = arith.mulf %mul3A_63, %get3A_85 : vector<512x64xf32>
    %reduce_sum3A_87 = arith.constant dense<0.000000e+00> : vector<512xf32>
    %reduce_sum3A_88 = vector.multi_reduction <add>, %mul3A_86, %reduce_sum3A_87 [1] : vector<512x64xf32> to vector<512xf32>
    %broadcast_in_dim3A_89 = vector.shape_cast %reduce_sum3A_88 : vector<512xf32> to vector<512x1xf32>
    %mul3A_90 = vector.broadcast %div3A_5 : vector<1x64xf32> to vector<512x64xf32>
    %mul3A_91 = arith.mulf %mul3A_63, %mul3A_90 : vector<512x64xf32>
    %reduce_sum3A_92 = arith.constant dense<0.000000e+00> : vector<512xf32>
    %reduce_sum3A_93 = vector.multi_reduction <add>, %mul3A_91, %reduce_sum3A_92 [1] : vector<512x64xf32> to vector<512xf32>
    %broadcast_in_dim3A_94 = vector.shape_cast %reduce_sum3A_93 : vector<512xf32> to vector<512x1xf32>
    %reduce_sum3A_95 = arith.constant dense<0.000000e+00> : vector<512xf32>
    %reduce_sum3A_96 = vector.multi_reduction <add>, %mul3A_63, %reduce_sum3A_95 [1] : vector<512x64xf32> to vector<512xf32>
    %broadcast_in_dim3A_97 = vector.shape_cast %reduce_sum3A_96 : vector<512xf32> to vector<512x1xf32>
    %swap3A = arith.constant 0 : index
    %swap3A_98 = arith.constant 0 : index
    %swap3A_99 = vector.load %arg3[%swap3A, %swap3A_98] : memref<512x69xf32, #tpu.memory_space<vmem>>, vector<512x1xf32>
    tpu.vector_store %arg3[%swap3A, %swap3A_98], %broadcast_in_dim3A_71 {strides = array<i32>} : memref<512x69xf32, #tpu.memory_space<vmem>>, vector<512x1xf32>,
    %swap3A_100 = arith.constant 0 : index
    %swap3A_101 = arith.constant 1 : index
    %swap3A_102 = vector.load %arg3[%swap3A_100, %swap3A_101] : memref<512x69xf32, #tpu.memory_space<vmem>>, vector<512x1xf32>
    tpu.vector_store %arg3[%swap3A_100, %swap3A_101], %broadcast_in_dim3A_80 {strides = array<i32>} : memref<512x69xf32, #tpu.memory_space<vmem>>, vector<512x1xf32>,
    %swap3A_103 = arith.constant 0 : index
    %swap3A_104 = arith.constant 2 : index
    %swap3A_105 = vector.load %arg3[%swap3A_103, %swap3A_104] : memref<512x69xf32, #tpu.memory_space<vmem>>, vector<512x1xf32>
    tpu.vector_store %arg3[%swap3A_103, %swap3A_104], %broadcast_in_dim3A_89 {strides = array<i32>} : memref<512x69xf32, #tpu.memory_space<vmem>>, vector<512x1xf32>,
    %swap3A_106 = arith.constant 0 : index
    %swap3A_107 = arith.constant 3 : index
    %swap3A_108 = vector.load %arg3[%swap3A_106, %swap3A_107] : memref<512x69xf32, #tpu.memory_space<vmem>>, vector<512x1xf32>
    tpu.vector_store %arg3[%swap3A_106, %swap3A_107], %broadcast_in_dim3A_94 {strides = array<i32>} : memref<512x69xf32, #tpu.memory_space<vmem>>, vector<512x1xf32>,
    %swap3A_109 = arith.constant 0 : index
    %swap3A_110 = arith.constant 4 : index
    %swap3A_111 = vector.load %arg3[%swap3A_109, %swap3A_110] : memref<512x69xf32, #tpu.memory_space<vmem>>, vector<512x1xf32>
    tpu.vector_store %arg3[%swap3A_109, %swap3A_110], %broadcast_in_dim3A_97 {strides = array<i32>} : memref<512x69xf32, #tpu.memory_space<vmem>>, vector<512x1xf32>,
    %swap3A_112 = arith.constant 0 : index
    %swap3A_113 = arith.constant 5 : index
    %swap3A_114 = vector.load %arg3[%swap3A_112, %swap3A_113] : memref<512x69xf32, #tpu.memory_space<vmem>>, vector<512x64xf32>
    tpu.vector_store %arg3[%swap3A_112, %swap3A_113], %mul3A_63 {strides = array<i32>} : memref<512x69xf32, #tpu.memory_space<vmem>>, vector<512x64xf32>,
    return
  }
  func.func @transform_0(%arg0: i32) -> (i32, i32) {
    %c0_i32 = arith.constant 0 : i32
    %c0_i32_0 = arith.constant 0 : i32
    return %arg0, %c0_i32 : i32, i32
  }
  func.func @transform_1(%arg0: i32) -> (i32, i32, i32) {
    %c0_i32 = arith.constant 0 : i32
    %c0_i32_0 = arith.constant 0 : i32
    %c0_i32_1 = arith.constant 0 : i32
    return %c0_i32, %arg0, %c0_i32_0 : i32, i32, i32
  }
  func.func @transform_2(%arg0: i32) -> (i32, i32) {
    %c0_i32 = arith.constant 0 : i32
    %c0_i32_0 = arith.constant 0 : i32
    return %arg0, %c0_i32 : i32, i32
  }
}

</mosaic_0001>

<sc_bundles>
// kernel: kernel.4.cloned.1.call-start
scs
__scs_entry_jumppad:
0x0: {  	(pc) =	sbr.rel $0x88, $3  }
0x1: {  	(tag) =	ssettag $0x0;
	lr =	simm.s32 $0x1  }
0x2: {  	[smem:$0x3F9E] =	sst lr;
	_ =	strace $0xD0000000  }
0x3: {  	_ = 	snop  }
0x4: {  	_ = 	snop  }
0x5: {  	_ = 	snop  }
0x6: {  	_ = 	snop  }
0x7: {  	_ = 	snop  }
__scs_overlays_trampoline_lowered:
0x8: {  	[smem:$0x3FAD] =	sst s0  }
0x9: {  	[smem:$0x3FAE] =	sst s1  }
0xa: {  	[smem:$0x3FAF] =	sst s2  }
0xb: {  	[smem:$0x3FB0] =	sst s3  }
0xc: {  	[smem:$0x3FB1] =	sst s4  }
0xd: {  	[smem:$0x3FB2] =	sst s5  }
0xe: {  	[smem:$0x3FB3] =	sst s6  }
0xf: {  	[smem:$0x3FB4] =	sst s7  }
0x10: {  	[smem:$0x3FB5] =	sst s8  }
0x11: {  	[smem:$0x3FB6] =	sst s9;
	s0 =	simm.s32 @!p0 $0x0  }
0x12: {  	s1 =	sld [smem:$0x3F9C];
	s0 =	simm.s32 @p0 $0x1  }
0x13: {  	[smem:$0x3FB7] =	sst s0;
	s0 =	simm.s32 @!p1 $0x0  }
0x14: {  	s2 =	sld [smem:$0x3F9B];
	s0 =	simm.s32 @p1 $0x1  }
0x15: {  	[smem:$0x3FB8] =	sst s0;
	s0 =	simm.s32 @!p2 $0x0  }
0x16: {  	s3 =	sld [smem:$0x3FDB];
	s0 =	simm.s32 @p2 $0x1  }
0x17: {  	s4 =	simm.s32 $0x1BF5;
	[smem:$0x3FBA] =	sst s0  }
0x18: {  	s0 =	sld [smem:$0x3F9D];
	_ =	swait.ge [sflag:s4], $0x0  }
0x19: {  	s7 =	sld [smem:$0x3F9E]  }
0x1a: {  	s8 =	sadd.s32 $0xFFFFE003, lr  }
0x1b: {  	s9 =	sadd.s32 $0xFFFFFEF7, lr;
	s5 =	simm.s32 $0xFFFFFFFF;
	p2 =	slt.u32 s8, $0xFFFFF086  }
0x1c: {  	p1 =	slt.u32 s9, $0xF7A;
	s5 =	simm.s32 @!p2 $0x0  }
0x1d: {  	s5 =	simm.s32 @p1 $0x1;
	p0 =	seq.s32 s7, s2  }
0x1e: {  	s7 =	smul.u32 @!p0 $0xF7A, s2;
	p2 =	seq.s32 @!p0 s5, $0x0  }
0x1f: {  	s9 =	smul.u32 $0xF7A, s1;
	s8 =	simm.s32 @!p0 $0x1BF5;
	p2 =	por !p2, p0  }
0x20: {  	[sflag:s8] =	ssyncset.s32 @!p0 $0xFFFFF086;
	s6 =	sadd.s32 @!p0 s3, s7;
	s7 =	simm.s32 @!p0 $0x108  }
0x21: {  	s3 =	sadd.s32 s3, s9;
	s6 =	sadd.s32 @!p0 $0x88, s6;
	s7 =	simm.s32 @p2 $0x1082  }
0x22: {  	[simem:s7], [sflag:s8] =	dma.local @!p0 [hbm:s6], $0xF7A  }
0x23: {  	s9 =	sor.u32 $0xD0000000, s2;
	s6 =	simm.s32 $0x108;
	_ =	swait.ge @!p0 [sflag:s8], $0x0  }
0x24: {  	s3 =	sadd.s32 $0x88, s3;
	s6 =	simm.s32 @!p1 $0x1082;
	[sflag:s4] =	ssyncset.s32 $0xFFFFF086  }
0x25: {  	[simem:s6], [sflag:s4] =	dma.local [hbm:s3], $0xF7A  }
0x26: {  	[smem:$0x3F9E] =	sst s1;
	(tag) =	ssettag s2;
	_ =	strace s9  }
0x27: {  	s1 =	sld [smem:$0x3FAE]  }
0x28: {  	s2 =	sld [smem:$0x3FAF]  }
0x29: {  	s4 =	sld [smem:$0x3FB1]  }
0x2a: {  	p0 =	seq.s32 s5, $0x0;
	s5 =	sld [smem:$0x3FB2]  }
0x2b: {  	s6 =	sld [smem:$0x3FB3]  }
0x2c: {  	s7 =	sld [smem:$0x3FB4]  }
0x2d: {  	s3 =	simm.s32 $0x108;
	s8 =	sld [smem:$0x3FB5]  }
0x2e: {  	s3 =	simm.s32 @!p0 $0x1082;
	s9 =	sld [smem:$0x3FB6]  }
0x2f: {  	lr =	sadd.s32 s0, s3;
	s0 =	sld [smem:$0x3FAD]  }
0x30: {  	s3 =	sld [smem:$0x3FB0]  }
0x31: {  	[smem:$0x3FB9] =	sst s10  }
0x32: {  	s10 =	sld [smem:$0x3FB7];
	_ =	sdelay $0x3  }
0x33: {  	p0 =	seq.s32 s10, $0x1;
	s10 =	sld [smem:$0x3FB9];
	_ =	sdelay $0x3  }
0x34: {  	[smem:$0x3FB9] =	sst s10  }
0x35: {  	s10 =	sld [smem:$0x3FB8];
	_ =	sdelay $0x3  }
0x36: {  	p1 =	seq.s32 s10, $0x1;
	s10 =	sld [smem:$0x3FB9];
	_ =	sdelay $0x3  }
0x37: {  	[smem:$0x3FB9] =	sst s10  }
0x38: {  	s10 =	sld [smem:$0x3FBA]  }
0x39: {  	_ = 	snop;
	(pc) =	sbr.ind lr, $3  }
0x3a: {  	_ = 	snop  }
0x3b: {  	_ = 	snop  }
0x3c: {  	p2 =	seq.s32 s10, $0x1;
	s10 =	sld [smem:$0x3FB9]  }
0x3d: {  	_ =	shalt  }
0x3e: {  	_ =	shalt  }
0x3f: {  	_ =	shalt  }
0x40: {  	_ =	shalt  }
0x41: {  	_ =	shalt  }
0x42: {  	_ =	shalt  }
0x43: {  	_ =	shalt  }
0x44: {  	_ =	shalt  }
0x45: {  	_ =	shalt  }
0x46: {  	_ =	shalt  }
0x47: {  	_ =	shalt  }
0x48: {  	_ =	shalt  }
0x49: {  	_ =	shalt  }
0x4a: {  	_ =	shalt  }
0x4b: {  	_ =	shalt  }
0x4c: {  	_ =	shalt  }
0x4d: {  	_ =	shalt  }
0x4e: {  	_ =	shalt  }
0x4f: {  	_ =	shalt  }
0x50: {  	_ =	shalt  }
0x51: {  	_ =	shalt  }
0x52: {  	_ =	shalt  }
0x53: {  	_ =	shalt  }
0x54: {  	_ =	shalt  }
0x55: {  	_ =	shalt  }
0x56: {  	_ =	shalt  }
0x57: {  	_ =	shalt  }
0x58: {  	_ =	shalt  }
0x59: {  	_ =	shalt  }
0x5a: {  	_ =	shalt  }
0x5b: {  	_ =	shalt  }
0x5c: {  	_ =	shalt  }
0x5d: {  	_ =	shalt  }
0x5e: {  	_ =	shalt  }
0x5f: {  	_ =	shalt  }
0x60: {  	_ =	shalt  }
0x61: {  	_ =	shalt  }
0x62: {  	_ =	shalt  }
0x63: {  	_ =	shalt  }
0x64: {  	_ =	shalt  }
0x65: {  	_ =	shalt  }
0x66: {  	_ =	shalt  }
0x67: {  	_ =	shalt  }
0x68: {  	_ =	shalt  }
0x69: {  	_ =	shalt  }
0x6a: {  	_ =	shalt  }
0x6b: {  	_ =	shalt  }
0x6c: {  	_ =	shalt  }
0x6d: {  	_ =	shalt  }
0x6e: {  	_ =	shalt  }
0x6f: {  	_ =	shalt  }
0x70: {  	_ =	shalt  }
0x71: {  	_ =	shalt  }
0x72: {  	_ =	shalt  }
0x73: {  	_ =	shalt  }
0x74: {  	_ =	shalt  }
0x75: {  	_ =	shalt  }
0x76: {  	_ =	shalt  }
0x77: {  	_ =	shalt  }
0x78: {  	_ =	shalt  }
0x79: {  	_ =	shalt  }
0x7a: {  	_ =	shalt  }
0x7b: {  	_ =	shalt  }
0x7c: {  	_ =	shalt  }
0x7d: {  	_ =	shalt  }
0x7e: {  	_ =	shalt  }
0x7f: {  	_ =	shalt  }
0x80: {  	_ =	shalt  }
0x81: {  	_ =	shalt  }
0x82: {  	_ =	shalt  }
0x83: {  	_ =	shalt  }
0x84: {  	_ =	shalt  }
0x85: {  	_ =	shalt  }
0x86: {  	_ =	shalt  }
0x87: {  	_ =	shalt  }
.Lfunc_end0:
.L_simem_size_0:
called_computation.1_lowered:
.L_overlay_start_0:
0x88: {  	s2 =	sld [smem:$0x3FD9]  }
0x89: {  	s3 =	sld [smem:$0x3FFE];
	_ =	sdelay $0x1  }
0x8a: {  	s1 =	srdreg.scid  }
0x8b: {  	s0 =	sand.u32 $0x1, s1  }
0x8c: {  	s16 =	sshll.u32 s0, $0xA;
	s2 =	sadd.s32 s3, s2  }
0x8d: {  	s2 =	sadd.s32 s2, s16  }
0x8e: {  	[smem:$0x3FC5] =	sst s2  }
0x8f: {  	_ = 	snop  }
0x90: {  	(tm) =	ssettm $0x1  }
0x91: {  	s17 =	sld [smem:$0x3FFB];
	_ =	sdelay $0x3  }
0x92: {  	_ =	strace s17  }
0x93: {  	s2 =	sld [smem:$0x3FFC];
	_ =	sdelay $0x3  }
0x94: {  	_ =	strace s2  }
0x95: {  	s2 =	sld [smem:$0x3FFD];
	_ =	sdelay $0x3  }
0x96: {  	_ =	strace s2  }
0x97: {  	_ =	strace $0x8FFFFFFF  }
0x98: {  	s18 =	sld [smem:$0x3FDB];
	_ =	sdelay $0x1  }
0x99: {  	s19 =	simm.s32 $_scs_section_size  }
0x9a: {  	s4 =	simm.s32 $_size__tile_overlayer_lowered;
	s5 =	simm.s32 $_tile_overlayer_lowered  }
0x9b: {  	s22 =	simm.s32 $0x1BFF;
	s21 =	sshll.u32 s5, $0x1;
	s2 =	sadd.s32 s19, s18  }
0x9c: {  	s6 =	simm.s32 $0x0;
	s20 =	sshll.u32 s4, $0x1;
	s4 =	sadd.s32 s21, s2  }
0x9d: {  	[timem:s6], [sflag:s22] =	dma.local [hbm:s4], s20  }
0x9e: {  	_ =	swait.ge [sflag:s22], s20  }
0x9f: {  	s3 =	ssub.s32 $0x0, s20;
	[sflag:s22] =	ssyncset.done $0x0  }
0xa0: {  	[sflag:s22] =	ssyncadd.s32 s3;
	_ =	sdelay $0x1  }
0xa1: {  	s23 =	simm.s32 $0x1B8B  }
0xa2: {  	_ =	swait.ge [sflag:s23], $0x1  }
0xa3: {  	[sflag:s23] =	ssyncset.done $0x0  }
0xa4: {  	s25 =	simm.s32 $0x1B8E;
	s24 =	sld [smem:$0x3FFE];
	[sflag:s23] =	ssyncadd.s32 $0xFFFFFFFF  }
0xa5: {  	s26 =	simm.s32 $execute0_lowered;
	[smem:$0x3FD2] =	sst s25  }
0xa6: {  	s4 =	sshll.u32 s26, $0x1;
	_ =	strace $0x80000046;
	[dreg:$0x1] =	wrdreg $0xFFFFFFFF  }
0xa7: {  	s28 =	simm.s32 $_size_execute0_lowered;
	s2 =	sadd.s32 s2, s4;
	[dreg:$0x0] =	wrdreg $0x0  }
0xa8: {  	s4 =	sshll.u32 s28, $0x1;
	[dreg:$0x2] =	wrdreg s2  }
0xa9: {  	[dreg:$0x3] =	wrdreg s4  }
0xaa: {  	[dreg:$0x4] =	wrdreg $0xC0  }
0xab: {  	_ =	task [dreg:s6], $0x5FFFF  }
0xac: {  	[dreg:$0x1] =	wrdreg $0xFFFFFFFF  }
0xad: {  	[dreg:$0x0] =	wrdreg $0x60  }
0xae: {  	[dreg:$0x2] =	wrdreg s24  }
0xaf: {  	[dreg:$0x3] =	wrdreg $0x9  }
0xb0: {  	_ =	task.clear_ibuf [dreg:s6], $0x4FFFF;
	_ =	strace $0x90000046  }
0xb1: {  	s29 =	simm.s32 $0x9;
	_ =	strace $0x80000048  }
0xb2: {  	_ =	swait.ge [sflag:s29], $0x1  }
0xb3: {  	[sflag:s29] =	ssyncadd.s32 $0xFFFFFFFF  }
0xb4: {  	_ =	strace $0x90000048  }
0xb5: {  	_ =	sfence  }
0xb6: {  	s30 =	sld [smem:$0x0];
	_ =	sdelay $0x2  }
0xb7: {  	s31 =	sshll.u32 s1, $0xD;
	s1 =	sshrl.u32 s1, $0x2  }
0xb8: {  	s3 =	sand.u32 $0x4000, s31;
	s1 =	sadd.s32 s1, s30  }
0xb9: {  	s0 =	sor.u32 s3, s0;
	s1 =	sshll.u32 s1, $0x11  }
0xba: {  	s0 =	sor.u32 s1, s0  }
0xbb: {  	s0 =	sadd.s32 $0x8F2B, s0  }
0xbc: {  	[sflag:s0] =	ssyncadd.remote.s32 $0x1  }
0xbd: {  	_ =	sfence.sel $0xFFFF  }
0xbe: {  	[dreg:$0x0] =	wrdreg $0xFFFFFFFF;
	(pc) =	sbr.abs _section_cstart, $3  }
0xbf: {  	[dreg:$0x1] =	wrdreg $0xFFFFFFFF  }
0xc0: {  	_ =	task.clear_ibuf [dreg:s6], $0x2FFFF;
	_ =	strace $0x9FFFFFFF  }
0xc1: {  	(tm) =	ssettm $0x7FFFFFFF  }
tec
execute0_lowered:
.L_overlay_start_1:
0x0: {  	(tag) =	ssettag $0x1  }
0x1: {  	v0 =	vimm.f32 $7.950000000e+01;
	vm14 =	vcmask $0x300  }
0x2: {  	vm13 =	vcmask $0x704;
	vm12 =	vcmask $0xB08;
	vm11 =	vcmask $0xF0C  }
0x3: {  	vm10 =	vcmask $0x1310;
	vm9 =	vcmask $0x1714;
	vm8 =	vcmask $0x1B18  }
0x4: {  	vm7 =	vcmask $0x1F1C;
	vm6 =	vcmask $0x2320;
	vm5 =	vcmask $0x2724  }
0x5: {  	vm4 =	vcmask $0x2B28;
	vm3 =	vcmask $0x2F2C;
	v0 =	vsel vm14, $0x42BD0000, v0  }
0x6: {  	vm2 =	vcmask $0x3330;
	vm1 =	vcmask $0x3734;
	v0 =	vsel vm13, $0x42BB0000, v0  }
0x7: {  	vm0 =	vcmask $0x3B38;
	v1 =	vimm.f32 $6.350000000e+01;
	v0 =	vsel vm12, $0x42B90000, v0  }
0x8: {  	v34 =	vimm.f32 $4.750000000e+01;
	v2 =	vimm.f32 $3.150000000e+01;
	v0 =	vsel vm11, $0x42B70000, v0  }
0x9: {  	v33 =	vsel vm14, $0x429D0000, v1;
	v1 =	vsel vm14, $0x427A0000, v34;
	v0 =	vsel vm10, $0x42B50000, v0  }
0xa: {  	v38 =	vimm.f32 $1.181102400e-01;
	v1 =	vsel vm13, $0x42760000, v1;
	v0 =	vsel vm9, $0x42B30000, v0  }
0xb: {  	v40 =	vimm.f32 $2.440944910e-01;
	v1 =	vsel vm12, $0x42720000, v1;
	v0 =	vsel vm8, $0x42B10000, v0  }
0xc: {  	v45 =	vimm.f32 $3.700787430e-01;
	v1 =	vsel vm11, $0x426E0000, v1;
	v0 =	vsel vm7, $0x42AF0000, v0  }
0xd: {  	v47 =	vimm.f32 $4.960629940e-01;
	v1 =	vsel vm10, $0x426A0000, v1;
	v0 =	vsel vm6, $0x42AD0000, v0  }
0xe: {  	v48 =	vimm.f32 $6.220472450e-01;
	v1 =	vsel vm9, $0x42660000, v1;
	v0 =	vsel vm5, $0x42AB0000, v0  }
0xf: {  	v52 =	vimm.f32 $7.480314970e-01;
	v1 =	vsel vm8, $0x42620000, v1;
	v0 =	vsel vm4, $0x42A90000, v0  }
0x10: {  	v2 =	vsel vm14, $0x423A0000, v2;
	v1 =	vsel vm7, $0x425E0000, v1;
	v0 =	vsel vm3, $0x42A70000, v0  }
0x11: {  	s1 =	simm.s32 $0x0;
	v39 =	vsel vm14, $0x0, v38;
	v1 =	vsel vm6, $0x425A0000, v1;
	v0 =	vsel vm2, $0x42A50000, v0  }
0x12: {  	[smem:$0x7FF] =	sst s1;
	v2 =	vsel vm13, $0x42360000, v2;
	v1 =	vsel vm5, $0x42560000, v1;
	v0 =	vsel vm1, $0x42A30000, v0  }
0x13: {  	s3 =	rddreg [dreg:$0x0];
	_ =	strace $0x80000047;
	v2 =	vsel vm12, $0x42320000, v2;
	v1 =	vsel vm4, $0x42520000, v1;
	v0 =	vsel vm0, $0x42A10000, v0  }
0x14: {  	v1 =	vsel vm3, $0x424E0000, v1;
	(erf) = vrcp.f32 v0;
	v0 =	vsel vm13, $0x429B0000, v33  }
0x15: {  	v2 =	vsel vm11, $0x422E0000, v2;
	v1 =	vsel vm2, $0x424A0000, v1;
	v0 =	vsel vm12, $0x42990000, v0  }
0x16: {  	v2 =	vsel vm10, $0x422A0000, v2;
	v1 =	vsel vm1, $0x42460000, v1;
	v0 =	vsel vm11, $0x42970000, v0  }
0x17: {  	v35 =	vsel vm0, $0x42420000, v1;
	v1 =	vsel vm14, $0x3E010204, v40;
	v0 =	vsel vm10, $0x42950000, v0  }
0x18: {  	v2 =	vsel vm9, $0x42260000, v2;
	v1 =	vsel vm13, $0x3E091224, v1;
	v0 =	vsel vm9, $0x42930000, v0  }
0x19: {  	v2 =	vsel vm8, $0x42220000, v2;
	v1 =	vsel vm12, $0x3E112244, v1;
	v0 =	vsel vm8, $0x42910000, v0  }
0x1a: {  	v2 =	vsel vm7, $0x421E0000, v2;
	v1 =	vsel vm11, $0x3E193265, v1;
	v0 =	vsel vm7, $0x428F0000, v0  }
0x1b: {  	v2 =	vsel vm6, $0x421A0000, v2;
	v1 =	vsel vm10, $0x3E214285, v1;
	v0 =	vsel vm6, $0x428D0000, v0  }
0x1c: {  	v2 =	vsel vm5, $0x42160000, v2;
	v1 =	vsel vm9, $0x3E2952A5, v1;
	v0 =	vsel vm5, $0x428B0000, v0  }
0x1d: {  	v2 =	vsel vm4, $0x42120000, v2;
	v1 =	vsel vm8, $0x3E3162C6, v1;
	v0 =	vsel vm4, $0x42890000, v0  }
0x1e: {  	v2 =	vsel vm3, $0x420E0000, v2;
	v1 =	vsel vm7, $0x3E3972E6, v1;
	v0 =	vsel vm3, $0x42870000, v0  }
0x1f: {  	v2 =	vsel vm2, $0x420A0000, v2;
	v1 =	vsel vm6, $0x3E418306, v1;
	v0 =	vsel vm2, $0x42850000, v0  }
0x20: {  	v36 =	vsel vm1, $0x42060000, v2;
	v1 =	vsel vm5, $0x3E499326, v1;
	v0 =	vsel vm1, $0x42830000, v0  }
0x21: {  	v37 =	vsel vm0, $0x42020000, v36;
	v1 =	vsel vm4, $0x3E51A346, v1;
	v0 =	vsel vm0, $0x42810000, v0  }
0x22: {  	v1 =	vsel vm3, $0x3E59B367, v1;
	(erf) = vrcp.f32 v0;
	v0 =	vsel vm13, $0x3C010204, v39  }
0x23: {  	v1 =	vsel vm2, $0x3E61C387, v1;
	(erf) = vrcp.f32 v35;
	v0 =	vsel vm12, $0x3C810204, v0  }
0x24: {  	v44 =	vsel vm1, $0x3E69D3A7, v1;
	v1 =	vsel vm14, $0x3EC18306, v47;
	v0 =	vsel vm11, $0x3CC18306, v0  }
0x25: {  	v1 =	vsel vm13, $0x3EC58B16, v1;
	(erf) = vrcp.f32 v37;
	v0 =	vsel vm10, $0x3D010204, v0  }
0x26: {  	v56 =	vimm.f32 $8.740157480e-01;
	v1 =	vsel vm12, $0x3EC99326, v1;
	v0 =	vsel vm9, $0x3D214285, v0  }
0x27: {  	v54 =	vimm.f32 $1.000000000e+00;
	s2 =	sadd.s32 $0x101800, s3;
	v1 =	vsel vm11, $0x3ECD9B36, v1;
	v0 =	vsel vm8, $0x3D418306, v0  }
0x28: {  	v46 =	vsel vm14, $0x3E810204, v45;
	v1 =	vsel vm10, $0x3ED1A346, v1;
	v0 =	vsel vm7, $0x3D61C387, v0  }
0x29: {  	v55 =	vsel vm14, $0x3F214285, v52;
	v1 =	vsel vm9, $0x3ED5AB57, v1;
	v0 =	vsel vm6, $0x3D810204, v0  }
0x2a: {  	v57 =	vsel vm14, $0x3F61C387, v54;
	v41 =	vpop (erf);
	v1 =	vsel vm8, $0x3ED9B367, v1;
	v0 =	vsel vm5, $0x3D912244, v0  }
0x2b: {  	v2 =	vmul.f32 $1.890000000e+02, v41;
	v1 =	vsel vm7, $0x3EDDBB77, v1;
	v3 =	vpop (erf);
	v0 =	vsel vm4, $0x3DA14285, v0  }
0x2c: {  	v53 =	vsel vm0, $0x3E71E3C8, v44;
	v1 =	vsel vm6, $0x3EE1C387, v1;
	v42 =	vpop (erf);
	v0 =	vsel vm3, $0x3DB162C6, v0  }
0x2d: {  	[tilespmem:$0x1FF40] =	vst v2;
	v1 =	vsel vm5, $0x3EE5CB97, v1;
	v2 =	vmul.f32 $1.890000000e+02, v42;
	v0 =	vsel vm2, $0x3DC18306, v0  }
0x2e: {  	[tilespmem:$0x1FFA0] =	vst v53;
	v1 =	vsel vm4, $0x3EE9D3A7, v1;
	v43 =	vpop (erf);
	v0 =	vsel vm1, $0x3DD1A346, v0  }
0x2f: {  	v1 =	vsel vm3, $0x3EEDDBB7, v1;
	[tilespmem:$0x1FF60] =	vst v2;
	v2 =	vmul.f32 $1.890000000e+02, v43;
	v0 =	vsel vm0, $0x3DE1C387, v0  }
0x30: {  	v1 =	vsel vm2, $0x3EF1E3C8, v1;
	[tilespmem:$0x1FF80] =	vst v0;
	v0 =	vsel vm13, $0x3E850A14, v46  }
0x31: {  	v3 =	vmul.f32 $1.890000000e+02, v3;
	[tilespmem:$0x1FF70] =	vst v2;
	v0 =	vsel vm12, $0x3E891224, v0;
	v2 =	vsel vm14, $0x3F010204, v48  }
0x32: {  	v49 =	vsel vm1, $0x3EF5EBD8, v1;
	v0 =	vsel vm11, $0x3E8D1A34, v0;
	v2 =	vsel vm13, $0x3F03060C, v2  }
0x33: {  	v1 =	vsel vm14, $0x3F418306, v56;
	v0 =	vsel vm10, $0x3E912244, v0;
	v2 =	vsel vm12, $0x3F050A14, v2  }
0x34: {  	s5 =	simm.s32 $0x8000;
	[tilespmem:$0x1FF50] =	vst v3;
	v0 =	vsel vm9, $0x3E952A55, v0;
	v2 =	vsel vm11, $0x3F070E1C, v2  }
0x35: {  	v45 =	vsel vm0, $0x3EF9F3E8, v49;
	v0 =	vsel vm8, $0x3E993265, v0;
	v2 =	vsel vm10, $0x3F091224, v2  }
0x36: {  	v1 =	vsel vm13, $0x3F43870E, v1;
	v0 =	vsel vm7, $0x3E9D3A75, v0;
	v2 =	vsel vm9, $0x3F0B162C, v2  }
0x37: {  	v1 =	vsel vm12, $0x3F458B16, v1;
	v0 =	vsel vm6, $0x3EA14285, v0;
	v2 =	vsel vm8, $0x3F0D1A34, v2  }
0x38: {  	s10 =	simm.s32 $0xE800;
	[tilespmem:$0x1FFB0] =	vst v45;
	v0 =	vsel vm5, $0x3EA54A95, v0;
	v2 =	vsel vm7, $0x3F0F1E3C, v2  }
0x39: {  	v1 =	vsel vm11, $0x3F478F1E, v1;
	v0 =	vsel vm4, $0x3EA952A5, v0;
	v2 =	vsel vm6, $0x3F112244, v2  }
0x3a: {  	v1 =	vsel vm10, $0x3F499326, v1;
	v0 =	vsel vm3, $0x3EAD5AB5, v0;
	v2 =	vsel vm5, $0x3F13264D, v2  }
0x3b: {  	v1 =	vsel vm9, $0x3F4B972E, v1;
	v0 =	vsel vm2, $0x3EB162C6, v0;
	v2 =	vsel vm4, $0x3F152A55, v2  }
0x3c: {  	v1 =	vsel vm8, $0x3F4D9B36, v1;
	v0 =	vsel vm1, $0x3EB56AD6, v0;
	v2 =	vsel vm3, $0x3F172E5D, v2  }
0x3d: {  	v0 =	vsel vm0, $0x3EB972E6, v0;
	v50 =	vsel vm2, $0x3F193265, v2;
	v2 =	vsel vm13, $0x3F63C78F, v57  }
0x3e: {  	s11 =	simm.s32 $0x4000;
	[tilespmem:$0x1FF90] =	vst v0;
	v0 =	vsel vm13, $0x3F23468D, v55;
	v2 =	vsel vm12, $0x3F65CB97, v2  }
0x3f: {  	v1 =	vsel vm7, $0x3F4F9F3E, v1;
	v0 =	vsel vm12, $0x3F254A95, v0;
	v2 =	vsel vm11, $0x3F67CF9F, v2  }
0x40: {  	v1 =	vsel vm6, $0x3F51A346, v1;
	v0 =	vsel vm11, $0x3F274E9D, v0;
	v2 =	vsel vm10, $0x3F69D3A7, v2  }
0x41: {  	v1 =	vsel vm5, $0x3F53A74F, v1;
	v0 =	vsel vm10, $0x3F2952A5, v0;
	v2 =	vsel vm9, $0x3F6BD7AF, v2  }
0x42: {  	v1 =	vsel vm4, $0x3F55AB57, v1;
	v0 =	vsel vm9, $0x3F2B56AD, v0;
	v2 =	vsel vm8, $0x3F6DDBB7, v2  }
0x43: {  	v1 =	vsel vm3, $0x3F57AF5F, v1;
	v0 =	vsel vm8, $0x3F2D5AB5, v0;
	v2 =	vsel vm7, $0x3F6FDFBF, v2  }
0x44: {  	v1 =	vsel vm2, $0x3F59B367, v1;
	v0 =	vsel vm7, $0x3F2F5EBD, v0;
	v2 =	vsel vm6, $0x3F71E3C8, v2  }
0x45: {  	v58 =	vsel vm1, $0x3F5BB76F, v1;
	v0 =	vsel vm6, $0x3F3162C6, v0;
	v2 =	vsel vm5, $0x3F73E7D0, v2  }
0x46: {  	v47 =	vsel vm0, $0x3F5DBB77, v58;
	v0 =	vsel vm5, $0x3F3366CE, v0;
	v2 =	vsel vm4, $0x3F75EBD8, v2  }
0x47: {  	s4 =	srdreg.scid;
	s3 =	sadd.s32 $0x1800, s3;
	[tilespmem:$0x1FFD0] =	vst v47;
	v0 =	vsel vm4, $0x3F356AD6, v0;
	v2 =	vsel vm3, $0x3F77EFE0, v2  }
0x48: {  	s6 =	sand.u32 $0x1, s4;
	v51 =	vsel vm1, $0x3F1B366D, v50;
	v0 =	vsel vm3, $0x3F376EDE, v0;
	v2 =	vsel vm2, $0x3F79F3E8, v2  }
0x49: {  	s12 =	simm.s32 $0x0;
	s8 =	ssub.s32 $0x2, s6;
	v46 =	vsel vm0, $0x3F1D3A75, v51;
	v0 =	vsel vm2, $0x3F3972E6, v0;
	v59 =	vsel vm1, $0x3F7BF7F0, v2  }
0x4a: {  	s7 =	sshll.u32 s6, $0xF;
	s6 =	stileid.u32;
	s9 =	sshrl.u32 s8, $0x1;
	[tilespmem:$0x1FFC0] =	vst v46;
	v0 =	vsel vm1, $0x3F3B76EE, v0;
	v23 =	vsel vm0, $0x3F7DFBF8, v59  }
0x4b: {  	s4 =	simm.s32 $0xA000;
	s31 =	sshll.u32 s6, $0x10;
	s8 =	ssub.s32 s8, s9;
	v50 =	vsel vm0, $0x3F3D7AF6, v0;
	[tilespmem:$0x1FFF0] =	vst v23  }
0x4c: {  	v62 =	vimm.f32 $0.0e+00;
	s7 =	sor.u32 s7, s31;
	s9 =	simm.s32 $0x1;
	s8 =	smax.u32 s8, $0x1;
	[tilespmem:$0x1FFE0] =	vst v50  }
.LBB2_1:
0x4d: {  	v0 =	vld [tilespmem:$0x1FF40]  }
0x4e: {  	v60 =	vld [tilespmem:$0x1FF50]  }
0x4f: {  	v61 =	vld [tilespmem:$0x1FF60]  }
0x50: {  	v63 =	vld [tilespmem:$0x1FF70];
	_ =	sdelay $0x1  }
0x51: {  	[tilespmem:$0xE800] =	vst v0  }
0x52: {  	[tilespmem:$0xE810] =	vst v60  }
0x53: {  	[tilespmem:$0xE820] =	vst v61  }
0x54: {  	s13 =	simm.s32 $0x0;
	[tilespmem:$0xE830] =	vst v63  }
.LBB2_2:
0x55: {  	s14 =	sshll.u32 s13, $0xB  }
0x56: {  	s14 =	sadd.s32 s7, s14  }
0x57: {  	s19 =	simm.s32 $0x0;
	s15 =	sadd.s32 s3, s14  }
0x58: {  	v59 =	vld [tilespmem:$0x1FF90];
	[tilespmem:s19], [sflag:$0x1] =	stream.linear.gather [hbm4b:s15+s19], $0x4000, $0x38  }
0x59: {  	v48 =	vld [tilespmem:$0x1FF80];
	_ =	swait.ge [sflag:s9], $0x4000  }
0x5a: {  	[sflag:s9] =	ssyncset.done $0x0  }
0x5b: {  	s31 =	simm.s32 $0x80;
	[sflag:s9] =	ssyncadd.s32 $0xFFFFC000  }
0x5c: {  	v0 =	vld [tilespmem:s31+$0x0]  }
0x5d: {  	v1 =	vld [tilespmem:s31+$0x10];
	_ =	sdelay $0x1  }
0x5e: {  	v2 =	vld [tilespmem:s31+$0x20]  }
0x5f: {  	v3 =	vld [tilespmem:s31+$0x30]  }
0x60: {  	v5 =	vlaneseq.u32;
	v0 =	vadd.f32 $9.999999740e-06, v0  }
0x61: {  	vm0 =	veq.s32 v5, $0x0;
	v1 =	vadd.f32 $9.999999740e-06, v1  }
0x62: {  	v0 =	vsel vm0, $0x0, v0  }
0x63: {  	v2 =	vadd.f32 $9.999999740e-06, v2;
	v4 =	vadd.f32 v1, v0  }
0x64: {  	v3 =	vadd.f32 $9.999999740e-06, v3  }
0x65: {  	vm1 =	veq.s32 v5, $0xF;
	(xrf2) =	vadd.scan.msk.f32 $0xffff, v1;
	v1 =	vadd.f32 v2, v4  }
0x66: {  	(xrf2) =	vadd.scan.msk.f32 $0xffff, v2;
	v2 =	vsel vm1, $0x0, v3  }
0x67: {  	(xrf2) =	vadd.scan.msk.f32 $0xffff, v2;
	v2 =	vadd.f32 v2, v1  }
0x68: {  	(xrf2) =	vadd.scan.msk.f32 $0xffff, v0  }
0x69: {  	(xrf2) =	vadd.scan.msk.f32 $0xffff, v2;
	_ =	sdelay $0x5  }
0x6a: {  	v0, _, _ =	vpop (xrf2)  }
0x6b: {  	v2, _, _ =	vpop (xrf2)  }
0x6c: {  	v3, _, _ =	vpop (xrf2)  }
0x6d: {  	v5, _, _ =	vpop (xrf2)  }
0x6e: {  	(xrf2) =	vadd.scan.msk.f32 $0xffff, v4;
	v4, _, _ =	vpop (xrf2)  }
0x6f: {  	(xrf2) =	vadd.scan.msk.f32 $0xffff, v1;
	v23 =	vbroadcast v4, $0xF;
	_ =	sdelay $0x1  }
0x70: {  	(erf) = vrcp.f32 v23;
	_ =	sdelay $0x3  }
0x71: {  	v1 =	vld [tilespmem:s31+$0xFFFFFF80];
	_ =	sdelay $0x2  }
0x72: {  	v4 =	vld [tilespmem:s31+$0xFFFFFF90];
	v6, _, _ =	vpop (xrf2)  }
0x73: {  	v14 =	vimm.s32 $0x0;
	v7 =	vld [tilespmem:s31+$0xFFFFFFA0];
	v9 =	vbroadcast v5, $0xF;
	v8, _, _ =	vpop (xrf2)  }
0x74: {  	v10 =	vld [tilespmem:s31+$0xFFFFFFB0];
	v1 =	vadd.f32 $9.999999740e-06, v1;
	v6 =	vbroadcast v6, $0xF;
	v8 =	vbroadcast v8, $0xF;
	v11 =	vpop (erf)  }
0x75: {  	v5 =	vadd.f32 $0.0e+00, v5;
	v0 =	vadd.f32 v9, v0;
	v11 =	vmul.f32 $1.270000000e+02, v11  }
0x76: {  	s0 =	simm.s32 $0x8020;
	s17 =	simm.s32 $0x40;
	v1 =	vsel vm0, $0x0, v1;
	v2 =	vadd.f32 v6, v2;
	v3 =	vadd.f32 v8, v3  }
0x77: {  	s16 =	sor.u32 $0x50, s17;
	[tilespmem:s0+$0x20] =	vst v5;
	v4 =	vadd.f32 $9.999999740e-06, v4;
	v8 =	vmul.f32 v11, v5;
	v9 =	vmul.f32 v11, v0  }
0x78: {  	s21 =	sor.u32 $0x60, s17;
	[tilespmem:s16+$0x8000] =	vst v0;
	v5 =	vadd.f32 $9.999999740e-06, v7;
	v7 =	vmul.f32 v11, v2;
	v11 =	vmul.f32 v11, v3  }
0x79: {  	s18 =	sor.u32 $0x70, s17;
	[tilespmem:s21+$0x8000] =	vst v2;
	v0 =	vadd.f32 $9.999999740e-06, v10;
	v10 =	vtrunc.f32 v8;
	v12 =	vtrunc.f32 v9  }
0x7a: {  	s22 =	simm.s32 $0xA090;
	v6 =	vadd.f32 v4, v1;
	[tilespmem:s18+$0x8000] =	vst v3;
	v13 =	vtrunc.f32 v7;
	v3 =	vtrunc.f32 v11  }
0x7b: {  	[tilespmem:s22+$0x0] =	vst v62;
	vm2 =	vgt.f32 v8, v10;
	vm3 =	vgt.f32 v9, v12;
	v8 =	vcvt.f32.s32 v10  }
0x7c: {  	[tilespmem:s22+$0x10] =	vst v62;
	v9 =	vcvt.f32.s32 v12;
	v10 =	vcvt.f32.s32 v13;
	vm4 =	vgt.f32 v7, v13  }
0x7d: {  	s23 =	simm.s32 $0x90;
	[tilespmem:s22+$0x20] =	vst v62;
	v7 =	vcvt.f32.s32 v3;
	v12 =	vsel vm2, $0x1, v14;
	v13 =	vsel vm3, $0x1, v14  }
0x7e: {  	[tilespmem:s22+$0x30] =	vst v62;
	vm2 =	vgt.f32 v11, v3;
	v3 =	vsel vm4, $0x1, v14;
	v8 =	vadd.s32 s23, v8  }
0x7f: {  	[tilespmem:s22+$0x40] =	vst v62;
	v11 =	vsel vm2, $0x1, v14;
	v9 =	vadd.s32 s23, v9;
	v8 =	vadd.s32 v12, v8  }
0x80: {  	[tilespmem:s22+$0x50] =	vst v62;
	v10 =	vadd.s32 s23, v10;
	v7 =	vadd.s32 v7, v11;
	v9 =	vadd.s32 v13, v9  }
0x81: {  	[tilespmem:s22+$0x60] =	vst v62;
	v3 =	vadd.s32 v3, v10;
	v7 =	vsel vm1, $0x8F, v7  }
0x82: {  	s20 =	sand.u32 $0x7FF0, s23;
	[tilespmem:s22+$0x70] =	vst v62;
	v2 =	vadd.f32 v5, v6;
	v7 =	vadd.s32 s23, v7  }
0x83: {  	[tilespmem:s20+$0xA080] =	vst v62;
	v0 =	vsel vm1, $0x0, v0  }
0x84: {  	v10 =	vadd.f32 v0, v2;
	[tilespmem:v8+s4+$0x0] =	vst.idx.add.f32.msk $0xffff, v54  }
0x85: {  	[tilespmem:v9+s4+$0x0] =	vst.idx.add.f32.msk $0xffff, v54  }
0x86: {  	(xrf2) =	vadd.scan.msk.f32 $0xffff, v10;
	[tilespmem:v3+s4+$0x0] =	vst.idx.add.f32.msk $0xffff, v54  }
0x87: {  	(xrf2) =	vadd.scan.msk.f32 $0xffff, v2;
	[tilespmem:v7+s4+$0x0] =	vst.idx.add.f32.msk $0xffff, v54  }
0x88: {  	(xrf2) =	vadd.scan.msk.f32 $0xffff, v6;
	v6 =	vld [tilespmem:s22+$0x0]  }
0x89: {  	(xrf2) =	vadd.scan.msk.f32 $0xffff, v1  }
0x8a: {  	(xrf2) =	vadd.scan.msk.f32 $0xffff, v0  }
0x8b: {  	(xrf2) =	vadd.scan.msk.f32 $0xffff, v4  }
0x8c: {  	(xrf2) =	vadd.scan.msk.f32 $0xffff, v5  }
0x8d: {  	(xrf2) =	vadd.scan.msk.f32 $0xffff, v6;
	_ =	sdelay $0x2  }
0x8e: {  	v0, _, _ =	vpop (xrf2)  }
0x8f: {  	v63 =	vbroadcast v0, $0xF;
	v0, _, _ =	vpop (xrf2)  }
0x90: {  	v1, _, _ =	vpop (xrf2)  }
0x91: {  	(erf) = vrcp.f32 v63;
	v2, _, _ =	vpop (xrf2)  }
0x92: {  	v3, _, _ =	vpop (xrf2)  }
0x93: {  	v4, _, _ =	vpop (xrf2)  }
0x94: {  	v5, _, _ =	vpop (xrf2)  }
0x95: {  	v7, _, _ =	vpop (xrf2)  }
0x96: {  	v8 =	vadd.f32 $0.0e+00, v7  }
0x97: {  	v0 =	vbroadcast v0, $0xF  }
0x98: {  	v1 =	vbroadcast v1, $0xF;
	v11 =	vadd.f32 $-1.000000000e+00, v8;
	v8 =	vmin.f32 v8, $6.200000000e+01  }
0x99: {  	v9 =	vbroadcast v2, $0xF;
	v8 =	vtrunc.f32 v8  }
0x9a: {  	v0 =	vadd.f32 v0, v3;
	v10 =	vpop (erf);
	v3 =	vtrunc.f32 v11;
	v8 =	vcvt.f32.s32 v8  }
0x9b: {  	v12 =	vld [tilespmem:s22+$0x10];
	v1 =	vadd.f32 v1, v5;
	v10 =	vmul.f32 $1.270000000e+02, v10;
	v3 =	vcvt.f32.s32 v3  }
0x9c: {  	v2 =	vadd.f32 $0.0e+00, v2;
	v4 =	vadd.f32 v9, v4;
	[tilespmem:s0+$0x10] =	vst v0;
	v9 =	vadd.s32 s17, v8  }
0x9d: {  	[tilespmem:s0+$0x0] =	vst v1;
	v0 =	vmul.f32 v10, v0;
	v1 =	vmul.f32 v10, v1;
	v11 =	vadd.s32 s17, v3  }
0x9e: {  	[tilespmem:s0+$0xFFFFFFE0] =	vst v2;
	v5 =	vmul.f32 v10, v2;
	v2 =	vmul.f32 v10, v4  }
0x9f: {  	v44 =	vimm.s32 $0x0;
	[tilespmem:s0+$0xFFFFFFF0] =	vst v4;
	v4 =	vtrunc.f32 v0;
	v13 =	vtrunc.f32 v1  }
0xa0: {  	(xrf2) =	vadd.scan.msk.f32 $0xffff, v12;
	v10 =	vcvt.f32.s32 v4;
	vm2 =	vgt.f32 v0, v4;
	v0 =	vtrunc.f32 v5  }
0xa1: {  	[tilespmem:s22+$0xFFFFFF70] =	vst v62;
	v4 =	vtrunc.f32 v2;
	vm9 =	vgt.f32 v1, v13;
	v14 =	vsel vm2, $0x1, v44;
	v9 =	vld.idx.msk [tilespmem:v9+s5+$0x0], $0xffff  }
0xa2: {  	[tilespmem:s22+$0xFFFFFF80] =	vst v62;
	v15 =	vcvt.f32.s32 v0;
	v16 =	vcvt.f32.s32 v4;
	vm2 =	vgt.f32 v5, v0;
	v11 =	vld.idx.msk [tilespmem:v11+s5+$0x0], $0xffff  }
0xa3: {  	[tilespmem:s22+$0xFFFFFF90] =	vst v62;
	vm3 =	vgt.f32 v2, v4;
	v10 =	vadd.s32 v10, v14;
	v14 =	vcvt.f32.s32 v13  }
0xa4: {  	[tilespmem:s22+$0xFFFFFFA0] =	vst v62;
	v2 =	vsel vm2, $0x1, v44;
	v5 =	vsel vm3, $0x1, v44;
	v1 =	vadd.s32 s19, v15  }
0xa5: {  	[tilespmem:s22+$0xFFFFFFB0] =	vst v62;
	v0 =	vsel vm1, $0x8F, v10;
	v4 =	vadd.s32 s19, v16;
	v1 =	vadd.s32 v2, v1  }
0xa6: {  	[tilespmem:s22+$0xFFFFFFC0] =	vst v62;
	v10 =	vsel vm9, $0x1, v44;
	v2 =	vadd.s32 s19, v14;
	v5 =	vadd.s32 v5, v4  }
0xa7: {  	[tilespmem:s22+$0xFFFFFFD0] =	vst v62;
	v4 =	vmul.f32 $9.999999740e-06, v23;
	v2 =	vadd.s32 v10, v2;
	v9 =	vsub.f32 v9, v11  }
0xa8: {  	s24 =	sand.u32 $0x7FE0, s19;
	[tilespmem:s22+$0xFFFFFFE0] =	vst v62  }
0xa9: {  	[tilespmem:s24+$0xA080] =	vst v62;
	v0 =	vadd.s32 s19, v0;
	vm2 =	vlt.f32 v9, v4  }
0xaa: {  	[tilespmem:v1+s4+$0x0] =	vst.idx.add.f32.msk $0xffff, v54;
	v1 =	vsel vm2, v23, v9  }
0xab: {  	[tilespmem:v5+s4+$0x0] =	vst.idx.add.f32.msk $0xffff, v54;
	(erf) = vrcp.f32 v1  }
0xac: {  	[tilespmem:v2+s4+$0x0] =	vst.idx.add.f32.msk $0xffff, v54  }
0xad: {  	v2 =	vld.idx.msk [tilespmem:v8+s10+$0x0], $0xffff  }
0xae: {  	[tilespmem:v0+s4+$0x0] =	vst.idx.add.f32.msk $0xffff, v54;
	v0 =	vbroadcast v7, $0xF  }
0xaf: {  	v5, _, _ =	vpop (xrf2);
	v1 =	vld [tilespmem:s22+$0xFFFFFF70]  }
0xb0: {  	v7 =	vld.idx.msk [tilespmem:v3+s10+$0x0], $0xffff;
	v0 =	vadd.f32 v0, v5  }
0xb1: {  	v3 =	vmul.f32 v48, v23  }
0xb2: {  	v5 =	vadd.f32 $-1.000000000e+00, v0  }
0xb3: {  	v3 =	vsub.f32 v3, v11;
	v0 =	vmin.f32 v0, $6.200000000e+01  }
0xb4: {  	v0 =	vtrunc.f32 v0;
	v5 =	vtrunc.f32 v5;
	(xrf2) =	vadd.scan.msk.f32 $0xffff, v1;
	v9 =	vpop (erf)  }
0xb5: {  	v8 =	vld [tilespmem:s22+$0xFFFFFF80];
	v2 =	vsub.f32 v2, v7;
	v3 =	vmul.f32 v9, v3;
	v9 =	vcvt.f32.s32 v5  }
0xb6: {  	v10 =	vld [tilespmem:s22+$0x20];
	v11 =	vcvt.f32.s32 v0  }
0xb7: {  	v14 =	vld [tilespmem:s22+$0x30];
	v2 =	vmul.f32 v3, v2;
	v13 =	vadd.s32 s17, v9  }
0xb8: {  	v0 =	vld [tilespmem:s22+$0x50];
	v15 =	vadd.s32 s17, v11  }
0xb9: {  	v5 =	vld [tilespmem:s22+$0x60];
	v7 =	vadd.f32 v2, v7  }
0xba: {  	s15 =	simm.s32 $0x4080;
	v6 =	vadd.f32 v12, v6;
	(xrf2) =	vadd.scan.msk.f32 $0xffff, v8;
	v3 =	vld [tilespmem:s22+$0x40]  }
0xbb: {  	(xrf2) =	vadd.scan.msk.f32 $0xffff, v10;
	v2 =	vld [tilespmem:s22+$0x70];
	[tilespmem:s15+$0x0] =	vst v7  }
0xbc: {  	(xrf2) =	vadd.scan.msk.f32 $0xffff, v6;
	v7 =	vld.idx.msk [tilespmem:v13+s5+$0x0], $0xffff  }
0xbd: {  	v12 =	vld.idx.msk [tilespmem:v15+s5+$0x0], $0xffff  }
0xbe: {  	v15, _, _ =	vpop (xrf2)  }
0xbf: {  	v13 =	vadd.f32 $0.0e+00, v15;
	_ =	sdelay $0x1  }
0xc0: {  	v16 =	vadd.f32 $-1.000000000e+00, v13;
	v13 =	vmin.f32 v13, $6.200000000e+01  }
0xc1: {  	v13 =	vtrunc.f32 v13;
	v12 =	vsub.f32 v12, v7;
	_ =	sdelay $0x1  }
0xc2: {  	v18, _, _ =	vpop (xrf2);
	v16 =	vtrunc.f32 v16;
	v17 =	vcvt.f32.s32 v13;
	vm2 =	vlt.f32 v12, v4  }
0xc3: {  	v16 =	vcvt.f32.s32 v16;
	v13, _, _ =	vpop (xrf2);
	v12 =	vsel vm2, v23, v12  }
0xc4: {  	v19 =	vadd.s32 s19, v17;
	v20, _, _ =	vpop (xrf2);
	(erf) = vrcp.f32 v12  }
0xc5: {  	v12 =	vadd.s32 s19, v16;
	v20 =	vbroadcast v20, $0xF  }
0xc6: {  	v21 =	vld [tilespmem:s22+$0xFFFFFF90]  }
0xc7: {  	v9 =	vld.idx.msk [tilespmem:v9+s10+$0x0], $0xffff;
	v13 =	vadd.f32 v20, v13  }
0xc8: {  	v11 =	vld.idx.msk [tilespmem:v11+s10+$0x0], $0xffff  }
0xc9: {  	v19 =	vld.idx.msk [tilespmem:v19+s5+$0x0], $0xffff;
	v22 =	vadd.f32 $-1.000000000e+00, v13  }
0xca: {  	v20 =	vmul.f32 v53, v23;
	v12 =	vld.idx.msk [tilespmem:v12+s5+$0x0], $0xffff  }
0xcb: {  	v1 =	vadd.f32 v8, v1  }
0xcc: {  	v7 =	vsub.f32 v20, v7;
	v13 =	vmin.f32 v13, $6.200000000e+01;
	v20 =	vld [tilespmem:s22+$0xFFFFFFA0]  }
0xcd: {  	v24 =	vadd.f32 v21, v1;
	v13 =	vtrunc.f32 v13;
	v8 =	vtrunc.f32 v22;
	v22 =	vpop (erf)  }
0xce: {  	(xrf2) =	vadd.scan.msk.f32 $0xffff, v1;
	v11 =	vsub.f32 v11, v9;
	v7 =	vmul.f32 v22, v7;
	v22 =	vcvt.f32.s32 v8  }
0xcf: {  	v60 =	vmul.f32 $9.999999740e-06, v63;
	(xrf2) =	vadd.scan.msk.f32 $0xffff, v21;
	v25 =	vcvt.f32.s32 v13;
	v8 =	vld [tilespmem:s22+$0xFFFFFFB0];
	v1 =	vsub.f32 v19, v12  }
0xd0: {  	(xrf2) =	vadd.scan.msk.f32 $0xffff, v24;
	v7 =	vmul.f32 v7, v11;
	v11 =	vadd.s32 s17, v22  }
0xd1: {  	v13 =	vadd.f32 v20, v24;
	(xrf2) =	vadd.scan.msk.f32 $0xffff, v20;
	v20 =	vld.idx.msk [tilespmem:v16+s10+$0x0], $0xffff;
	v19 =	vadd.s32 s17, v25;
	vm2 =	vlt.f32 v1, v60  }
0xd2: {  	s25 =	simm.s32 $0x180;
	v1 =	vsel vm2, v63, v1;
	v7 =	vadd.f32 v7, v9;
	v9 =	vbroadcast v15, $0xF;
	v15 =	vld.idx.msk [tilespmem:v17+s10+$0x0], $0xffff  }
0xd3: {  	(xrf2) =	vadd.scan.msk.f32 $0xffff, v13;
	(erf) = vrcp.f32 v1;
	v17 =	vld [tilespmem:s25+$0x20]  }
0xd4: {  	v24 =	vadd.f32 v10, v6;
	(xrf2) =	vadd.scan.msk.f32 $0xffff, v8;
	[tilespmem:s15+$0x10] =	vst v7;
	v7 =	vld [tilespmem:s25+$0x0]  }
0xd5: {  	(xrf2) =	vadd.scan.msk.f32 $0xffff, v14;
	v21 =	vld.idx.msk [tilespmem:v11+s5+$0x0], $0xffff  }
0xd6: {  	v10 =	vmul.f32 v48, v63;
	v1 =	vadd.f32 v9, v18;
	v6 =	vld.idx.msk [tilespmem:v19+s5+$0x0], $0xffff;
	(xrf2) =	vadd.scan.msk.f32 $0xffff, v24  }
0xd7: {  	v18 =	vld [tilespmem:s25+$0x30]  }
0xd8: {  	v11 =	vld [tilespmem:s25+$0x10];
	v19, _, _ =	vpop (xrf2);
	v9 =	vadd.f32 $-1.000000000e+00, v1;
	v1 =	vmin.f32 v1, $6.200000000e+01  }
0xd9: {  	v27, _, _ =	vpop (xrf2);
	v1 =	vtrunc.f32 v1  }
0xda: {  	v12 =	vsub.f32 v10, v12;
	v10, _, _ =	vpop (xrf2);
	v9 =	vtrunc.f32 v9;
	v7 =	vadd.f32 $9.999999740e-06, v7  }
0xdb: {  	v26 =	vsub.f32 v6, v21;
	v6, _, _ =	vpop (xrf2)  }
0xdc: {  	v28 =	vsub.f32 v15, v20;
	v17 =	vadd.f32 $9.999999740e-06, v17;
	v15 =	vcvt.f32.s32 v1;
	v1 =	vpop (erf)  }
0xdd: {  	v16 =	vcvt.f32.s32 v9;
	v18 =	vadd.f32 $9.999999740e-06, v18;
	v11 =	vadd.f32 $9.999999740e-06, v11;
	v9, _, _ =	vpop (xrf2)  }
0xde: {  	v29 =	vsel vm0, $0x0, v7;
	vm2 =	vlt.f32 v26, v4;
	v1 =	vmul.f32 v1, v12;
	v7, _, _ =	vpop (xrf2)  }
0xdf: {  	v32 =	vadd.s32 s19, v15;
	v12 =	vsel vm2, v23, v26;
	v26 =	vadd.f32 v11, v29;
	v31, _, _ =	vpop (xrf2)  }
0xe0: {  	v22 =	vld.idx.msk [tilespmem:v22+s10+$0x0], $0xffff;
	v30 =	vadd.s32 s19, v16;
	(xrf2) =	vadd.scan.msk.f32 $0xffff, v11;
	(erf) = vrcp.f32 v12;
	v28 =	vmul.f32 v1, v28;
	v34, _, _ =	vpop (xrf2)  }
0xe1: {  	v11 =	vld [tilespmem:s22+$0xFFFFFFE0];
	(xrf2) =	vadd.scan.msk.f32 $0xffff, v17;
	v33 =	vadd.f32 v17, v26;
	v17 =	vsel vm1, $0x0, v18;
	v18 =	vbroadcast v34, $0xF  }
0xe2: {  	v12 =	vld [tilespmem:s22+$0xFFFFFFC0];
	v20 =	vadd.f32 v28, v20  }
0xe3: {  	v1 =	vld [tilespmem:s22+$0xFFFFFFD0];
	v18 =	vadd.f32 v18, v31  }
0xe4: {  	(xrf2) =	vadd.scan.msk.f32 $0xffff, v17;
	v28 =	vadd.f32 v17, v33;
	[tilespmem:s15+$0xFFFFFF80] =	vst v20;
	v20 =	vld.idx.msk [tilespmem:v25+s10+$0x0], $0xffff  }
0xe5: {  	(xrf2) =	vadd.scan.msk.f32 $0xffff, v29;
	v17 =	vld.idx.msk [tilespmem:v30+s5+$0x0], $0xffff;
	v29 =	vadd.f32 $-1.000000000e+00, v18  }
0xe6: {  	v25 =	vmul.f32 v59, v23;
	(xrf2) =	vadd.scan.msk.f32 $0xffff, v28;
	v28 =	vld.idx.msk [tilespmem:v32+s5+$0x0], $0xffff;
	_ =	sdelay $0x1  }
0xe7: {  	v21 =	vsub.f32 v25, v21;
	v18 =	vmin.f32 v18, $6.200000000e+01  }
0xe8: {  	v18 =	vtrunc.f32 v18;
	v25 =	vtrunc.f32 v29;
	v29 =	vpop (erf)  }
0xe9: {  	v20 =	vsub.f32 v20, v22;
	v25 =	vcvt.f32.s32 v25;
	v21 =	vmul.f32 v29, v21  }
0xea: {  	v29 =	vcvt.f32.s32 v18;
	v18 =	vsub.f32 v28, v17  }
0xeb: {  	v20 =	vmul.f32 v21, v20;
	v21 =	vadd.s32 s17, v25  }
0xec: {  	v30, _, _ =	vpop (xrf2);
	v31 =	vadd.s32 s17, v29;
	vm2 =	vlt.f32 v18, v60  }
0xed: {  	v35 =	vld [tilespmem:s25+$0xFFFFFF90];
	(xrf2) =	vadd.scan.msk.f32 $0xffff, v26;
	v28, _, _ =	vpop (xrf2);
	v18 =	vsel vm2, v63, v18;
	v20 =	vadd.f32 v20, v22  }
0xee: {  	v14 =	vadd.f32 v14, v24;
	v24 =	vld [tilespmem:s25+$0xFFFFFFB0];
	(xrf2) =	vadd.scan.msk.f32 $0xffff, v33;
	v55, _, _ =	vpop (xrf2)  }
0xef: {  	(xrf2) =	vadd.scan.msk.f32 $0xffff, v3;
	v56, _, _ =	vpop (xrf2);
	v22 =	vld [tilespmem:s25+$0xFFFFFF80];
	[tilespmem:s15+$0x20] =	vst v20  }
0xf0: {  	(xrf2) =	vadd.scan.msk.f32 $0xffff, v14;
	(erf) = vrcp.f32 v18;
	v18, _, _ =	vpop (xrf2);
	v20 =	vld.idx.msk [tilespmem:v21+s5+$0x0], $0xffff  }
0xf1: {  	v26 =	vbroadcast v18, $0xF;
	v18 =	vld.idx.msk [tilespmem:v31+s5+$0x0], $0xffff  }
0xf2: {  	v21 =	vld [tilespmem:s25+$0xFFFFFFA0]  }
0xf3: {  	(erf) = vrcp.f32 v26;
	_ =	sdelay $0x1  }
0xf4: {  	v24 =	vadd.f32 $9.999999740e-06, v24;
	v22 =	vadd.f32 $9.999999740e-06, v22  }
0xf5: {  	v31 =	vadd.f32 $9.999999740e-06, v35;
	v57 =	vsub.f32 v18, v20  }
0xf6: {  	v52 =	vmul.f32 v45, v23;
	v22 =	vsel vm0, $0x0, v22;
	v18 =	vadd.f32 $9.999999740e-06, v21;
	v21, _, _ =	vpop (xrf2)  }
0xf7: {  	v24 =	vsel vm1, $0x0, v24;
	v35 =	vadd.f32 v31, v22;
	v38, _, _ =	vpop (xrf2);
	vm2 =	vlt.f32 v57, v4  }
0xf8: {  	v41 =	vbroadcast v56, $0xF;
	v34 =	vadd.f32 $0.0e+00, v56;
	v39, _, _ =	vpop (xrf2);
	v33 =	vsel vm2, v23, v57  }
0xf9: {  	v21 =	vbroadcast v21, $0xF;
	v37 =	vadd.f32 v18, v35;
	v43, _, _ =	vpop (xrf2);
	(erf) = vrcp.f32 v33  }
0xfa: {  	s26 =	simm.s32 $0x80A0;
	s20 =	simm.s32 $0xC0;
	v30 =	vadd.f32 v41, v30;
	v36 =	vpop (erf);
	v38 =	vbroadcast v38, $0xF;
	v49 =	vbroadcast v43, $0xF  }
0xfb: {  	s29 =	sor.u32 $0x50, s20;
	v19 =	vbroadcast v19, $0xF;
	[tilespmem:s26+$0x20] =	vst v34;
	v21 =	vadd.f32 v21, v28;
	v40 =	vadd.f32 v24, v37;
	v42 =	vpop (erf)  }
0xfc: {  	s30 =	sor.u32 $0x60, s20;
	v25 =	vld.idx.msk [tilespmem:v25+s10+$0x0], $0xffff;
	[tilespmem:s29+$0x8000] =	vst v30;
	v28 =	vadd.f32 v38, v55;
	v55 =	vadd.f32 v49, v39;
	v61 =	vmul.f32 $1.270000000e+02, v42  }
0xfd: {  	v19 =	vadd.f32 v19, v27;
	v29 =	vld.idx.msk [tilespmem:v29+s10+$0x0], $0xffff;
	v33 =	vmul.f32 v53, v63;
	[tilespmem:s30+$0x8000] =	vst v21  }
0xfe: {  	s31 =	sor.u32 $0x70, s20;
	(xrf2) =	vadd.scan.msk.f32 $0xffff, v40;
	v43 =	vmin.f32 v55, $6.200000000e+01;
	v51 =	vmul.f32 v61, v34;
	v27 =	vmul.f32 v61, v30  }
0xff: {  	[tilespmem:s31+$0x8000] =	vst v28;
	(xrf2) =	vadd.scan.msk.f32 $0xffff, v37;
	v56 =	vmul.f32 v61, v21;
	v30 =	vtrunc.f32 v43  }
0x100: {  	(xrf2) =	vadd.scan.msk.f32 $0xffff, v35;
	v57 =	vmul.f32 v61, v28;
	v61 =	vadd.f32 $-1.000000000e+00, v55;
	v28 =	vcvt.f32.s32 v30  }
0x101: {  	v20 =	vsub.f32 v52, v20;
	(xrf2) =	vadd.scan.msk.f32 $0xffff, v22;
	v22 =	vtrunc.f32 v51;
	v42 =	vtrunc.f32 v27  }
0x102: {  	s0 =	simm.s32 $0xA1B0;
	v21 =	vsub.f32 v29, v25;
	(xrf2) =	vadd.scan.msk.f32 $0xffff, v24;
	v24 =	vtrunc.f32 v61;
	v29 =	vtrunc.f32 v56;
	v49 =	vpop (erf)  }
0x103: {  	v3 =	vadd.f32 v3, v14;
	[tilespmem:s0+$0x0] =	vst v62;
	v24 =	vcvt.f32.s32 v24;
	v20 =	vmul.f32 v49, v20  }
0x104: {  	[tilespmem:s0+$0x10] =	vst v62;
	v30 =	vtrunc.f32 v57;
	vm2 =	vgt.f32 v51, v22;
	vm3 =	vgt.f32 v27, v42  }
0x105: {  	[tilespmem:s0+$0x20] =	vst v62;
	v22 =	vcvt.f32.s32 v22;
	v20 =	vmul.f32 v20, v21;
	v21 =	vadd.s32 s17, v24  }
0x106: {  	s21 =	simm.s32 $0x1B0;
	(xrf2) =	vadd.scan.msk.f32 $0xffff, v31;
	v27 =	vadd.s32 s17, v28;
	v31 =	vcvt.f32.s32 v42;
	vm10 =	vgt.f32 v56, v29  }
0x107: {  	[tilespmem:s0+$0x30] =	vst v62;
	v51 =	vld.idx.msk [tilespmem:v16+s10+$0x0], $0xffff;
	v16 =	vsel vm2, $0x1, v44;
	v22 =	vadd.s32 s21, v22;
	v20 =	vadd.f32 v20, v25  }
0x108: {  	[tilespmem:s0+$0x40] =	vst v62;
	v52 =	vsel vm3, $0x1, v44;
	vm2 =	vgt.f32 v57, v30;
	v16 =	vadd.s32 v16, v22  }
0x109: {  	v15 =	vld.idx.msk [tilespmem:v15+s10+$0x0], $0xffff;
	v22 =	vadd.s32 s21, v31;
	v25 =	vcvt.f32.s32 v29;
	v29 =	vcvt.f32.s32 v30;
	[tilespmem:s15+$0x30] =	vst v20  }
0x10a: {  	v17 =	vsub.f32 v33, v17;
	[tilespmem:s0+$0x50] =	vst v62;
	v22 =	vadd.s32 v52, v22;
	v30 =	vsel vm2, $0x1, v44;
	v21 =	vld.idx.msk [tilespmem:v21+s5+$0x0], $0xffff  }
0x10b: {  	(xrf2) =	vadd.scan.msk.f32 $0xffff, v0;
	v20 =	vsel vm10, $0x1, v44;
	v25 =	vadd.s32 s21, v25;
	v14 =	vld.idx.msk [tilespmem:v27+s5+$0x0], $0xffff;
	v27 =	vadd.s32 v29, v30  }
0x10c: {  	[tilespmem:s0+$0x60] =	vst v62;
	(xrf2) =	vadd.scan.msk.f32 $0xffff, v3;
	v20 =	vadd.s32 v20, v25;
	v27 =	vsel vm1, $0x8F, v27  }
0x10d: {  	s22 =	sand.u32 $0x7FF0, s21;
	[tilespmem:s0+$0x70] =	vst v62;
	v25 =	vadd.f32 $-1.000000000e+00, v19;
	v27 =	vadd.s32 s21, v27  }
0x10e: {  	[tilespmem:s22+$0xA080] =	vst v62;
	v19 =	vmin.f32 v19, $6.200000000e+01;
	v29 =	vsub.f32 v15, v51  }
0x10f: {  	[tilespmem:v16+s4+$0x0] =	vst.idx.add.f32.msk $0xffff, v54;
	v30, _, _ =	vpop (xrf2);
	v25 =	vtrunc.f32 v25  }
0x110: {  	v16 =	vmul.f32 v36, v17;
	[tilespmem:v22+s4+$0x0] =	vst.idx.add.f32.msk $0xffff, v54;
	v17, _, _ =	vpop (xrf2);
	v15 =	vcvt.f32.s32 v25;
	v22 =	vsub.f32 v14, v21  }
0x111: {  	v61 =	vbroadcast v30, $0xF;
	v14 =	vtrunc.f32 v19;
	v19, _, _ =	vpop (xrf2);
	[tilespmem:v20+s4+$0x0] =	vst.idx.add.f32.msk $0xffff, v54  }
0x112: {  	v25 =	vmul.f32 v16, v29;
	v20 =	vadd.s32 s19, v15;
	v29, _, _ =	vpop (xrf2);
	[tilespmem:v27+s4+$0x0] =	vst.idx.add.f32.msk $0xffff, v54;
	vm2 =	vlt.f32 v22, v4  }
0x113: {  	(erf) = vrcp.f32 v61;
	v27, _, _ =	vpop (xrf2);
	v16 =	vld [tilespmem:s0+$0x0];
	v22 =	vsel vm2, v23, v22  }
0x114: {  	v25 =	vadd.f32 v25, v51;
	v30, _, _ =	vpop (xrf2);
	(erf) = vrcp.f32 v22  }
0x115: {  	v8 =	vadd.f32 v8, v13;
	v14 =	vcvt.f32.s32 v14;
	v31, _, _ =	vpop (xrf2)  }
0x116: {  	[tilespmem:s15+$0xFFFFFF90] =	vst v25;
	(xrf2) =	vadd.scan.msk.f32 $0xffff, v18;
	v18, _, _ =	vpop (xrf2)  }
0x117: {  	v22 =	vadd.s32 s19, v14;
	(xrf2) =	vadd.scan.msk.f32 $0xffff, v8;
	v13 =	vld.idx.msk [tilespmem:v20+s5+$0x0], $0xffff;
	v18 =	vbroadcast v18, $0xF  }
0x118: {  	v20 =	vld.idx.msk [tilespmem:v24+s10+$0x0], $0xffff;
	(xrf2) =	vadd.scan.msk.f32 $0xffff, v16  }
0x119: {  	v25 =	vmul.f32 v46, v23;
	v24 =	vld.idx.msk [tilespmem:v28+s10+$0x0], $0xffff;
	v18 =	vadd.f32 v18, v31  }
0x11a: {  	v40 =	vadd.f32 v0, v3;
	v17 =	vbroadcast v17, $0xF  }
0x11b: {  	v19 =	vbroadcast v19, $0xF;
	v21 =	vsub.f32 v25, v21;
	v28 =	vadd.f32 $-1.000000000e+00, v18  }
0x11c: {  	v25 =	vadd.f32 $0.0e+00, v29;
	v29 =	vbroadcast v29, $0xF;
	v31 =	vpop (erf);
	v22 =	vld.idx.msk [tilespmem:v22+s5+$0x0], $0xffff;
	v18 =	vmin.f32 v18, $6.200000000e+01  }
0x11d: {  	v17 =	vadd.f32 v17, v27;
	v18 =	vtrunc.f32 v18;
	v28 =	vtrunc.f32 v28;
	v55 =	vpop (erf)  }
0x11e: {  	v24 =	vsub.f32 v24, v20;
	v28 =	vcvt.f32.s32 v28;
	v21 =	vmul.f32 v55, v21  }
0x11f: {  	v8 =	vadd.f32 v12, v8;
	v29 =	vadd.f32 v29, v30;
	v56 =	vcvt.f32.s32 v18  }
0x120: {  	v31 =	vmul.f32 $1.270000000e+02, v31;
	v27, _, _ =	vpop (xrf2);
	v21 =	vmul.f32 v21, v24;
	v24 =	vadd.s32 s17, v28  }
0x121: {  	(xrf2) =	vadd.scan.msk.f32 $0xffff, v12;
	v22 =	vsub.f32 v22, v13;
	v18, _, _ =	vpop (xrf2);
	v30 =	vadd.s32 s17, v56;
	v0 =	vadd.f32 v19, v27  }
0x122: {  	[tilespmem:s26+$0x10] =	vst v17;
	(xrf2) =	vadd.scan.msk.f32 $0xffff, v8;
	v57, _, _ =	vpop (xrf2);
	v20 =	vadd.f32 v21, v20  }
0x123: {  	v17 =	vmul.f32 v31, v17;
	vm2 =	vlt.f32 v22, v60;
	[tilespmem:s26+$0x0] =	vst v0;
	v21 =	vadd.f32 $0.0e+00, v57  }
0x124: {  	v3 =	vmul.f32 v31, v29;
	v0 =	vmul.f32 v31, v0;
	v22 =	vsel vm2, v63, v22;
	[tilespmem:s15+$0x40] =	vst v20  }
0x125: {  	(xrf2) =	vadd.scan.msk.f32 $0xffff, v5;
	(erf) = vrcp.f32 v22;
	v12 =	vadd.f32 $-1.000000000e+00, v21;
	v20 =	vmin.f32 v21, $6.200000000e+01;
	v24 =	vld.idx.msk [tilespmem:v24+s5+$0x0], $0xffff  }
0x126: {  	[tilespmem:s26+$0xFFFFFFE0] =	vst v25;
	(xrf2) =	vadd.scan.msk.f32 $0xffff, v40;
	v21 =	vtrunc.f32 v17;
	v19 =	vtrunc.f32 v20;
	v20 =	vld.idx.msk [tilespmem:v30+s5+$0x0], $0xffff  }
0x127: {  	[tilespmem:s26+$0xFFFFFFF0] =	vst v29;
	v12 =	vtrunc.f32 v12;
	v19 =	vcvt.f32.s32 v19  }
0x128: {  	[tilespmem:s0+$0xFFFFFF70] =	vst v62;
	v22 =	vmul.f32 v31, v25;
	vm2 =	vgt.f32 v17, v21;
	v12 =	vcvt.f32.s32 v12  }
0x129: {  	[tilespmem:s0+$0xFFFFFF80] =	vst v62;
	v25 =	vcvt.f32.s32 v21;
	v21 =	vsel vm2, $0x1, v44;
	v27 =	vadd.s32 s20, v19  }
0x12a: {  	v8 =	vadd.f32 v1, v8;
	[tilespmem:s0+$0xFFFFFF90] =	vst v62;
	v31 =	vtrunc.f32 v0;
	v29 =	vadd.s32 s20, v12  }
0x12b: {  	(xrf2) =	vadd.scan.msk.f32 $0xffff, v1;
	[tilespmem:s0+$0xFFFFFFA0] =	vst v62;
	v43 =	vcvt.f32.s32 v31;
	v20 =	vsub.f32 v20, v24  }
0x12c: {  	v49 =	vld [tilespmem:s0+$0x10];
	[tilespmem:s0+$0xFFFFFFB0] =	vst v62;
	v17 =	vtrunc.f32 v22;
	v30 =	vtrunc.f32 v3;
	v25 =	vadd.s32 v25, v21;
	v21, _, _ =	vpop (xrf2)  }
0x12d: {  	[tilespmem:s0+$0xFFFFFFC0] =	vst v62;
	v41 =	vcvt.f32.s32 v17;
	vm11 =	vgt.f32 v3, v30;
	v3, _, _ =	vpop (xrf2);
	vm2 =	vlt.f32 v20, v4  }
0x12e: {  	s22 =	simm.s32 $0x120;
	v42 =	vcvt.f32.s32 v30;
	vm3 =	vgt.f32 v22, v17;
	v17 =	vld.idx.msk [tilespmem:v27+s5+$0x0], $0xffff;
	v20 =	vsel vm2, v23, v20;
	[tilespmem:$0x1FC30] =	vst v3  }
0x12f: {  	v1, _, _ =	vpop (xrf2);
	v27 =	vsel vm3, $0x1, v44;
	v22 =	vld.idx.msk [tilespmem:v29+s5+$0x0], $0xffff;
	(erf) = vrcp.f32 v20;
	v20 =	vadd.s32 s22, v41  }
0x130: {  	(xrf2) =	vadd.scan.msk.f32 $0xffff, v8;
	v30 =	vsel vm11, $0x1, v44;
	v8, _, _ =	vpop (xrf2);
	vm2 =	vgt.f32 v0, v31;
	v20 =	vadd.s32 v27, v20  }
0x131: {  	(xrf2) =	vadd.scan.msk.f32 $0xffff, v49;
	v0 =	vsel vm1, $0x8F, v25;
	v25 =	vadd.s32 s22, v42;
	v8 =	vbroadcast v8, $0xF  }
0x132: {  	v29 =	vadd.s32 s22, v43;
	v25 =	vadd.s32 v30, v25;
	[tilespmem:s0+$0xFFFFFFD0] =	vst v62;
	v27 =	vsel vm2, $0x1, v44  }
0x133: {  	s16 =	sand.u32 $0x7FE0, s22;
	v28 =	vld.idx.msk [tilespmem:v28+s10+$0x0], $0xffff;
	[tilespmem:s0+$0xFFFFFFE0] =	vst v62;
	v1 =	vadd.f32 v8, v1;
	v27 =	vadd.s32 v27, v29  }
0x134: {  	v30 =	vadd.s32 s22, v0;
	v0 =	vmul.f32 $9.999999740e-06, v26;
	[tilespmem:s16+$0xA080] =	vst v62;
	v29 =	vld.idx.msk [tilespmem:v56+s10+$0x0], $0xffff;
	v17 =	vsub.f32 v17, v22  }
0x135: {  	[tilespmem:v20+s4+$0x0] =	vst.idx.add.f32.msk $0xffff, v54;
	v20 =	vadd.f32 $-1.000000000e+00, v1  }
0x136: {  	v8 =	vmul.f32 v50, v23;
	v1 =	vmin.f32 v1, $6.200000000e+01;
	vm2 =	vlt.f32 v17, v0  }
0x137: {  	v31 =	vpop (erf);
	[tilespmem:v25+s4+$0x0] =	vst.idx.add.f32.msk $0xffff, v54;
	v1 =	vtrunc.f32 v1;
	v17 =	vsel vm2, v26, v17  }
0x138: {  	v3, _, _ =	vpop (xrf2);
	v8 =	vsub.f32 v8, v24;
	[tilespmem:v27+s4+$0x0] =	vst.idx.add.f32.msk $0xffff, v54;
	(erf) = vrcp.f32 v17;
	v17 =	vtrunc.f32 v20  }
0x139: {  	v51 =	vcvt.f32.s32 v1;
	[tilespmem:v30+s4+$0x0] =	vst.idx.add.f32.msk $0xffff, v54;
	v20 =	vpop (erf);
	v25 =	vcvt.f32.s32 v17  }
0x13a: {  	v24 =	vsub.f32 v29, v28;
	[tilespmem:$0x1FC40] =	vst v3;
	v1, _, _ =	vpop (xrf2);
	v17 =	vbroadcast v57, $0xF;
	v20 =	vmul.f32 v20, v8  }
0x13b: {  	v27 =	vld [tilespmem:s0+$0xFFFFFF70];
	[tilespmem:$0x1FC50] =	vst v1;
	v29, _, _ =	vpop (xrf2)  }
0x13c: {  	(xrf2) =	vadd.scan.msk.f32 $0xffff, v11;
	v19 =	vld.idx.msk [tilespmem:v19+s10+$0x0], $0xffff;
	v17 =	vadd.f32 v17, v29;
	v20 =	vmul.f32 v20, v24;
	v24 =	vadd.s32 s17, v25  }
0x13d: {  	v11 =	vmul.f32 v48, v26;
	v30 =	vadd.s32 s17, v51;
	v12 =	vld.idx.msk [tilespmem:v12+s10+$0x0], $0xffff  }
0x13e: {  	v33 =	vld [tilespmem:s0+$0xFFFFFF80];
	v20 =	vadd.f32 v20, v28;
	v28 =	vadd.f32 $-1.000000000e+00, v17;
	v17 =	vmin.f32 v17, $6.200000000e+01  }
0x13f: {  	v8 =	vld [tilespmem:s0+$0x70];
	v17 =	vtrunc.f32 v17  }
0x140: {  	v11 =	vsub.f32 v11, v22;
	(xrf2) =	vadd.scan.msk.f32 $0xffff, v27;
	[tilespmem:s15+$0x50] =	vst v20;
	v35 =	vcvt.f32.s32 v17;
	v17 =	vld [tilespmem:s0+$0x30]  }
0x141: {  	v20 =	vtrunc.f32 v28;
	v22 =	vld.idx.msk [tilespmem:v24+s5+$0x0], $0xffff;
	v24 =	vpop (erf)  }
0x142: {  	v19 =	vsub.f32 v19, v12;
	v28 =	vld.idx.msk [tilespmem:v30+s5+$0x0], $0xffff;
	v11 =	vmul.f32 v24, v11;
	v24 =	vcvt.f32.s32 v20  }
0x143: {  	v30 =	vld [tilespmem:s0+$0x40]  }
0x144: {  	v5 =	vadd.f32 v5, v40;
	v20 =	vld [tilespmem:s0+$0x20];
	v11 =	vmul.f32 v11, v19;
	v29 =	vadd.s32 s20, v24  }
0x145: {  	(xrf2) =	vadd.scan.msk.f32 $0xffff, v2;
	v52 =	vadd.s32 s20, v35;
	v19 =	vld [tilespmem:s0+$0x50]  }
0x146: {  	v10 =	vbroadcast v10, $0xF;
	v1, _, _ =	vpop (xrf2);
	(xrf2) =	vadd.scan.msk.f32 $0xffff, v5;
	v5 =	vadd.f32 v11, v12;
	v11 =	vld [tilespmem:s0+$0x60]  }
0x147: {  	s16 =	simm.s32 $0x4180;
	v54 =	vmul.f32 v59, v63;
	v12 =	vld.idx.msk [tilespmem:v15+s10+$0x0], $0xffff;
	[tilespmem:$0x1FC60] =	vst v1  }
0x148: {  	v6 =	vadd.f32 v10, v6;
	v14 =	vld.idx.msk [tilespmem:v14+s10+$0x0], $0xffff;
	[tilespmem:s16+$0x0] =	vst v5  }
0x149: {  	v16 =	vadd.f32 v49, v16;
	v13 =	vsub.f32 v54, v13;
	(xrf2) =	vadd.scan.msk.f32 $0xffff, v33;
	v36 =	vld.idx.msk [tilespmem:v29+s5+$0x0], $0xffff  }
0x14a: {  	v28 =	vsub.f32 v28, v22;
	(xrf2) =	vadd.scan.msk.f32 $0xffff, v20;
	v5 =	vadd.f32 $-1.000000000e+00, v6;
	v15, _, _ =	vpop (xrf2);
	v34 =	vld.idx.msk [tilespmem:v52+s5+$0x0], $0xffff  }
0x14b: {  	v13 =	vmul.f32 v31, v13;
	v32 =	vld.idx.msk [tilespmem:v51+s10+$0x0], $0xffff;
	v51 =	vmul.f32 v47, v23;
	(xrf2) =	vadd.scan.msk.f32 $0xffff, v16;
	v29 =	vadd.f32 $0.0e+00, v15  }
0x14c: {  	v6 =	vmin.f32 v6, $6.200000000e+01;
	vm2 =	vlt.f32 v28, v4;
	v5 =	vtrunc.f32 v5  }
0x14d: {  	v39 =	vcvt.f32.s32 v5;
	v5 =	vsel vm2, v23, v28;
	v55 =	vadd.f32 $-1.000000000e+00, v29  }
0x14e: {  	v6 =	vtrunc.f32 v6;
	(erf) = vrcp.f32 v5;
	v14 =	vsub.f32 v14, v12  }
0x14f: {  	v29 =	vmin.f32 v29, $6.200000000e+01;
	v28 =	vtrunc.f32 v55;
	v34 =	vsub.f32 v34, v36  }
0x150: {  	v57 =	vtrunc.f32 v29;
	v13 =	vmul.f32 v13, v14  }
0x151: {  	v43 =	vld.idx.msk [tilespmem:v25+s10+$0x0], $0xffff;
	v6 =	vcvt.f32.s32 v6;
	v56, _, _ =	vpop (xrf2);
	v14 =	vcvt.f32.s32 v57;
	vm2 =	vlt.f32 v34, v0  }
0x152: {  	s21 =	simm.s32 $0x80;
	v5 =	vld [tilespmem:s0+$0xFFFFFF90];
	v38 =	vcvt.f32.s32 v28;
	v12 =	vadd.f32 v13, v12;
	v28, _, _ =	vpop (xrf2);
	v34 =	vsel vm2, v26, v34  }
0x153: {  	v13 =	vadd.s32 s21, v14;
	v49 =	vbroadcast v28, $0xF;
	v44, _, _ =	vpop (xrf2);
	(erf) = vrcp.f32 v34  }
0x154: {  	v27 =	vadd.f32 v33, v27;
	v24 =	vld.idx.msk [tilespmem:v24+s10+$0x0], $0xffff;
	v41 =	vadd.s32 s21, v38;
	v52, _, _ =	vpop (xrf2)  }
0x155: {  	v22 =	vsub.f32 v51, v22;
	v33 =	vld.idx.msk [tilespmem:v35+s10+$0x0], $0xffff;
	v54 =	vadd.s32 s19, v6;
	v37 =	vadd.f32 v49, v56;
	v56, _, _ =	vpop (xrf2)  }
0x156: {  	v32 =	vsub.f32 v32, v43;
	v40 =	vadd.s32 s19, v39;
	v49 =	vbroadcast v56, $0xF  }
0x157: {  	v31 =	vld [tilespmem:s0+$0xFFFFFFA0];
	v57 =	vmov v46;
	v46 =	vadd.f32 v5, v27;
	[tilespmem:s15+$0xFFFFFFA0] =	vst v12;
	v12 =	vpop (erf);
	v55 =	vadd.f32 $-1.000000000e+00, v37  }
0x158: {  	(xrf2) =	vadd.scan.msk.f32 $0xffff, v27;
	v13 =	vld.idx.msk [tilespmem:v13+s5+$0x0], $0xffff;
	v22 =	vmul.f32 v12, v22;
	v51 =	vadd.f32 v49, v52  }
0x159: {  	(xrf2) =	vadd.scan.msk.f32 $0xffff, v5;
	v41 =	vld.idx.msk [tilespmem:v41+s5+$0x0], $0xffff;
	v37 =	vmin.f32 v37, $6.200000000e+01;
	v52 =	vmul.f32 v53, v26;
	v5 =	vtrunc.f32 v55  }
0x15a: {  	v33 =	vsub.f32 v33, v24;
	v27 =	vtrunc.f32 v37;
	v12 =	vcvt.f32.s32 v5  }
0x15b: {  	v58 =	vmovc v53;
	v34 =	vld.idx.msk [tilespmem:v40+s5+$0x0], $0xffff;
	v5 =	vcvt.f32.s32 v27;
	v27 =	vadd.f32 $-1.000000000e+00, v51;
	v36 =	vsub.f32 v52, v36  }
0x15c: {  	(xrf2) =	vadd.scan.msk.f32 $0xffff, v46;
	v53 =	vld.idx.msk [tilespmem:v54+s5+$0x0], $0xffff;
	v54 =	vmul.f32 v22, v32;
	v49 =	vmin.f32 v51, $6.200000000e+01;
	v55 =	vadd.s32 s17, v12;
	v51 =	vpop (erf)  }
0x15d: {  	(xrf2) =	vadd.scan.msk.f32 $0xffff, v31;
	v56 =	vadd.s32 s17, v5;
	v27 =	vtrunc.f32 v27;
	v36 =	vmul.f32 v51, v36  }
0x15e: {  	v32 =	vld.idx.msk [tilespmem:v39+s10+$0x0], $0xffff;
	v39 =	vcvt.f32.s32 v27;
	v27 =	vsub.f32 v13, v41;
	v13 =	vtrunc.f32 v49  }
0x15f: {  	v1 =	vmul.f32 $9.999999740e-06, v61;
	v35 =	vld.idx.msk [tilespmem:v6+s10+$0x0], $0xffff;
	v6 =	vadd.f32 v54, v43;
	v42 =	vcvt.f32.s32 v13  }
0x160: {  	v15 =	vbroadcast v15, $0xF;
	v29 =	vld [tilespmem:s0+$0xFFFFFFB0];
	v33 =	vmul.f32 v36, v33;
	v52 =	vadd.s32 s20, v39  }
0x161: {  	[tilespmem:s15+$0x60] =	vst v6;
	v13 =	vadd.f32 v31, v46;
	v31 =	vsub.f32 v53, v34;
	v53 =	vld.idx.msk [tilespmem:v14+s10+$0x0], $0xffff;
	v6 =	vadd.s32 s20, v42  }
0x162: {  	vm2 =	vlt.f32 v27, v1;
	v14 =	vld.idx.msk [tilespmem:v55+s5+$0x0], $0xffff;
	v24 =	vadd.f32 v33, v24  }
0x163: {  	s23 =	simm.s32 $0x280;
	v15 =	vadd.f32 v15, v44;
	v54 =	vsel vm2, v61, v27;
	v55 =	vld.idx.msk [tilespmem:v56+s5+$0x0], $0xffff  }
0x164: {  	v44 =	vadd.f32 v20, v16;
	v20 =	vld [tilespmem:s23+$0x0];
	v37, _, _ =	vpop (xrf2);
	(xrf2) =	vadd.scan.msk.f32 $0xffff, v13;
	(erf) = vrcp.f32 v54;
	[tilespmem:s16+$0x10] =	vst v24  }
0x165: {  	v36, _, _ =	vpop (xrf2);
	(xrf2) =	vadd.scan.msk.f32 $0xffff, v29;
	v43 =	vld.idx.msk [tilespmem:v52+s5+$0x0], $0xffff  }
0x166: {  	vm2 =	vlt.f32 v31, v60;
	v27, _, _ =	vpop (xrf2);
	(xrf2) =	vadd.scan.msk.f32 $0xffff, v17;
	v6 =	vld.idx.msk [tilespmem:v6+s5+$0x0], $0xffff  }
0x167: {  	v16 =	vadd.f32 $-1.000000000e+00, v15;
	v15 =	vmin.f32 v15, $6.200000000e+01;
	v31 =	vsel vm2, v63, v31;
	v56 =	vld [tilespmem:s23+$0x10];
	v24, _, _ =	vpop (xrf2);
	(xrf2) =	vadd.scan.msk.f32 $0xffff, v44  }
0x168: {  	v10 =	vmovc v45;
	v38 =	vld.idx.msk [tilespmem:v38+s10+$0x0], $0xffff;
	(erf) = vrcp.f32 v31;
	v31 =	vmul.f32 v48, v61;
	v45 =	vsub.f32 v55, v14  }
0x169: {  	v15 =	vtrunc.f32 v15;
	v16 =	vtrunc.f32 v16;
	v20 =	vadd.f32 $9.999999740e-06, v20  }
0x16a: {  	v41 =	vsub.f32 v31, v41;
	v31 =	vcvt.f32.s32 v16;
	v16 =	vld [tilespmem:s23+$0x20];
	vm2 =	vlt.f32 v45, v4  }
0x16b: {  	v49 =	vld [tilespmem:s23+$0x30];
	v4 =	vcvt.f32.s32 v15;
	v15 =	vsel vm2, v23, v45;
	v6 =	vsub.f32 v6, v43  }
0x16c: {  	v3 =	vmov v47;
	v20 =	vsel vm0, $0x0, v20;
	v33 =	vadd.f32 $9.999999740e-06, v56  }
0x16d: {  	v40 =	vsub.f32 v53, v38;
	v54 =	vmov v0;
	v51 =	vpop (erf);
	vm2 =	vlt.f32 v6, v0  }
0x16e: {  	v47 =	vadd.f32 v33, v20;
	(erf) = vrcp.f32 v15;
	v15, _, _ =	vpop (xrf2);
	v53 =	vsel vm2, v26, v6  }
0x16f: {  	v16 =	vadd.f32 $9.999999740e-06, v16;
	v41 =	vmul.f32 v51, v41;
	v0, _, _ =	vpop (xrf2);
	(erf) = vrcp.f32 v53  }
0x170: {  	v25 =	vld [tilespmem:s0+$0xFFFFFFD0];
	v55 =	vadd.f32 $9.999999740e-06, v49;
	v45 =	vadd.s32 s21, v31;
	v56, _, _ =	vpop (xrf2)  }
0x171: {  	v28 =	vld [tilespmem:s0+$0xFFFFFFC0];
	(xrf2) =	vadd.scan.msk.f32 $0xffff, v33;
	v52 =	vadd.s32 s21, v4;
	v49 =	vadd.f32 v16, v47;
	v40 =	vmul.f32 v41, v40;
	v53, _, _ =	vpop (xrf2)  }
0x172: {  	v22 =	vld [tilespmem:s0+$0xFFFFFFE0];
	(xrf2) =	vadd.scan.msk.f32 $0xffff, v16;
	v16 =	vsel vm1, $0x0, v55;
	[tilespmem:$0x1FC80] =	vst v0;
	v33 =	vbroadcast v53, $0xF  }
0x173: {  	(xrf2) =	vadd.scan.msk.f32 $0xffff, v16;
	v16 =	vadd.f32 v16, v49;
	v38 =	vadd.f32 v40, v38;
	v39 =	vld.idx.msk [tilespmem:v39+s10+$0x0], $0xffff  }
0x174: {  	(xrf2) =	vadd.scan.msk.f32 $0xffff, v20;
	v20 =	vld.idx.msk [tilespmem:v42+s10+$0x0], $0xffff;
	v55 =	vadd.f32 v33, v56  }
0x175: {  	[tilespmem:s16+$0xFFFFFF80] =	vst v38;
	v56 =	vmul.f32 v59, v26  }
0x176: {  	v41 =	vpop (erf);
	(xrf2) =	vadd.scan.msk.f32 $0xffff, v16;
	v51 =	vld.idx.msk [tilespmem:v52+s5+$0x0], $0xffff;
	v52 =	vadd.f32 $-1.000000000e+00, v55  }
0x177: {  	v33 =	vld.idx.msk [tilespmem:v45+s5+$0x0], $0xffff;
	v16 =	vpop (erf);
	v40 =	vsub.f32 v56, v43;
	v38 =	vmin.f32 v55, $6.200000000e+01  }
0x178: {  	v38 =	vtrunc.f32 v38;
	v53 =	vtrunc.f32 v52;
	v55 =	vpop (erf)  }
0x179: {  	v20 =	vsub.f32 v20, v39;
	v40 =	vmul.f32 v55, v40;
	v43 =	vcvt.f32.s32 v53  }
0x17a: {  	v38 =	vcvt.f32.s32 v38  }
0x17b: {  	v20 =	vmul.f32 v40, v20;
	v40 =	vadd.s32 s20, v43  }
0x17c: {  	v9 =	vbroadcast v9, $0xF;
	v45, _, _ =	vpop (xrf2);
	v42 =	vsub.f32 v51, v33;
	v56 =	vadd.s32 s20, v38  }
0x17d: {  	v46, _, _ =	vpop (xrf2);
	v20 =	vadd.f32 v20, v39  }
0x17e: {  	v7 =	vadd.f32 v9, v7;
	v18 =	vbroadcast v18, $0xF;
	(xrf2) =	vadd.scan.msk.f32 $0xffff, v47;
	v47, _, _ =	vpop (xrf2);
	v55 =	vld [tilespmem:s23+$0xFFFFFF80];
	vm2 =	vlt.f32 v42, v1  }
0x17f: {  	v2 =	vmov v50;
	(xrf2) =	vadd.scan.msk.f32 $0xffff, v49;
	v50, _, _ =	vpop (xrf2);
	v51 =	vld [tilespmem:s23+$0xFFFFFF90];
	v42 =	vsel vm2, v61, v42;
	[tilespmem:s16+$0x20] =	vst v20  }
0x180: {  	v18 =	vadd.f32 v18, v21;
	v37 =	vbroadcast v37, $0xF;
	v9, _, _ =	vpop (xrf2);
	(erf) = vrcp.f32 v42;
	v40 =	vld.idx.msk [tilespmem:v40+s5+$0x0], $0xffff  }
0x181: {  	(xrf2) =	vadd.scan.msk.f32 $0xffff, v30;
	v42 =	vadd.f32 v17, v44;
	v17 =	vmul.f32 v10, v63;
	v20 =	vbroadcast v9, $0xF;
	v44 =	vld.idx.msk [tilespmem:v56+s5+$0x0], $0xffff  }
0x182: {  	v35 =	vsub.f32 v35, v32;
	v13 =	vadd.f32 v29, v13;
	v56 =	vld [tilespmem:s23+$0xFFFFFFB0]  }
0x183: {  	v36 =	vadd.f32 v37, v36;
	v48 =	vld [tilespmem:s23+$0xFFFFFFA0];
	(xrf2) =	vadd.scan.msk.f32 $0xffff, v42;
	v17 =	vsub.f32 v17, v34;
	(erf) = vrcp.f32 v20  }
0x184: {  	v39 =	vadd.f32 $9.999999740e-06, v55;
	v51 =	vadd.f32 $9.999999740e-06, v51  }
0x185: {  	v9 =	vadd.f32 $-1.000000000e+00, v7;
	v7 =	vmin.f32 v7, $6.200000000e+01;
	v41 =	vmul.f32 v41, v17  }
0x186: {  	v42 =	vadd.f32 v30, v42;
	v7 =	vtrunc.f32 v7;
	v39 =	vsel vm0, $0x0, v39  }
0x187: {  	v6 =	vmovc v54;
	v35 =	vmul.f32 v41, v35;
	v44 =	vsub.f32 v44, v40;
	v49 =	vadd.f32 $9.999999740e-06, v56  }
0x188: {  	v9 =	vtrunc.f32 v9;
	v53 =	vadd.f32 v51, v39;
	v17 =	vadd.f32 $9.999999740e-06, v48;
	v48, _, _ =	vpop (xrf2)  }
0x189: {  	v48 =	vbroadcast v48, $0xF;
	v41, _, _ =	vpop (xrf2);
	v32 =	vadd.f32 v35, v32;
	vm2 =	vlt.f32 v44, v54  }
0x18a: {  	v35 =	vbroadcast v50, $0xF;
	v34 =	vpop (erf);
	v54 =	vadd.f32 v17, v53;
	v44 =	vsel vm2, v26, v44  }
0x18b: {  	v50 =	vadd.f32 $0.0e+00, v50;
	v37 =	vsel vm1, $0x0, v49;
	v49, _, _ =	vpop (xrf2);
	(erf) = vrcp.f32 v44  }
0x18c: {  	s24 =	simm.s32 $0x8120;
	s26 =	simm.s32 $0x140;
	v7 =	vcvt.f32.s32 v7;
	v35 =	vadd.f32 v35, v45;
	[tilespmem:s15+$0xFFFFFFB0] =	vst v32;
	v44 =	vadd.f32 v37, v54;
	v55 =	vpop (erf)  }
0x18d: {  	s25 =	sor.u32 $0x50, s26;
	v9 =	vcvt.f32.s32 v9;
	v46 =	vadd.f32 v48, v46;
	v41 =	vbroadcast v41, $0xF;
	[tilespmem:s24+$0x20] =	vst v50;
	v56, _, _ =	vpop (xrf2)  }
0x18e: {  	s29 =	sor.u32 $0x60, s26;
	v43 =	vld.idx.msk [tilespmem:v43+s10+$0x0], $0xffff;
	[tilespmem:s25+$0x8000] =	vst v35;
	(xrf2) =	vadd.scan.msk.f32 $0xffff, v44;
	v44 =	vmul.f32 $1.270000000e+02, v55;
	v45 =	vbroadcast v56, $0xF  }
0x18f: {  	v38 =	vld.idx.msk [tilespmem:v38+s10+$0x0], $0xffff;
	v52 =	vadd.s32 s19, v7;
	v48 =	vmul.f32 v10, v26;
	v41 =	vadd.f32 v41, v47;
	[tilespmem:s29+$0x8000] =	vst v46  }
0x190: {  	(xrf2) =	vadd.scan.msk.f32 $0xffff, v54;
	v47 =	vmul.f32 v44, v50;
	v45 =	vadd.f32 v45, v49;
	v32 =	vmul.f32 v44, v35  }
0x191: {  	v55 =	vadd.s32 s19, v9;
	(xrf2) =	vadd.scan.msk.f32 $0xffff, v53;
	v49 =	vmul.f32 v44, v46;
	v44 =	vmul.f32 v44, v41  }
0x192: {  	s30 =	sor.u32 $0x70, s26;
	(xrf2) =	vadd.scan.msk.f32 $0xffff, v39;
	v39 =	vtrunc.f32 v47;
	v53 =	vadd.f32 $-1.000000000e+00, v45;
	v45 =	vmin.f32 v45, $6.200000000e+01  }
0x193: {  	s31 =	simm.s32 $0xA2D0;
	v40 =	vsub.f32 v48, v40;
	[tilespmem:s30+$0x8000] =	vst v41;
	v50 =	vtrunc.f32 v32;
	v54 =	vtrunc.f32 v45  }
0x194: {  	[tilespmem:s31+$0x0] =	vst v62;
	vm2 =	vgt.f32 v47, v39;
	v39 =	vcvt.f32.s32 v39;
	v53 =	vtrunc.f32 v53;
	v48 =	vpop (erf)  }
0x195: {  	v38 =	vsub.f32 v38, v43;
	[tilespmem:s31+$0x10] =	vst v62;
	v45 =	vcvt.f32.s32 v53;
	v40 =	vmul.f32 v48, v40  }
0x196: {  	(xrf2) =	vadd.scan.msk.f32 $0xffff, v37;
	vm3 =	vgt.f32 v32, v50;
	v46 =	vcvt.f32.s32 v50;
	v37 =	vcvt.f32.s32 v54  }
0x197: {  	[tilespmem:s31+$0x20] =	vst v62;
	v47 =	vld.idx.msk [tilespmem:v55+s5+$0x0], $0xffff;
	v55 =	vimm.s32 $0x0;
	v38 =	vmul.f32 v40, v38;
	v40 =	vadd.s32 s20, v45  }
0x198: {  	s0 =	simm.s32 $0x2D0;
	[tilespmem:s31+$0x30] =	vst v62;
	v54 =	vtrunc.f32 v44;
	v53 =	vtrunc.f32 v49;
	v32 =	vadd.s32 s20, v37  }
0x199: {  	[tilespmem:s31+$0x40] =	vst v62;
	v35 =	vcvt.f32.s32 v54;
	v39 =	vadd.s32 s0, v39;
	v38 =	vadd.f32 v38, v43  }
0x19a: {  	(xrf2) =	vadd.scan.msk.f32 $0xffff, v51;
	v46 =	vadd.s32 s0, v46;
	vm12 =	vgt.f32 v49, v53;
	v48 =	vsel vm2, $0x1, v55  }
0x19b: {  	v49 =	vsel vm3, $0x1, v55;
	vm2 =	vgt.f32 v44, v54;
	v54 =	vmin.f32 v36, $6.200000000e+01;
	[tilespmem:s16+$0x30] =	vst v38;
	v38 =	vld.idx.msk [tilespmem:v52+s5+$0x0], $0xffff  }
0x19c: {  	(xrf2) =	vadd.scan.msk.f32 $0xffff, v19;
	v51 =	vsel vm12, $0x1, v55;
	v43 =	vcvt.f32.s32 v53;
	v53 =	vmul.f32 v58, v61;
	v40 =	vld.idx.msk [tilespmem:v40+s5+$0x0], $0xffff  }
0x19d: {  	v44 =	vsel vm2, $0x1, v55;
	v39 =	vadd.s32 v48, v39;
	v50 =	vadd.s32 v49, v46;
	v30 =	vld.idx.msk [tilespmem:v32+s5+$0x0], $0xffff  }
0x19e: {  	v48 =	vadd.s32 v35, v44;
	v43 =	vadd.s32 s0, v43;
	v33 =	vsub.f32 v53, v33;
	[tilespmem:s31+$0x50] =	vst v62;
	v31 =	vld.idx.msk [tilespmem:v31+s10+$0x0], $0xffff  }
0x19f: {  	v32 =	vsel vm1, $0x8F, v48;
	[tilespmem:s31+$0x60] =	vst v62;
	v41 =	vadd.s32 v51, v43;
	(xrf2) =	vadd.scan.msk.f32 $0xffff, v42;
	v4 =	vld.idx.msk [tilespmem:v4+s10+$0x0], $0xffff  }
0x1a0: {  	v0 =	vmovc v1;
	s23 =	sand.u32 $0x7FF0, s0;
	v21 =	vtrunc.f32 v54;
	v51 =	vadd.f32 $-1.000000000e+00, v36;
	[tilespmem:s31+$0x70] =	vst v62;
	v52 =	vadd.s32 s0, v32  }
0x1a1: {  	v1 =	vimm.f32 $1.000000000e+00;
	v56 =	vmovc v10;
	v10 =	vmovc v60;
	v9 =	vld.idx.msk [tilespmem:v9+s10+$0x0], $0xffff;
	[tilespmem:s23+$0xA080] =	vst v62;
	v33 =	vmul.f32 v34, v33;
	v34 =	vcvt.f32.s32 v21  }
0x1a2: {  	v49, _, _ =	vpop (xrf2);
	v48 =	vtrunc.f32 v51;
	[tilespmem:v39+s4+$0x0] =	vst.idx.add.f32.msk $0xffff, v1;
	v1 =	vimm.f32 $1.000000000e+00;
	v58 =	vsub.f32 v38, v47  }
0x1a3: {  	v39, _, _ =	vpop (xrf2);
	v32 =	vcvt.f32.s32 v48;
	[tilespmem:v50+s4+$0x0] =	vst.idx.add.f32.msk $0xffff, v1;
	v1 =	vimm.f32 $1.000000000e+00;
	v30 =	vsub.f32 v30, v40  }
0x1a4: {  	v43, _, _ =	vpop (xrf2);
	[tilespmem:v41+s4+$0x0] =	vst.idx.add.f32.msk $0xffff, v1;
	v4 =	vsub.f32 v4, v31;
	v1 =	vimm.f32 $1.000000000e+00;
	vm2 =	vlt.f32 v58, v60  }
0x1a5: {  	v38, _, _ =	vpop (xrf2);
	v21 =	vadd.s32 s21, v32;
	v60 =	vbroadcast v49, $0xF;
	[tilespmem:v52+s4+$0x0] =	vst.idx.add.f32.msk $0xffff, v1;
	v50 =	vsel vm2, v63, v58  }
0x1a6: {  	v41, _, _ =	vpop (xrf2);
	vm2 =	vlt.f32 v30, v6;
	v35 =	vld [tilespmem:s31+$0x0];
	v4 =	vmul.f32 v33, v4;
	(erf) = vrcp.f32 v50  }
0x1a7: {  	v7 =	vld.idx.msk [tilespmem:v7+s10+$0x0], $0xffff;
	v53 =	vadd.s32 s21, v34;
	v44, _, _ =	vpop (xrf2);
	v30 =	vsel vm2, v26, v30;
	(erf) = vrcp.f32 v60  }
0x1a8: {  	v55 =	vimm.s32 $0x0;
	v52, _, _ =	vpop (xrf2);
	v4 =	vadd.f32 v4, v31;
	(erf) = vrcp.f32 v30  }
0x1a9: {  	v54 =	vmul.f32 v57, v63;
	v51 =	vadd.f32 $-1.000000000e+00, v18;
	v18 =	vmin.f32 v18, $6.200000000e+01;
	(xrf2) =	vadd.scan.msk.f32 $0xffff, v17;
	v17, _, _ =	vpop (xrf2)  }
0x1aa: {  	v18 =	vtrunc.f32 v18;
	(xrf2) =	vadd.scan.msk.f32 $0xffff, v13;
	v31 =	vld.idx.msk [tilespmem:v45+s10+$0x0], $0xffff;
	v17 =	vbroadcast v17, $0xF;
	[tilespmem:s16+$0xFFFFFF90] =	vst v4  }
0x1ab: {  	v39 =	vbroadcast v39, $0xF;
	v29 =	vtrunc.f32 v51;
	v13 =	vadd.f32 v28, v13;
	(xrf2) =	vadd.scan.msk.f32 $0xffff, v35;
	v36 =	vld.idx.msk [tilespmem:v21+s5+$0x0], $0xffff  }
0x1ac: {  	v43 =	vbroadcast v43, $0xF;
	v7 =	vsub.f32 v7, v9;
	v58 =	vld.idx.msk [tilespmem:v53+s5+$0x0], $0xffff;
	v17 =	vadd.f32 v17, v52  }
0x1ad: {  	v29 =	vcvt.f32.s32 v29;
	v39 =	vadd.f32 v39, v41;
	v33 =	vadd.f32 v25, v13;
	v4 =	vld.idx.msk [tilespmem:v37+s10+$0x0], $0xffff  }
0x1ae: {  	v30 =	vcvt.f32.s32 v18;
	v21 =	vmul.f32 v57, v26;
	v52 =	vadd.f32 $-1.000000000e+00, v17  }
0x1af: {  	v37 =	vsub.f32 v54, v47;
	v47 =	vadd.f32 $0.0e+00, v38;
	v17 =	vmin.f32 v17, $6.200000000e+01;
	v46 =	vpop (erf)  }
0x1b0: {  	v21 =	vsub.f32 v21, v40;
	v17 =	vtrunc.f32 v17;
	v53 =	vtrunc.f32 v52;
	v49 =	vpop (erf)  }
0x1b1: {  	v45 =	vsub.f32 v58, v36;
	v40 =	vcvt.f32.s32 v53;
	v37 =	vmul.f32 v46, v37;
	v54 =	vpop (erf)  }
0x1b2: {  	v4 =	vsub.f32 v4, v31;
	v17 =	vcvt.f32.s32 v17;
	v21 =	vmul.f32 v54, v21  }
0x1b3: {  	v50, _, _ =	vpop (xrf2);
	vm2 =	vlt.f32 v45, v0;
	v57 =	vadd.s32 s20, v40;
	v7 =	vmul.f32 v37, v7  }
0x1b4: {  	(xrf2) =	vadd.scan.msk.f32 $0xffff, v28;
	v1, _, _ =	vpop (xrf2);
	v37 =	vadd.f32 v19, v42;
	v19 =	vmul.f32 $1.270000000e+02, v49;
	v4 =	vmul.f32 v21, v4  }
0x1b5: {  	v38 =	vbroadcast v38, $0xF;
	(xrf2) =	vadd.scan.msk.f32 $0xffff, v13;
	v58 =	vadd.s32 s20, v17;
	v52 =	vsel vm2, v61, v45;
	v46, _, _ =	vpop (xrf2)  }
0x1b6: {  	[tilespmem:$0x1FC70] =	vst v1;
	v41 =	vmul.f32 v19, v47;
	v53 =	vadd.f32 $0.0e+00, v46;
	v4 =	vadd.f32 v4, v31  }
0x1b7: {  	[tilespmem:s24+$0x10] =	vst v39;
	(erf) = vrcp.f32 v52;
	v7 =	vadd.f32 v7, v9;
	v39 =	vmul.f32 v19, v39  }
0x1b8: {  	v45 =	vtrunc.f32 v41;
	v13 =	vmin.f32 v53, $6.200000000e+01;
	[tilespmem:s16+$0x40] =	vst v4;
	v4 =	vadd.f32 $-1.000000000e+00, v53  }
0x1b9: {  	(xrf2) =	vadd.scan.msk.f32 $0xffff, v11;
	v31 =	vadd.f32 v38, v44;
	v49 =	vcvt.f32.s32 v45;
	v13 =	vtrunc.f32 v13;
	v28 =	vld.idx.msk [tilespmem:v57+s5+$0x0], $0xffff  }
0x1ba: {  	(xrf2) =	vadd.scan.msk.f32 $0xffff, v37;
	v54 =	vld.idx.msk [tilespmem:v58+s5+$0x0], $0xffff;
	v9 =	vcvt.f32.s32 v13;
	v13 =	vadd.f32 v43, v50;
	v4 =	vtrunc.f32 v4  }
0x1bb: {  	v18 =	vadd.s32 s19, v29;
	[tilespmem:s24+$0xFFFFFFE0] =	vst v47;
	v42 =	vmul.f32 v19, v31;
	v4 =	vcvt.f32.s32 v4  }
0x1bc: {  	s18 =	simm.s32 $0x240;
	(xrf2) =	vadd.scan.msk.f32 $0xffff, v25;
	[tilespmem:s24+$0x0] =	vst v13;
	v13 =	vmul.f32 v19, v13;
	v19 =	vtrunc.f32 v39  }
0x1bd: {  	[tilespmem:s24+$0xFFFFFFF0] =	vst v31;
	v25 =	vadd.s32 s18, v49;
	v43 =	vadd.s32 s26, v9;
	v31 =	vcvt.f32.s32 v19  }
0x1be: {  	(xrf2) =	vadd.scan.msk.f32 $0xffff, v33;
	vm2 =	vgt.f32 v39, v19;
	v39 =	vtrunc.f32 v42;
	v44 =	vadd.s32 s26, v4  }
0x1bf: {  	[tilespmem:s15+$0xFFFFFFC0] =	vst v7;
	v57 =	vtrunc.f32 v13;
	v19 =	vsel vm2, $0x1, v55;
	v38 =	vsub.f32 v54, v28  }
0x1c0: {  	[tilespmem:s31+$0xFFFFFF70] =	vst v62;
	v51 =	vcvt.f32.s32 v39;
	vm3 =	vgt.f32 v42, v39;
	v58 =	vadd.s32 v31, v19  }
0x1c1: {  	v50 =	vld [tilespmem:s31+$0x10];
	[tilespmem:s31+$0xFFFFFF80] =	vst v62;
	v53 =	vcvt.f32.s32 v57;
	vm13 =	vgt.f32 v13, v57;
	vm2 =	vlt.f32 v38, v6;
	v31, _, _ =	vpop (xrf2)  }
0x1c2: {  	[tilespmem:s31+$0xFFFFFF90] =	vst v62;
	v13 =	vsel vm1, $0x8F, v58;
	v43 =	vld.idx.msk [tilespmem:v43+s5+$0x0], $0xffff;
	v38 =	vsel vm2, v26, v38;
	vm2 =	vgt.f32 v41, v45;
	v19, _, _ =	vpop (xrf2)  }
0x1c3: {  	[tilespmem:s31+$0xFFFFFFA0] =	vst v62;
	v58 =	vadd.s32 s18, v51;
	v41 =	vld.idx.msk [tilespmem:v44+s5+$0x0], $0xffff;
	(erf) = vrcp.f32 v38;
	v57, _, _ =	vpop (xrf2);
	v49 =	vsel vm2, $0x1, v55  }
0x1c4: {  	[tilespmem:s31+$0xFFFFFFB0] =	vst v62;
	v52 =	vadd.s32 s18, v53;
	v53 =	vsel vm3, $0x1, v55;
	v51, _, _ =	vpop (xrf2);
	v42 =	vadd.s32 v49, v25  }
0x1c5: {  	[tilespmem:s31+$0xFFFFFFC0] =	vst v62;
	v47 =	vsel vm13, $0x1, v55;
	v39 =	vadd.s32 v53, v58;
	v33 =	vbroadcast v51, $0xF  }
0x1c6: {  	v48 =	vadd.s32 s19, v30;
	v40 =	vld.idx.msk [tilespmem:v40+s10+$0x0], $0xffff;
	[tilespmem:s31+$0xFFFFFFD0] =	vst v62;
	v7 =	vadd.s32 s18, v13;
	v13 =	vadd.s32 v47, v52  }
0x1c7: {  	s17 =	sand.u32 $0x7FE0, s18;
	v17 =	vld.idx.msk [tilespmem:v17+s10+$0x0], $0xffff;
	[tilespmem:s31+$0xFFFFFFE0] =	vst v62;
	(xrf2) =	vadd.scan.msk.f32 $0xffff, v50;
	v54 =	vmul.f32 v2, v26;
	v38 =	vadd.f32 v33, v57  }
0x1c8: {  	v1 =	vimm.f32 $1.000000000e+00;
	[tilespmem:s17+$0xA080] =	vst v62;
	v25 =	vmul.f32 $9.999999740e-06, v20;
	v33 =	vld.idx.msk [tilespmem:v18+s5+$0x0], $0xffff;
	v43 =	vsub.f32 v43, v41  }
0x1c9: {  	v28 =	vsub.f32 v54, v28;
	v18 =	vadd.f32 $-1.000000000e+00, v38;
	[tilespmem:v42+s4+$0x0] =	vst.idx.add.f32.msk $0xffff, v1;
	v1 =	vimm.f32 $1.000000000e+00  }
0x1ca: {  	v38 =	vmin.f32 v38, $6.200000000e+01;
	vm2 =	vlt.f32 v43, v25;
	[tilespmem:v39+s4+$0x0] =	vst.idx.add.f32.msk $0xffff, v1;
	v1 =	vimm.f32 $1.000000000e+00  }
0x1cb: {  	v45 =	vpop (erf);
	v38 =	vtrunc.f32 v38;
	v43 =	vsel vm2, v20, v43;
	[tilespmem:v13+s4+$0x0] =	vst.idx.add.f32.msk $0xffff, v1;
	v1 =	vimm.f32 $1.000000000e+00  }
0x1cc: {  	v18 =	vtrunc.f32 v18;
	(erf) = vrcp.f32 v43;
	v55 =	vpop (erf);
	[tilespmem:v7+s4+$0x0] =	vst.idx.add.f32.msk $0xffff, v1  }
0x1cd: {  	v58 =	vsub.f32 v17, v40;
	v43 =	vcvt.f32.s32 v18;
	v57 =	vmul.f32 v55, v28;
	v51 =	vld [tilespmem:$0x1FF80]  }
0x1ce: {  	v21 =	vmov v0;
	v0 =	vld [tilespmem:s31+$0x50];
	v38 =	vcvt.f32.s32 v38  }
0x1cf: {  	v9 =	vld.idx.msk [tilespmem:v9+s10+$0x0], $0xffff;
	v28, _, _ =	vpop (xrf2);
	v18 =	vadd.s32 s20, v43;
	v13 =	vmul.f32 v57, v58  }
0x1d0: {  	v47 =	vld.idx.msk [tilespmem:v48+s5+$0x0], $0xffff;
	v7 =	vbroadcast v46, $0xF;
	v49 =	vadd.s32 s20, v38;
	v17, _, _ =	vpop (xrf2)  }
0x1d1: {  	v4 =	vld.idx.msk [tilespmem:v4+s10+$0x0], $0xffff;
	v48, _, _ =	vpop (xrf2);
	v13 =	vadd.f32 v13, v40  }
0x1d2: {  	v39 =	vld [tilespmem:s31+$0xFFFFFF70];
	v7 =	vadd.f32 v7, v48;
	v40 =	vmul.f32 v51, v20  }
0x1d3: {  	v44 =	vld [tilespmem:s31+$0xFFFFFF80];
	[tilespmem:s16+$0x50] =	vst v13  }
0x1d4: {  	v52 =	vadd.f32 $-1.000000000e+00, v7;
	v13 =	vsub.f32 v40, v41;
	v40 =	vld.idx.msk [tilespmem:v18+s5+$0x0], $0xffff  }
0x1d5: {  	v42 =	vld.idx.msk [tilespmem:v49+s5+$0x0], $0xffff  }
0x1d6: {  	v18 =	vtrunc.f32 v52;
	v41 =	vld [tilespmem:s31+$0x20]  }
0x1d7: {  	v53 =	vpop (erf);
	v48 =	vcvt.f32.s32 v18;
	v18 =	vld [tilespmem:s31+$0x40]  }
0x1d8: {  	v54 =	vmul.f32 v53, v13;
	v13 =	vld [tilespmem:s31+$0x30];
	[tilespmem:$0x1FCF0] =	vst v0  }
0x1d9: {  	v0 =	vld [tilespmem:s31+$0x60];
	_ =	sdelay $0x4  }
0x1da: {  	[tilespmem:$0x1FD20] =	vst v0  }
0x1db: {  	v9 =	vsub.f32 v9, v4;
	v7 =	vmin.f32 v7, $6.200000000e+01;
	v0 =	vld [tilespmem:s31+$0x70]  }
0x1dc: {  	v7 =	vtrunc.f32 v7  }
0x1dd: {  	v49 =	vcvt.f32.s32 v7;
	v7 =	vmul.f32 v54, v9  }
0x1de: {  	(xrf2) =	vadd.scan.msk.f32 $0xffff, v22;
	v22 =	vadd.s32 s26, v48  }
0x1df: {  	v57 =	vadd.s32 s26, v49;
	v58 =	vadd.f32 v7, v4  }
0x1e0: {  	s17 =	simm.s32 $0x4280;
	(xrf2) =	vadd.scan.msk.f32 $0xffff, v39;
	[tilespmem:$0x1FD40] =	vst v0  }
0x1e1: {  	v27 =	vbroadcast v27, $0xF;
	v55 =	vsub.f32 v47, v33;
	v0 =	vmul.f32 v3, v63;
	[tilespmem:s17+$0x0] =	vst v58  }
0x1e2: {  	v11 =	vadd.f32 v11, v37;
	v37 =	vmul.f32 v2, v63;
	v1 =	vmov v2;
	v2 =	vld [tilespmem:$0x1FFF0]  }
0x1e3: {  	v24 =	vadd.f32 v27, v24;
	vm2 =	vlt.f32 v55, v10;
	v22 =	vld.idx.msk [tilespmem:v22+s5+$0x0], $0xffff;
	[tilespmem:$0x1FD10] =	vst v0  }
0x1e4: {  	v46 =	vsel vm2, v63, v55;
	v54 =	vld.idx.msk [tilespmem:v57+s5+$0x0], $0xffff;
	v57 =	vsub.f32 v42, v40  }
0x1e5: {  	v27 =	vadd.f32 $-1.000000000e+00, v24;
	(erf) = vrcp.f32 v46;
	(xrf2) =	vadd.scan.msk.f32 $0xffff, v8  }
0x1e6: {  	(xrf2) =	vadd.scan.msk.f32 $0xffff, v11;
	vm2 =	vlt.f32 v57, v6  }
0x1e7: {  	v47 =	vld.idx.msk [tilespmem:v32+s10+$0x0], $0xffff;
	v32 =	vsel vm2, v26, v57;
	v4 =	vmul.f32 v2, v63  }
0x1e8: {  	(erf) = vrcp.f32 v32  }
0x1e9: {  	v50 =	vadd.f32 v50, v35;
	v55 =	vtrunc.f32 v27;
	v27, _, _ =	vpop (xrf2);
	[tilespmem:$0x1FC20] =	vst v4  }
0x1ea: {  	(xrf2) =	vadd.scan.msk.f32 $0xffff, v44;
	v51, _, _ =	vpop (xrf2);
	v58 =	vmul.f32 v59, v61;
	v46 =	vsub.f32 v54, v22;
	v59 =	vld.idx.msk [tilespmem:v34+s10+$0x0], $0xffff  }
0x1eb: {  	v11 =	vmul.f32 v56, v61;
	(xrf2) =	vadd.scan.msk.f32 $0xffff, v41;
	v56 =	vadd.f32 $0.0e+00, v51  }
0x1ec: {  	(xrf2) =	vadd.scan.msk.f32 $0xffff, v50;
	vm2 =	vlt.f32 v46, v25  }
0x1ed: {  	v9 =	vmovc v3;
	v35 =	vsub.f32 v58, v36;
	v58 =	vmin.f32 v56, $6.200000000e+01;
	v57 =	vsel vm2, v20, v46  }
0x1ee: {  	v36 =	vpop (erf);
	v8 =	vtrunc.f32 v58;
	v58 =	vmul.f32 v9, v26  }
0x1ef: {  	v24 =	vmin.f32 v24, $6.200000000e+01;
	v35 =	vmul.f32 v45, v35;
	v42 =	vsub.f32 v59, v47;
	v59, _, _ =	vpop (xrf2)  }
0x1f0: {  	v24 =	vtrunc.f32 v24;
	v0 =	vld [tilespmem:$0x1FC30];
	v40 =	vsub.f32 v58, v40;
	(erf) = vrcp.f32 v57;
	v57, _, _ =	vpop (xrf2)  }
0x1f1: {  	v32 =	vcvt.f32.s32 v24;
	v24 =	vadd.f32 $-1.000000000e+00, v56;
	v43 =	vld.idx.msk [tilespmem:v43+s10+$0x0], $0xffff;
	v56 =	vpop (erf);
	v35 =	vmul.f32 v35, v42  }
0x1f2: {  	v42 =	vbroadcast v57, $0xF;
	v40 =	vmul.f32 v56, v40;
	v56 =	vld [tilespmem:$0x1FFA0]  }
0x1f3: {  	v38 =	vld.idx.msk [tilespmem:v38+s10+$0x0], $0xffff  }
0x1f4: {  	v48 =	vld.idx.msk [tilespmem:v48+s10+$0x0], $0xffff;
	v52, _, _ =	vpop (xrf2);
	v42 =	vadd.f32 v42, v59  }
0x1f5: {  	v24 =	vtrunc.f32 v24;
	v49 =	vld.idx.msk [tilespmem:v49+s10+$0x0], $0xffff;
	v35 =	vadd.f32 v35, v47;
	v47 =	vcvt.f32.s32 v8;
	v8, _, _ =	vpop (xrf2)  }
0x1f6: {  	v24 =	vcvt.f32.s32 v24;
	v46, _, _ =	vpop (xrf2);
	v57 =	vadd.f32 $-1.000000000e+00, v42  }
0x1f7: {  	v46 =	vbroadcast v46, $0xF;
	v56 =	vmul.f32 v56, v20  }
0x1f8: {  	s18 =	simm.s32 $0x100;
	v3 =	vbroadcast v0, $0xF;
	v34 =	vcvt.f32.s32 v55;
	v58 =	vsub.f32 v38, v43  }
0x1f9: {  	v53 =	vadd.s32 s18, v24;
	v8 =	vadd.f32 v46, v8;
	v22 =	vsub.f32 v56, v22  }
0x1fa: {  	v49 =	vsub.f32 v49, v48;
	v40 =	vmul.f32 v40, v58;
	v59 =	vtrunc.f32 v57;
	v57 =	vpop (erf)  }
0x1fb: {  	v0 =	vld [tilespmem:$0x1FC40];
	v56 =	vadd.f32 $-1.000000000e+00, v8;
	v8 =	vmin.f32 v8, $6.200000000e+01;
	v22 =	vmul.f32 v57, v22  }
0x1fc: {  	v12 =	vld.idx.msk [tilespmem:v12+s10+$0x0], $0xffff;
	v38 =	vcvt.f32.s32 v59;
	v8 =	vtrunc.f32 v8  }
0x1fd: {  	v5 =	vld.idx.msk [tilespmem:v5+s10+$0x0], $0xffff;
	v59 =	vcvt.f32.s32 v8;
	v8 =	vadd.f32 v40, v43;
	v22 =	vmul.f32 v22, v49  }
0x1fe: {  	v44 =	vadd.f32 v44, v39;
	v54 =	vadd.s32 s21, v32;
	v53 =	vld.idx.msk [tilespmem:v53+s5+$0x0], $0xffff;
	v42 =	vmin.f32 v42, $6.200000000e+01  }
0x1ff: {  	v45 =	vadd.s32 s21, v34;
	v58 =	vld [tilespmem:s31+$0xFFFFFFA0];
	v42 =	vtrunc.f32 v42;
	[tilespmem:s16+$0x60] =	vst v8;
	v8 =	vadd.f32 v22, v48  }
0x200: {  	v55 =	vadd.s32 s18, v47;
	[tilespmem:s16+$0xFFFFFFA0] =	vst v35;
	v35 =	vld [tilespmem:s31+$0xFFFFFFB0];
	v39 =	vcvt.f32.s32 v42;
	v56 =	vtrunc.f32 v56  }
0x201: {  	v46 =	vld [tilespmem:s31+$0xFFFFFF90];
	v42 =	vadd.s32 s20, v38;
	v56 =	vcvt.f32.s32 v56;
	[tilespmem:s17+$0x10] =	vst v8  }
0x202: {  	v23 =	vmul.f32 v2, v23;
	v3 =	vadd.f32 v3, v0;
	v57 =	vadd.s32 s20, v39;
	v0 =	vld [tilespmem:$0x1FC50]  }
0x203: {  	v54 =	vld.idx.msk [tilespmem:v54+s5+$0x0], $0xffff;
	v49 =	vadd.s32 s26, v56  }
0x204: {  	v14 =	vsub.f32 v23, v14;
	v40 =	vld.idx.msk [tilespmem:v45+s5+$0x0], $0xffff;
	v45 =	vmin.f32 v3, $6.200000000e+01;
	v3 =	vadd.f32 $-1.000000000e+00, v3  }
0x205: {  	v55 =	vld.idx.msk [tilespmem:v55+s5+$0x0], $0xffff  }
0x206: {  	(xrf2) =	vadd.scan.msk.f32 $0xffff, v44;
	v14 =	vmul.f32 v16, v14;
	v23 =	vadd.f32 v46, v44;
	v3 =	vtrunc.f32 v3;
	v42 =	vld.idx.msk [tilespmem:v42+s5+$0x0], $0xffff  }
0x207: {  	(xrf2) =	vadd.scan.msk.f32 $0xffff, v46;
	v16 =	vld.idx.msk [tilespmem:v57+s5+$0x0], $0xffff;
	v57 =	vbroadcast v0, $0xF;
	v0 =	vcvt.f32.s32 v3  }
0x208: {  	v43 =	vadd.f32 v58, v23;
	(xrf2) =	vadd.scan.msk.f32 $0xffff, v23;
	v23 =	vtrunc.f32 v45;
	v45 =	vld.idx.msk [tilespmem:v49+s5+$0x0], $0xffff  }
0x209: {  	v44 =	vadd.s32 s26, v59;
	v8 =	vcvt.f32.s32 v23;
	[tilespmem:$0x1FD30] =	vst v0;
	v23 =	vadd.s32 s19, v0;
	v0 =	vld [tilespmem:$0x1FC60]  }
0x20a: {  	v4 =	vmov v2;
	v5 =	vsub.f32 v5, v12;
	v2 =	vld [tilespmem:$0x1FF80]  }
0x20b: {  	v7 =	vmul.f32 $9.999999740e-06, v60;
	v22 =	vsub.f32 v55, v53;
	(xrf2) =	vadd.scan.msk.f32 $0xffff, v58  }
0x20c: {  	v5 =	vmul.f32 v14, v5  }
0x20d: {  	vm2 =	vlt.f32 v22, v7  }
0x20e: {  	v3 =	vsel vm2, v60, v22;
	v22 =	vld.idx.msk [tilespmem:v44+s5+$0x0], $0xffff;
	v44 =	vadd.f32 v57, v0;
	v0 =	vadd.f32 v5, v12  }
0x20f: {  	v12 =	vmul.f32 v2, v60;
	v2 =	vbroadcast v51, $0xF  }
0x210: {  	[tilespmem:$0x1FE10] =	vst v0;
	v0 =	vld [tilespmem:$0x1FC70];
	_ =	sdelay $0x1  }
0x211: {  	v46 =	vld.idx.msk [tilespmem:v29+s10+$0x0], $0xffff;
	v29, _, _ =	vpop (xrf2)  }
0x212: {  	v5 =	vsub.f32 v54, v40;
	v54 =	vadd.f32 v2, v52;
	v30 =	vld.idx.msk [tilespmem:v30+s10+$0x0], $0xffff;
	v2, _, _ =	vpop (xrf2)  }
0x213: {  	v14 =	vbroadcast v15, $0xF;
	v58 =	vsub.f32 v22, v45;
	v49 =	vld.idx.msk [tilespmem:v24+s10+$0x0], $0xffff;
	v22, _, _ =	vpop (xrf2)  }
0x214: {  	(xrf2) =	vadd.scan.msk.f32 $0xffff, v43;
	v15 =	vsub.f32 v16, v42;
	(erf) = vrcp.f32 v3;
	v3, _, _ =	vpop (xrf2);
	v16 =	vbroadcast v0, $0xF;
	v0 =	vld.idx.msk [tilespmem:v47+s10+$0x0], $0xffff  }
0x215: {  	[tilespmem:$0x1FD00] =	vst v3;
	v3 =	vld [tilespmem:$0x1FC80]  }
0x216: {  	v41 =	vadd.f32 v41, v50;
	(xrf2) =	vadd.scan.msk.f32 $0xffff, v35  }
0x217: {  	(xrf2) =	vadd.scan.msk.f32 $0xffff, v13  }
0x218: {  	s23 =	simm.s32 $0x380;
	(xrf2) =	vadd.scan.msk.f32 $0xffff, v41;
	vm2 =	vlt.f32 v5, v21  }
0x219: {  	v5 =	vsel vm2, v61, v5;
	vm2 =	vlt.f32 v15, v6;
	v6 =	vld [tilespmem:s23+$0x20]  }
0x21a: {  	(erf) = vrcp.f32 v5;
	v48 =	vadd.f32 v14, v3;
	v14 =	vadd.f32 v16, v31;
	v16 =	vld [tilespmem:s23+$0x0]  }
0x21b: {  	v5 =	vsel vm2, v26, v15;
	vm2 =	vlt.f32 v58, v25;
	v15 =	vadd.f32 $-1.000000000e+00, v54  }
0x21c: {  	(erf) = vrcp.f32 v5;
	v5 =	vsel vm2, v20, v58  }
0x21d: {  	(erf) = vrcp.f32 v5;
	v5 =	vsub.f32 v37, v33;
	v15 =	vtrunc.f32 v15  }
0x21e: {  	v12 =	vsub.f32 v12, v53;
	v55 =	vmin.f32 v54, $6.200000000e+01;
	v24, _, _ =	vpop (xrf2);
	v47 =	vld [tilespmem:s23+$0x10]  }
0x21f: {  	v5 =	vmul.f32 v36, v5;
	v31 =	vpop (erf);
	v36 =	vadd.f32 $9.999999740e-06, v6;
	v6 =	vadd.f32 $9.999999740e-06, v16;
	v16 =	vld [tilespmem:$0x1FF90]  }
0x220: {  	v51 =	vcvt.f32.s32 v15;
	v57 =	vld [tilespmem:s23+$0x30];
	v15, _, _ =	vpop (xrf2);
	v0 =	vsub.f32 v0, v49;
	v12 =	vmul.f32 v31, v12  }
0x221: {  	v33 =	vtrunc.f32 v55;
	v30 =	vsub.f32 v30, v46;
	v31, _, _ =	vpop (xrf2)  }
0x222: {  	v52 =	vcvt.f32.s32 v33;
	v58, _, _ =	vpop (xrf2);
	v0 =	vmul.f32 v12, v0  }
0x223: {  	v50 =	vld.idx.msk [tilespmem:v56+s10+$0x0], $0xffff;
	v33 =	vadd.s32 s18, v51;
	v5 =	vmul.f32 v5, v30;
	v12 =	vbroadcast v58, $0xF  }
0x224: {  	v47 =	vadd.f32 $9.999999740e-06, v47;
	v0 =	vadd.f32 v0, v49;
	v49 =	vld.idx.msk [tilespmem:v59+s10+$0x0], $0xffff;
	v53 =	vmul.f32 v16, v20  }
0x225: {  	v54 =	vadd.s32 s18, v52;
	v55 =	vpop (erf);
	v37 =	vadd.f32 $9.999999740e-06, v57;
	v31 =	vadd.f32 v12, v31  }
0x226: {  	v5 =	vadd.f32 v5, v46;
	v57 =	vpop (erf);
	v12 =	vld [tilespmem:s31+$0xFFFFFFD0];
	v56 =	vsel vm0, $0x0, v6;
	v6 =	vsub.f32 v53, v45  }
0x227: {  	v3 =	vmul.f32 v1, v61;
	v58 =	vpop (erf);
	(xrf2) =	vadd.scan.msk.f32 $0xffff, v47;
	v37 =	vsel vm1, $0x0, v37;
	v59 =	vadd.f32 $-1.000000000e+00, v31;
	v16 =	vld [tilespmem:s31+$0xFFFFFFC0]  }
0x228: {  	(xrf2) =	vadd.scan.msk.f32 $0xffff, v36;
	v30 =	vadd.f32 v47, v56;
	v47 =	vmul.f32 v58, v6;
	v6 =	vld [tilespmem:s31+$0xFFFFFFE0];
	[tilespmem:s17+$0xFFFFFF80] =	vst v0  }
0x229: {  	(xrf2) =	vadd.scan.msk.f32 $0xffff, v37;
	v0 =	vmin.f32 v31, $6.200000000e+01;
	v31 =	vtrunc.f32 v59;
	v58 =	vld.idx.msk [tilespmem:v33+s5+$0x0], $0xffff;
	v33 =	vsub.f32 v49, v50  }
0x22a: {  	v45 =	vadd.f32 v36, v30;
	v0 =	vtrunc.f32 v0;
	v46 =	vld.idx.msk [tilespmem:v54+s5+$0x0], $0xffff;
	[tilespmem:$0x1FD50] =	vst v3;
	v3 =	vmul.f32 v9, v61  }
0x22b: {  	v53 =	vadd.s32 s19, v8;
	v54 =	vcvt.f32.s32 v0;
	v0 =	vld [tilespmem:$0x1FFC0];
	[tilespmem:s15+$0xFFFFFFD0] =	vst v5;
	v33 =	vmul.f32 v47, v33  }
0x22c: {  	v59 =	vadd.f32 v37, v45;
	v49 =	vcvt.f32.s32 v31;
	[tilespmem:$0x1FC90] =	vst v3;
	v3 =	vmul.f32 v4, v61  }
0x22d: {  	(xrf2) =	vadd.scan.msk.f32 $0xffff, v56;
	v5 =	vadd.f32 v33, v50;
	v50 =	vadd.f32 $-1.000000000e+00, v44  }
0x22e: {  	(xrf2) =	vadd.scan.msk.f32 $0xffff, v59;
	v47 =	vadd.s32 s26, v49;
	v59 =	vld.idx.msk [tilespmem:v34+s10+$0x0], $0xffff;
	[tilespmem:$0x1FCA0] =	vst v3  }
0x22f: {  	v19 =	vbroadcast v19, $0xF;
	v56 =	vadd.s32 s26, v54;
	v36 =	vld.idx.msk [tilespmem:v23+s5+$0x0], $0xffff;
	v23 =	vtrunc.f32 v50  }
0x230: {  	[tilespmem:s17+$0x20] =	vst v5;
	v5 =	vcvt.f32.s32 v23  }
0x231: {  	v37 =	vadd.f32 v19, v28;
	v19 =	vmin.f32 v44, $6.200000000e+01;
	v44 =	vld.idx.msk [tilespmem:v53+s5+$0x0], $0xffff  }
0x232: {  	v17 =	vbroadcast v17, $0xF;
	v28 =	vadd.f32 $-1.000000000e+00, v48;
	v3 =	vld [tilespmem:$0x1FFA0];
	[tilespmem:$0x1FE90] =	vst v5  }
0x233: {  	v53 =	vsub.f32 v46, v58;
	v46 =	vtrunc.f32 v19;
	v19 =	vmin.f32 v48, $6.200000000e+01;
	v23 =	vld.idx.msk [tilespmem:v47+s5+$0x0], $0xffff  }
0x234: {  	v28 =	vtrunc.f32 v28;
	v19 =	vtrunc.f32 v19;
	v47 =	vld.idx.msk [tilespmem:v56+s5+$0x0], $0xffff  }
0x235: {  	v11 =	vsub.f32 v11, v40;
	v34 =	vcvt.f32.s32 v19;
	v19 =	vmul.f32 v4, v26;
	v38 =	vld.idx.msk [tilespmem:v38+s10+$0x0], $0xffff  }
0x236: {  	v35 =	vadd.f32 v35, v43;
	v33 =	vcvt.f32.s32 v28;
	v48, _, _ =	vpop (xrf2);
	vm2 =	vlt.f32 v53, v7;
	v28 =	vld.idx.msk [tilespmem:v39+s10+$0x0], $0xffff  }
0x237: {  	v26 =	vsel vm2, v60, v53;
	v53, _, _ =	vpop (xrf2);
	v56 =	vsub.f32 v19, v42;
	v19 =	vadd.f32 v17, v27;
	v27 =	vld [tilespmem:s23+$0xFFFFFF80]  }
0x238: {  	(xrf2) =	vadd.scan.msk.f32 $0xffff, v30;
	v4 =	vcvt.f32.s32 v46;
	(erf) = vrcp.f32 v26;
	v32 =	vld.idx.msk [tilespmem:v32+s10+$0x0], $0xffff;
	v26 =	vsub.f32 v44, v36;
	v42, _, _ =	vpop (xrf2)  }
0x239: {  	v41 =	vadd.f32 v13, v41;
	v29 =	vbroadcast v29, $0xF;
	v11 =	vmul.f32 v55, v11;
	[tilespmem:$0x1FCB0] =	vst v10;
	v30, _, _ =	vpop (xrf2)  }
0x23a: {  	v40 =	vld [tilespmem:s23+$0xFFFFFF90];
	[tilespmem:$0x1FEF0] =	vst v4;
	vm2 =	vlt.f32 v26, v10;
	v39 =	vmul.f32 v57, v56;
	v17, _, _ =	vpop (xrf2);
	v56 =	vmul.f32 v3, v60  }
0x23b: {  	(xrf2) =	vadd.scan.msk.f32 $0xffff, v45;
	v45 =	vld.idx.msk [tilespmem:v51+s10+$0x0], $0xffff;
	v51 =	vsel vm2, v63, v26;
	v26 =	vbroadcast v17, $0xF;
	v50 =	vsub.f32 v47, v23  }
0x23c: {  	[tilespmem:$0x1FCC0] =	vst v63;
	v10 =	vld [tilespmem:$0x1FFB0];
	(erf) = vrcp.f32 v51;
	v27 =	vadd.f32 $9.999999740e-06, v27;
	v28 =	vsub.f32 v28, v38  }
0x23d: {  	v63 =	vld.idx.msk [tilespmem:v52+s10+$0x0], $0xffff;
	(erf) = vrcp.f32 v26;
	v32 =	vsub.f32 v32, v59;
	vm2 =	vlt.f32 v50, v25  }
0x23e: {  	v55 =	vsel vm0, $0x0, v27;
	v27 =	vmul.f32 v39, v28;
	v39 =	vld.idx.msk [tilespmem:v49+s10+$0x0], $0xffff;
	v13 =	vsel vm2, v20, v50  }
0x23f: {  	v29 =	vadd.f32 v29, v2;
	v2 =	vmul.f32 v11, v32;
	(erf) = vrcp.f32 v13;
	v13 =	vld [tilespmem:s23+$0xFFFFFFA0]  }
0x240: {  	(xrf2) =	vadd.scan.msk.f32 $0xffff, v18;
	v46 =	vsub.f32 v56, v58;
	v52 =	vadd.f32 $9.999999740e-06, v40;
	v32 =	vld.idx.msk [tilespmem:v54+s10+$0x0], $0xffff  }
0x241: {  	(xrf2) =	vadd.scan.msk.f32 $0xffff, v41;
	v57 =	vld [tilespmem:s23+$0xFFFFFFB0];
	v49 =	vbroadcast v30, $0xF;
	v30 =	vadd.f32 $0.0e+00, v30;
	v58 =	vpop (erf);
	v54 =	vadd.f32 v2, v59  }
0x242: {  	v11, _, _ =	vpop (xrf2);
	v47 =	vsub.f32 v63, v45;
	v63 =	vmul.f32 v10, v20;
	v46 =	vmul.f32 v58, v46  }
0x243: {  	v17 =	vld [tilespmem:$0x1FF90];
	v28 =	vadd.f32 v52, v55;
	v11 =	vbroadcast v11, $0xF;
	[tilespmem:s16+$0xFFFFFFB0] =	vst v54;
	v54 =	vmul.f32 v0, v60  }
0x244: {  	v23 =	vsub.f32 v63, v23;
	v40 =	vadd.f32 $9.999999740e-06, v13;
	v13 =	vmul.f32 v46, v47  }
0x245: {  	v11 =	vadd.f32 v11, v53;
	v32 =	vsub.f32 v32, v39;
	v43 =	vpop (erf);
	[tilespmem:$0x1FCD0] =	vst v54;
	v54 =	vmul.f32 v1, v60  }
0x246: {  	v31 =	vmul.f32 v0, v61;
	v46 =	vadd.f32 $9.999999740e-06, v57;
	v47, _, _ =	vpop (xrf2);
	v13 =	vadd.f32 v13, v45  }
0x247: {  	s22 =	simm.s32 $0x81A0;
	v44 =	vadd.s32 s21, v34;
	v57 =	vpop (erf);
	[tilespmem:$0x1FCE0] =	vst v54;
	v45 =	vadd.f32 v49, v48;
	v49 =	vadd.f32 v40, v28  }
0x248: {  	s20 =	simm.s32 $0x1C0;
	v47 =	vbroadcast v47, $0xF;
	v46 =	vsel vm1, $0x0, v46;
	v48 =	vmul.f32 $1.270000000e+02, v57;
	[tilespmem:s22+$0x20] =	vst v30  }
0x249: {  	s24 =	sor.u32 $0x50, s20;
	v57 =	vmov v0;
	v0 =	vadd.s32 s19, v5;
	v58 =	vpop (erf);
	v63 =	vadd.f32 v46, v49;
	[tilespmem:s17+$0xFFFFFF90] =	vst v13  }
0x24a: {  	v53, _, _ =	vpop (xrf2);
	v42 =	vadd.f32 v47, v42;
	[tilespmem:s24+$0x8000] =	vst v45;
	v23 =	vmul.f32 v58, v23;
	v58 =	vmin.f32 v14, $6.200000000e+01  }
0x24b: {  	v56, _, _ =	vpop (xrf2);
	v14 =	vadd.f32 $-1.000000000e+00, v14;
	(xrf2) =	vadd.scan.msk.f32 $0xffff, v63;
	v63 =	vmul.f32 v48, v30;
	v47 =	vtrunc.f32 v58  }
0x24c: {  	v51 =	vadd.s32 s21, v33;
	[tilespmem:$0x1FE20] =	vst v0;
	v23 =	vmul.f32 v23, v32;
	v32 =	vbroadcast v56, $0xF  }
0x24d: {  	v0 =	vimm.s32 $0x0;
	(xrf2) =	vadd.scan.msk.f32 $0xffff, v49;
	v56 =	vmul.f32 v48, v45;
	v13 =	vtrunc.f32 v14  }
0x24e: {  	s25 =	sor.u32 $0x60, s20;
	v14 =	vadd.f32 $-1.000000000e+00, v29;
	(xrf2) =	vadd.scan.msk.f32 $0xffff, v28;
	v49 =	vtrunc.f32 v63;
	v28 =	vadd.f32 v32, v53  }
0x24f: {  	[tilespmem:s25+$0x8000] =	vst v11;
	vm3 =	vgt.f32 v63, v49;
	v53 =	vtrunc.f32 v56;
	v63 =	vmul.f32 v48, v11  }
0x250: {  	v29 =	vmin.f32 v29, $6.200000000e+01;
	(xrf2) =	vadd.scan.msk.f32 $0xffff, v55;
	v48 =	vmul.f32 v48, v42;
	v49 =	vcvt.f32.s32 v49  }
0x251: {  	s29 =	sor.u32 $0x70, s20;
	v51 =	vld.idx.msk [tilespmem:v51+s5+$0x0], $0xffff;
	v23 =	vadd.f32 v23, v39;
	v11 =	vcvt.f32.s32 v47;
	(xrf2) =	vadd.scan.msk.f32 $0xffff, v46;
	v46 =	vtrunc.f32 v14  }
0x252: {  	v44 =	vld.idx.msk [tilespmem:v44+s5+$0x0], $0xffff;
	[tilespmem:s29+$0x8000] =	vst v42;
	vm2 =	vgt.f32 v56, v53;
	v58 =	vadd.f32 $-1.000000000e+00, v28;
	v55 =	vtrunc.f32 v63  }
0x253: {  	s30 =	simm.s32 $0x3F0;
	v28 =	vmin.f32 v28, $6.200000000e+01;
	v42 =	vtrunc.f32 v48;
	[tilespmem:s17+$0x30] =	vst v23;
	v23 =	vtrunc.f32 v29  }
0x254: {  	s23 =	simm.s32 $0xA3F0;
	v29 =	vadd.s32 s30, v49;
	v28 =	vtrunc.f32 v28;
	vm14 =	vgt.f32 v63, v55  }
0x255: {  	[tilespmem:s23+$0x0] =	vst v62;
	v63 =	vsel vm3, $0x1, v0;
	vm3 =	vgt.f32 v48, v42;
	v42 =	vcvt.f32.s32 v42  }
0x256: {  	[tilespmem:s23+$0x10] =	vst v62;
	v54 =	vsel vm2, $0x1, v0;
	v32 =	vtrunc.f32 v58;
	v56 =	vcvt.f32.s32 v28  }
0x257: {  	[tilespmem:s23+$0x20] =	vst v62;
	v28 =	vcvt.f32.s32 v46;
	v46 =	vsub.f32 v44, v51;
	v58 =	vcvt.f32.s32 v53  }
0x258: {  	[tilespmem:s23+$0x30] =	vst v62;
	v44 =	vadd.f32 v18, v41;
	v18 =	vsel vm3, $0x1, v0;
	v45 =	vcvt.f32.s32 v32  }
0x259: {  	[tilespmem:s23+$0x40] =	vst v62;
	v32 =	vcvt.f32.s32 v23;
	v23 =	vadd.s32 v63, v29;
	v63 =	vcvt.f32.s32 v55  }
0x25a: {  	[tilespmem:s23+$0x50] =	vst v62;
	v18 =	vadd.s32 v42, v18;
	v48 =	vadd.s32 s26, v56;
	v47 =	vadd.s32 s30, v58  }
0x25b: {  	[tilespmem:s23+$0x60] =	vst v62;
	v55 =	vsel vm14, $0x1, v0;
	v42 =	vadd.s32 v54, v47;
	v58 =	vadd.s32 s30, v63  }
0x25c: {  	v50 =	vmov v1;
	s24 =	sand.u32 $0x7FF0, s30;
	v1 =	vld [tilespmem:$0x1FCF0];
	[tilespmem:s23+$0x70] =	vst v62;
	v47 =	vadd.s32 v55, v58  }
0x25d: {  	[tilespmem:s24+$0xA080] =	vst v62;
	v0 =	vimm.f32 $1.000000000e+00  }
0x25e: {  	(xrf2) =	vadd.scan.msk.f32 $0xffff, v52;
	v52 =	vadd.s32 s26, v45;
	[tilespmem:v23+s4+$0x0] =	vst.idx.add.f32.msk $0xffff, v0  }
0x25f: {  	v0 =	vimm.f32 $1.000000000e+00;
	v53 =	vld.idx.msk [tilespmem:v48+s5+$0x0], $0xffff  }
0x260: {  	[tilespmem:v42+s4+$0x0] =	vst.idx.add.f32.msk $0xffff, v0;
	v0 =	vimm.f32 $1.000000000e+00  }
0x261: {  	[tilespmem:v47+s4+$0x0] =	vst.idx.add.f32.msk $0xffff, v0  }
0x262: {  	v29 =	vadd.s32 s18, v28;
	v18 =	vsel vm1, $0x8F, v18;
	v0 =	vld [tilespmem:$0x1FD00]  }
0x263: {  	v18 =	vadd.s32 s30, v18;
	v49 =	vld.idx.msk [tilespmem:v52+s5+$0x0], $0xffff;
	_ =	sdelay $0x1  }
0x264: {  	v22 =	vbroadcast v22, $0xF;
	(xrf2) =	vadd.scan.msk.f32 $0xffff, v1  }
0x265: {  	v9 =	vmov v7;
	v33 =	vld.idx.msk [tilespmem:v33+s10+$0x0], $0xffff;
	(xrf2) =	vadd.scan.msk.f32 $0xffff, v44;
	v48 =	vadd.s32 s18, v32  }
0x266: {  	v7 =	vimm.s32 $0x0;
	v23, _, _ =	vpop (xrf2);
	v41 =	vld.idx.msk [tilespmem:v29+s5+$0x0], $0xffff;
	v52 =	vadd.f32 v22, v0;
	v0 =	vimm.f32 $1.000000000e+00  }
0x267: {  	v29 =	vbroadcast v23, $0xF;
	v23 =	vadd.f32 $-1.000000000e+00, v37;
	v63 =	vsub.f32 v53, v49;
	[tilespmem:v18+s4+$0x0] =	vst.idx.add.f32.msk $0xffff, v0  }
0x268: {  	v17 =	vmul.f32 v17, v60;
	v2 =	vmul.f32 v10, v60;
	v59 =	vmovc v10;
	vm2 =	vlt.f32 v46, v21;
	v0 =	vld [tilespmem:$0x1FD10]  }
0x269: {  	v34 =	vld.idx.msk [tilespmem:v34+s10+$0x0], $0xffff;
	v46 =	vsel vm2, v61, v46;
	v54, _, _ =	vpop (xrf2);
	v23 =	vtrunc.f32 v23;
	vm2 =	vlt.f32 v63, v25  }
0x26a: {  	v13 =	vcvt.f32.s32 v13;
	(erf) = vrcp.f32 v46;
	v58 =	vsel vm2, v20, v63;
	v63 =	vld.idx.msk [tilespmem:v48+s5+$0x0], $0xffff;
	v48, _, _ =	vpop (xrf2)  }
0x26b: {  	v5 =	vmov v21;
	(erf) = vrcp.f32 v29;
	v22 =	vbroadcast v24, $0xF;
	v24, _, _ =	vpop (xrf2)  }
0x26c: {  	v30 =	vadd.s32 s19, v4;
	v46 =	vcvt.f32.s32 v23;
	(erf) = vrcp.f32 v58;
	v23, _, _ =	vpop (xrf2)  }
0x26d: {  	v31 =	vsub.f32 v31, v51;
	v55 =	vmin.f32 v37, $6.200000000e+01;
	v21 =	vld [tilespmem:s23+$0x0];
	(xrf2) =	vadd.scan.msk.f32 $0xffff, v40;
	v58, _, _ =	vpop (xrf2);
	v10 =	vsub.f32 v0, v36  }
0x26e: {  	v34 =	vsub.f32 v34, v33;
	v42 =	vadd.f32 v27, v38;
	v53 =	vtrunc.f32 v55;
	v38, _, _ =	vpop (xrf2)  }
0x26f: {  	v55 =	vadd.f32 v16, v35;
	v47, _, _ =	vpop (xrf2);
	v18 =	vmul.f32 v43, v10;
	v10 =	vbroadcast v24, $0xF  }
0x270: {  	v45 =	vld.idx.msk [tilespmem:v45+s10+$0x0], $0xffff;
	v27 =	vcvt.f32.s32 v53;
	v63 =	vsub.f32 v63, v41;
	v51 =	vbroadcast v47, $0xF  }
0x271: {  	v53 =	vmul.f32 v57, v20;
	v22 =	vadd.f32 v22, v15;
	v15 =	vbroadcast v54, $0xF;
	(xrf2) =	vadd.scan.msk.f32 $0xffff, v35;
	v47 =	vld.idx.msk [tilespmem:v56+s10+$0x0], $0xffff  }
0x272: {  	v14 =	vmovc v57;
	v48 =	vbroadcast v48, $0xF;
	(xrf2) =	vadd.scan.msk.f32 $0xffff, v21;
	vm2 =	vlt.f32 v63, v9;
	v35 =	vadd.f32 v51, v38  }
0x273: {  	v23 =	vadd.f32 v15, v23;
	v40 =	vsel vm2, v60, v63;
	v36 =	vadd.f32 v10, v58;
	v10 =	vpop (erf)  }
0x274: {  	v43 =	vsub.f32 v53, v49;
	v63 =	vadd.f32 $-1.000000000e+00, v35;
	v35 =	vmin.f32 v35, $6.200000000e+01;
	v38 =	vpop (erf)  }
0x275: {  	v51 =	vmin.f32 v52, $6.200000000e+01;
	v35 =	vtrunc.f32 v35;
	v31 =	vmul.f32 v10, v31;
	v57 =	vpop (erf)  }
0x276: {  	v47 =	vsub.f32 v47, v45;
	(erf) = vrcp.f32 v40;
	v40 =	vmul.f32 v57, v43  }
0x277: {  	v56 =	vld [tilespmem:$0x1FF80];
	[tilespmem:s22+$0x10] =	vst v23;
	v53, _, _ =	vpop (xrf2);
	v10 =	vadd.f32 $-1.000000000e+00, v52;
	v52 =	vadd.f32 $0.0e+00, v24;
	v24 =	vmul.f32 v31, v34  }
0x278: {  	[tilespmem:s22+$0xFFFFFFF0] =	vst v36;
	v31 =	vcvt.f32.s32 v35;
	v35 =	vadd.f32 v48, v53;
	v57 =	vmul.f32 v40, v47  }
0x279: {  	v39 =	vadd.s32 s21, v13;
	v37 =	vadd.s32 s21, v11;
	(xrf2) =	vadd.scan.msk.f32 $0xffff, v16;
	[tilespmem:s22+$0xFFFFFFE0] =	vst v52  }
0x27a: {  	v43 =	vtrunc.f32 v63;
	v34 =	vmul.f32 $1.270000000e+02, v38;
	[tilespmem:s22+$0x0] =	vst v35;
	v38 =	vadd.f32 v57, v45  }
0x27b: {  	v48 =	vtrunc.f32 v51;
	v43 =	vcvt.f32.s32 v43;
	v33 =	vadd.f32 v24, v33;
	[tilespmem:s23+$0xFFFFFF70] =	vst v62;
	v24, _, _ =	vpop (xrf2)  }
0x27c: {  	v47 =	vadd.s32 s26, v31;
	v23 =	vmul.f32 v34, v23;
	v51 =	vmul.f32 v34, v52;
	v45, _, _ =	vpop (xrf2);
	[tilespmem:s17+$0x40] =	vst v38  }
0x27d: {  	v36 =	vmul.f32 v34, v36;
	v63 =	vadd.s32 s26, v43;
	v16 =	vadd.f32 $0.0e+00, v45;
	v0 =	vld [tilespmem:$0x1FD20];
	[tilespmem:s23+$0xFFFFFF80] =	vst v62  }
0x27e: {  	v17 =	vsub.f32 v17, v41;
	v58 =	vmovc v9;
	v34 =	vmul.f32 v34, v35;
	v9 =	vtrunc.f32 v51;
	[tilespmem:s23+$0xFFFFFF90] =	vst v62  }
0x27f: {  	v35 =	vadd.f32 $-1.000000000e+00, v16;
	v57 =	vmin.f32 v16, $6.200000000e+01;
	v16 =	vadd.f32 v1, v44;
	v1 =	vld [tilespmem:$0x1FD30]  }
0x280: {  	v49 =	vadd.f32 v12, v55;
	(xrf2) =	vadd.scan.msk.f32 $0xffff, v55;
	v38 =	vtrunc.f32 v23;
	v55 =	vtrunc.f32 v57  }
0x281: {  	v15 =	vmin.f32 v19, $6.200000000e+01;
	v47 =	vld.idx.msk [tilespmem:v47+s5+$0x0], $0xffff;
	v35 =	vtrunc.f32 v35;
	v55 =	vcvt.f32.s32 v55  }
0x282: {  	vm2 =	vgt.f32 v23, v38;
	v23 =	vtrunc.f32 v36;
	v40 =	vld.idx.msk [tilespmem:v63+s5+$0x0], $0xffff;
	v35 =	vcvt.f32.s32 v35  }
0x283: {  	v63 =	vcvt.f32.s32 v38;
	v38 =	vsel vm2, $0x1, v7;
	(xrf2) =	vadd.scan.msk.f32 $0xffff, v0;
	v57 =	vadd.s32 s20, v55  }
0x284: {  	v28 =	vld.idx.msk [tilespmem:v28+s10+$0x0], $0xffff;
	vm2 =	vgt.f32 v51, v9;
	v9 =	vcvt.f32.s32 v9;
	(xrf2) =	vadd.scan.msk.f32 $0xffff, v16;
	v52 =	vadd.s32 s20, v35  }
0x285: {  	s25 =	simm.s32 $0x360;
	v19 =	vadd.f32 $-1.000000000e+00, v19;
	v53 =	vld.idx.msk [tilespmem:v8+s10+$0x0], $0xffff;
	vm3 =	vgt.f32 v36, v23;
	v23 =	vcvt.f32.s32 v23;
	[tilespmem:s16+$0xFFFFFFC0] =	vst v33  }
0x286: {  	[tilespmem:s23+$0xFFFFFFA0] =	vst v62;
	v37 =	vld.idx.msk [tilespmem:v37+s5+$0x0], $0xffff;
	v38 =	vadd.s32 v63, v38;
	v63 =	vtrunc.f32 v34;
	v8 =	vadd.s32 s25, v9  }
0x287: {  	[tilespmem:s23+$0xFFFFFFB0] =	vst v62;
	v9 =	vsel vm2, $0x1, v7;
	vm15 =	vgt.f32 v34, v63;
	v47 =	vsub.f32 v47, v40;
	v1 =	vld.idx.msk [tilespmem:v1+s10+$0x0], $0xffff  }
0x288: {  	[tilespmem:s23+$0xFFFFFFC0] =	vst v62;
	v34 =	vadd.s32 v9, v8;
	v9 =	vcvt.f32.s32 v48;
	v36 =	vcvt.f32.s32 v63;
	v48 =	vld.idx.msk [tilespmem:v57+s5+$0x0], $0xffff  }
0x289: {  	[tilespmem:s23+$0xFFFFFFD0] =	vst v62;
	v23 =	vadd.s32 s25, v23;
	vm2 =	vlt.f32 v47, v25;
	v57 =	vsel vm3, $0x1, v7;
	v51 =	vld.idx.msk [tilespmem:v52+s5+$0x0], $0xffff  }
0x28a: {  	(xrf2) =	vadd.scan.msk.f32 $0xffff, v12;
	v12 =	vadd.s32 s25, v36;
	v36 =	vld.idx.msk [tilespmem:v39+s5+$0x0], $0xffff;
	v47 =	vsel vm2, v20, v47;
	v23 =	vadd.s32 v57, v23  }
0x28b: {  	s31 =	sand.u32 $0x7FE0, s25;
	v54 =	vimm.f32 $1.000000000e+00;
	v19 =	vtrunc.f32 v19;
	v33, _, _ =	vpop (xrf2);
	[tilespmem:s23+$0xFFFFFFE0] =	vst v62;
	v8 =	vld [tilespmem:s23+$0x10];
	v38 =	vsel vm1, $0x8F, v38  }
0x28c: {  	v32 =	vld.idx.msk [tilespmem:v32+s10+$0x0], $0xffff;
	[tilespmem:s31+$0xA080] =	vst v62;
	v63 =	vsel vm15, $0x1, v7;
	v38 =	vadd.s32 s25, v38;
	(erf) = vrcp.f32 v47;
	v52, _, _ =	vpop (xrf2)  }
0x28d: {  	v39 =	vadd.s32 v63, v12;
	v63 =	vmul.f32 $9.999999740e-06, v26;
	[tilespmem:v34+s4+$0x0] =	vst.idx.add.f32.msk $0xffff, v54;
	v34 =	vsub.f32 v53, v1;
	v47, _, _ =	vpop (xrf2)  }
0x28e: {  	v41 =	vld.idx.msk [tilespmem:v43+s10+$0x0], $0xffff;
	(xrf2) =	vadd.scan.msk.f32 $0xffff, v49;
	v44, _, _ =	vpop (xrf2);
	v57 =	vsub.f32 v48, v51;
	v48 =	vadd.f32 $-1.000000000e+00, v22;
	v22 =	vmin.f32 v22, $6.200000000e+01  }
0x28f: {  	[tilespmem:v23+s4+$0x0] =	vst.idx.add.f32.msk $0xffff, v54;
	v23 =	vsub.f32 v37, v36;
	v37 =	vpop (erf);
	v18 =	vmul.f32 v18, v34;
	v49 =	vbroadcast v44, $0xF  }
0x290: {  	v31 =	vld.idx.msk [tilespmem:v31+s10+$0x0], $0xffff;
	(xrf2) =	vadd.scan.msk.f32 $0xffff, v8;
	v22 =	vtrunc.f32 v22;
	v17 =	vmul.f32 v37, v17;
	vm2 =	vlt.f32 v57, v63  }
0x291: {  	v11 =	vld.idx.msk [tilespmem:v11+s10+$0x0], $0xffff;
	v4 =	vadd.f32 v49, v47;
	v47 =	vmul.f32 v50, v20;
	v43 =	vsel vm2, v26, v57  }
0x292: {  	v35 =	vld.idx.msk [tilespmem:v35+s10+$0x0], $0xffff;
	v57 =	vcvt.f32.s32 v19;
	(erf) = vrcp.f32 v43  }
0x293: {  	[tilespmem:v39+s4+$0x0] =	vst.idx.add.f32.msk $0xffff, v54;
	vm2 =	vlt.f32 v23, v5;
	v53 =	vsub.f32 v47, v40;
	v62 =	vadd.f32 $-1.000000000e+00, v4  }
0x294: {  	v44 =	vmovc v61;
	[tilespmem:v38+s4+$0x0] =	vst.idx.add.f32.msk $0xffff, v54;
	v23 =	vsel vm2, v61, v23;
	v61 =	vbroadcast v45, $0xF;
	v49 =	vmin.f32 v4, $6.200000000e+01  }
0x295: {  	v19 =	vpop (erf);
	v38 =	vld [tilespmem:s23+$0xFFFFFF70];
	v54 =	vtrunc.f32 v49;
	v40 =	vtrunc.f32 v62  }
0x296: {  	v31 =	vsub.f32 v31, v41;
	v37 =	vld [tilespmem:s23+$0xFFFFFF80];
	v19 =	vmul.f32 v19, v53;
	v40 =	vcvt.f32.s32 v40  }
0x297: {  	v4 =	vadd.f32 v18, v1;
	v18 =	vld [tilespmem:s23+$0x30];
	v43 =	vcvt.f32.s32 v54;
	v54 =	vcvt.f32.s32 v22;
	v53, _, _ =	vpop (xrf2)  }
0x298: {  	v22 =	vmul.f32 v56, v26;
	v45, _, _ =	vpop (xrf2);
	(xrf2) =	vadd.scan.msk.f32 $0xffff, v6;
	v6 =	vld.idx.msk [tilespmem:v13+s10+$0x0], $0xffff;
	v13 =	vmul.f32 v19, v31;
	v19 =	vadd.s32 s26, v40  }
0x299: {  	(erf) = vrcp.f32 v23;
	v1 =	vld [tilespmem:s23+$0x40];
	v62 =	vadd.s32 s26, v43  }
0x29a: {  	v47 =	vmov v5;
	v5 =	vld [tilespmem:s23+$0x50];
	v22 =	vsub.f32 v22, v51;
	v23, _, _ =	vpop (xrf2);
	v13 =	vadd.f32 v13, v41  }
0x29b: {  	v31 =	vld.idx.msk [tilespmem:v55+s10+$0x0], $0xffff;
	v23 =	vadd.f32 v61, v23;
	v61 =	vpop (erf)  }
0x29c: {  	[tilespmem:s17+$0x50] =	vst v13;
	v7 =	vmul.f32 v61, v22;
	v22 =	vld [tilespmem:s23+$0x20]  }
0x29d: {  	v19 =	vld.idx.msk [tilespmem:v19+s5+$0x0], $0xffff  }
0x29e: {  	v62 =	vld.idx.msk [tilespmem:v62+s5+$0x0], $0xffff  }
0x29f: {  	v16 =	vadd.f32 v0, v16;
	v0 =	vld [tilespmem:$0x1FD40];
	[tilespmem:$0x1FD60] =	vst v5  }
0x2a0: {  	v61 =	vld [tilespmem:s23+$0x60]  }
0x2a1: {  	(xrf2) =	vadd.scan.msk.f32 $0xffff, v38  }
0x2a2: {  	v10 =	vtrunc.f32 v10  }
0x2a3: {  	v15 =	vtrunc.f32 v15;
	v10 =	vcvt.f32.s32 v10;
	v13 =	vadd.f32 $-1.000000000e+00, v23  }
0x2a4: {  	v32 =	vsub.f32 v32, v28;
	v24 =	vbroadcast v24, $0xF;
	v49 =	vtrunc.f32 v48  }
0x2a5: {  	v23 =	vmin.f32 v23, $6.200000000e+01;
	v13 =	vtrunc.f32 v13;
	(xrf2) =	vadd.scan.msk.f32 $0xffff, v0;
	v0 =	vld [tilespmem:$0x1FD50];
	[tilespmem:$0x1FD70] =	vst v61  }
0x2a6: {  	v23 =	vtrunc.f32 v23;
	v31 =	vsub.f32 v31, v35;
	v13 =	vcvt.f32.s32 v13;
	v48 =	vld [tilespmem:s23+$0x70]  }
0x2a7: {  	v24 =	vadd.f32 v24, v33;
	v39 =	vbroadcast v52, $0xF;
	v23 =	vcvt.f32.s32 v23;
	(xrf2) =	vadd.scan.msk.f32 $0xffff, v16  }
0x2a8: {  	v7 =	vmul.f32 v7, v31;
	v16 =	vmul.f32 v17, v32;
	v17 =	vadd.s32 s20, v13  }
0x2a9: {  	v12 =	vadd.s32 s18, v10;
	v52 =	vcvt.f32.s32 v15;
	v15 =	vadd.f32 v39, v53  }
0x2aa: {  	v7 =	vadd.f32 v7, v35;
	v31, _, _ =	vpop (xrf2);
	v62 =	vsub.f32 v62, v19;
	v32 =	vadd.s32 s20, v23  }
0x2ab: {  	s24 =	simm.s32 $0x4380;
	v51 =	vcvt.f32.s32 v49;
	v33, _, _ =	vpop (xrf2);
	v16 =	vadd.f32 v16, v28;
	v0 =	vsub.f32 v0, v36;
	[tilespmem:$0x1FD80] =	vst v48  }
0x2ac: {  	v39 =	vmul.f32 $9.999999740e-06, v29;
	v49 =	vbroadcast v45, $0xF;
	v11 =	vsub.f32 v11, v6;
	v28 =	vpop (erf);
	[tilespmem:s24+$0x0] =	vst v7  }
0x2ad: {  	vm2 =	vlt.f32 v62, v25;
	v0 =	vmul.f32 v28, v0;
	v28 =	vadd.f32 $0.0e+00, v33;
	[tilespmem:s17+$0xFFFFFFA0] =	vst v16;
	v36 =	vld.idx.msk [tilespmem:v17+s5+$0x0], $0xffff  }
0x2ae: {  	v41 =	vadd.s32 s18, v9;
	v33 =	vbroadcast v33, $0xF;
	v17 =	vsel vm2, v20, v62;
	v55 =	vld [tilespmem:$0x1FFD0]  }
0x2af: {  	(xrf2) =	vadd.scan.msk.f32 $0xffff, v37;
	v0 =	vmul.f32 v0, v11;
	v11 =	vadd.f32 $-1.000000000e+00, v28;
	v32 =	vld.idx.msk [tilespmem:v32+s5+$0x0], $0xffff;
	(erf) = vrcp.f32 v17  }
0x2b0: {  	v7 =	vmul.f32 v56, v29;
	v28 =	vmin.f32 v28, $6.200000000e+01;
	v61, _, _ =	vpop (xrf2);
	v17 =	vadd.f32 v8, v21  }
0x2b1: {  	v35 =	vadd.f32 v49, v31;
	(xrf2) =	vadd.scan.msk.f32 $0xffff, v22;
	v28 =	vtrunc.f32 v28;
	v21 =	vld [tilespmem:s23+$0xFFFFFF90];
	v11 =	vtrunc.f32 v11;
	v16, _, _ =	vpop (xrf2)  }
0x2b2: {  	v0 =	vadd.f32 v0, v6;
	v8 =	vcvt.f32.s32 v11;
	v6 =	vbroadcast v16, $0xF;
	(xrf2) =	vadd.scan.msk.f32 $0xffff, v17  }
0x2b3: {  	s19 =	simm.s32 $0x180;
	v37 =	vadd.f32 v37, v38;
	v11 =	vcvt.f32.s32 v28;
	v28 =	vld [tilespmem:s23+$0xFFFFFFA0];
	v16 =	vmul.f32 v55, v20  }
0x2b4: {  	v12 =	vld.idx.msk [tilespmem:v12+s5+$0x0], $0xffff;
	v31 =	vadd.s32 s19, v8;
	v32 =	vsub.f32 v32, v36;
	v6 =	vadd.f32 v6, v61  }
0x2b5: {  	v41 =	vld.idx.msk [tilespmem:v41+s5+$0x0], $0xffff;
	v62 =	vadd.s32 s19, v11;
	v16 =	vsub.f32 v16, v19;
	v19 =	vadd.f32 $-1.000000000e+00, v24  }
0x2b6: {  	v40 =	vld.idx.msk [tilespmem:v40+s10+$0x0], $0xffff;
	(xrf2) =	vadd.scan.msk.f32 $0xffff, v37;
	v37 =	vadd.f32 v21, v37;
	v24 =	vmin.f32 v24, $6.200000000e+01;
	vm2 =	vlt.f32 v32, v63  }
0x2b7: {  	v43 =	vld.idx.msk [tilespmem:v43+s10+$0x0], $0xffff;
	(xrf2) =	vadd.scan.msk.f32 $0xffff, v21;
	v24 =	vtrunc.f32 v24;
	v32 =	vsel vm2, v26, v32;
	v19 =	vtrunc.f32 v19  }
0x2b8: {  	(xrf2) =	vadd.scan.msk.f32 $0xffff, v37;
	v38 =	vadd.f32 v28, v37;
	(erf) = vrcp.f32 v32;
	v61 =	vcvt.f32.s32 v24;
	v21 =	vpop (erf)  }
0x2b9: {  	v45, _, _ =	vpop (xrf2);
	(xrf2) =	vadd.scan.msk.f32 $0xffff, v28;
	v28 =	vsub.f32 v2, v12;
	v31 =	vld.idx.msk [tilespmem:v31+s5+$0x0], $0xffff;
	v16 =	vmul.f32 v21, v16;
	v21 =	vadd.f32 $-1.000000000e+00, v6  }
0x2ba: {  	v2 =	vsub.f32 v41, v12;
	v5 =	vcvt.f32.s32 v19;
	v19 =	vmin.f32 v15, $6.200000000e+01;
	v48 =	vld.idx.msk [tilespmem:v62+s5+$0x0], $0xffff  }
0x2bb: {  	v49, _, _ =	vpop (xrf2);
	v24 =	vtrunc.f32 v19;
	v6 =	vmin.f32 v6, $6.200000000e+01;
	v19 =	vtrunc.f32 v21  }
0x2bc: {  	v6 =	vtrunc.f32 v6;
	v21 =	vsub.f32 v43, v40;
	v12 =	vcvt.f32.s32 v19;
	v19 =	vld.idx.msk [tilespmem:v23+s10+$0x0], $0xffff;
	v23, _, _ =	vpop (xrf2)  }
0x2bd: {  	v13 =	vld.idx.msk [tilespmem:v13+s10+$0x0], $0xffff;
	v6 =	vcvt.f32.s32 v6;
	v43 =	vadd.s32 s21, v46;
	v23 =	vbroadcast v23, $0xF  }
0x2be: {  	v45 =	vadd.f32 v33, v45;
	v16 =	vmul.f32 v16, v21;
	v21 =	vmul.f32 v3, v26  }
0x2bf: {  	v15 =	vadd.f32 $-1.000000000e+00, v15;
	v56 =	vcvt.f32.s32 v24;
	v32 =	vsub.f32 v48, v31  }
0x2c0: {  	v34 =	vmovc v39;
	v33 =	vsub.f32 v7, v31;
	v37 =	vadd.s32 s26, v6;
	v21 =	vsub.f32 v21, v36  }
0x2c1: {  	[tilespmem:s16+$0xFFFFFFD0] =	vst v0;
	v62 =	vld.idx.msk [tilespmem:v11+s10+$0x0], $0xffff;
	v36 =	vadd.s32 s26, v12;
	v7 =	vadd.f32 v23, v49;
	v16 =	vadd.f32 v16, v40;
	v23 =	vpop (erf)  }
0x2c2: {  	vm2 =	vlt.f32 v32, v39;
	v24 =	vld.idx.msk [tilespmem:v43+s5+$0x0], $0xffff;
	v21 =	vmul.f32 v23, v21;
	v23 =	vsub.f32 v19, v13  }
0x2c3: {  	v15 =	vtrunc.f32 v15;
	v32 =	vsel vm2, v29, v32;
	vm2 =	vlt.f32 v2, v58;
	[tilespmem:s17+$0x60] =	vst v16;
	v19 =	vld.idx.msk [tilespmem:v10+s10+$0x0], $0xffff  }
0x2c4: {  	v31, _, _ =	vpop (xrf2);
	(erf) = vrcp.f32 v32;
	v2 =	vsel vm2, v60, v2;
	v49 =	vld [tilespmem:$0x1FFF0];
	v10 =	vmul.f32 v21, v23  }
0x2c5: {  	v53, _, _ =	vpop (xrf2);
	(erf) = vrcp.f32 v2;
	v2 =	vadd.f32 $-1.000000000e+00, v7;
	v23 =	vbroadcast v31, $0xF;
	v31 =	vld.idx.msk [tilespmem:v8+s10+$0x0], $0xffff  }
0x2c6: {  	v11 =	vmin.f32 v35, $6.200000000e+01;
	v48 =	vadd.s32 s21, v27;
	v39 =	vcvt.f32.s32 v15;
	v16 =	vld.idx.msk [tilespmem:v36+s5+$0x0], $0xffff;
	v21, _, _ =	vpop (xrf2)  }
0x2c7: {  	v2 =	vtrunc.f32 v2;
	v32 =	vadd.f32 v23, v53;
	v23 =	vld.idx.msk [tilespmem:v37+s5+$0x0], $0xffff;
	v8 =	vbroadcast v21, $0xF  }
0x2c8: {  	v41 =	vadd.f32 v10, v13;
	v53 =	vld [tilespmem:s23+$0xFFFFFFB0];
	v37 =	vcvt.f32.s32 v2;
	v21 =	vmin.f32 v45, $6.200000000e+01;
	v10, _, _ =	vpop (xrf2)  }
0x2c9: {  	v2 =	vld.idx.msk [tilespmem:v46+s10+$0x0], $0xffff;
	v0 =	vtrunc.f32 v21;
	v15 =	vadd.f32 v8, v10;
	v8 =	vtrunc.f32 v11  }
0x2ca: {  	v11 =	vld.idx.msk [tilespmem:v9+s10+$0x0], $0xffff;
	v21 =	vcvt.f32.s32 v0;
	v0 =	vmin.f32 v7, $6.200000000e+01;
	v7 =	vmul.f32 v49, v60  }
0x2cb: {  	v10 =	vadd.f32 $-1.000000000e+00, v35;
	v35 =	vld.idx.msk [tilespmem:v48+s5+$0x0], $0xffff;
	v0 =	vtrunc.f32 v0  }
0x2cc: {  	v48 =	vld [tilespmem:s23+$0xFFFFFFC0];
	v36 =	vcvt.f32.s32 v0;
	[tilespmem:$0x1FD90] =	vst v7;
	v0 =	vadd.s32 s21, v57  }
0x2cd: {  	[tilespmem:$0x1FDA0] =	vst v0  }
0x2ce: {  	[tilespmem:s15+$0xFFFFFFE0] =	vst v4  }
0x2cf: {  	v4 =	vld [tilespmem:$0x1FF90];
	_ =	sdelay $0x1  }
0x2d0: {  	v0 =	vadd.s32 s18, v54;
	[tilespmem:$0x1FDB0] =	vst v54  }
0x2d1: {  	[tilespmem:$0x1FDC0] =	vst v0  }
0x2d2: {  	[tilespmem:$0x1FDD0] =	vst v51;
	v0 =	vadd.s32 s18, v51  }
0x2d3: {  	[tilespmem:$0x1FDE0] =	vst v0;
	v0 =	vmul.f32 v4, v29  }
0x2d4: {  	v54 =	vld [tilespmem:s23+$0xFFFFFFD0]  }
0x2d5: {  	v27 =	vld.idx.msk [tilespmem:v27+s10+$0x0], $0xffff;
	[tilespmem:$0x1FDF0] =	vst v0;
	v0 =	vmul.f32 v59, v29;
	_ =	sdelay $0x1  }
0x2d6: {  	[tilespmem:$0x1FE00] =	vst v0;
	v0 =	vld [tilespmem:$0x1FE10];
	_ =	sdelay $0x4  }
0x2d7: {  	[tilespmem:s15+$0x70] =	vst v0  }
0x2d8: {  	v0 =	vld [tilespmem:$0x1FE20];
	_ =	sdelay $0x7  }
0x2d9: {  	v9 =	vld.idx.msk [tilespmem:v0+s5+$0x0], $0xffff;
	v0 =	vadd.s32 s21, v52  }
0x2da: {  	[tilespmem:$0x1FE30] =	vst v0;
	v0 =	vmul.f32 v14, v29;
	_ =	sdelay $0x1  }
0x2db: {  	[tilespmem:$0x1FE40] =	vst v0;
	v0 =	vmul.f32 v50, v29  }
0x2dc: {  	v13 =	vadd.f32 $-1.000000000e+00, v45;
	v45 =	vsub.f32 v23, v16;
	v23 =	vmov v55  }
0x2dd: {  	[tilespmem:$0x1FE50] =	vst v0;
	v0 =	vmul.f32 v23, v29;
	_ =	sdelay $0x1  }
0x2de: {  	v30 =	vld.idx.msk [tilespmem:v30+s5+$0x0], $0xffff;
	[tilespmem:$0x1FE60] =	vst v0;
	v0 =	vmul.f32 v49, v29  }
0x2df: {  	[tilespmem:$0x1FE80] =	vst v48  }
0x2e0: {  	[tilespmem:$0x1FE70] =	vst v0  }
0x2e1: {  	[tilespmem:s16+$0x70] =	vst v42  }
0x2e2: {  	v0 =	vld [tilespmem:$0x1FE90];
	_ =	sdelay $0x7  }
0x2e3: {  	v40 =	vsub.f32 v62, v31;
	v62 =	vmovc v60;
	v55 =	vmul.f32 v55, v60;
	v60 =	vld.idx.msk [tilespmem:v0+s10+$0x0], $0xffff;
	v0 =	vadd.s32 s18, v5  }
0x2e4: {  	[tilespmem:$0x1FEB0] =	vst v0;
	v0 =	vadd.s32 s18, v61  }
0x2e5: {  	[tilespmem:$0x1FED0] =	vst v0;
	v0 =	vadd.s32 s18, v39  }
0x2e6: {  	[tilespmem:$0x1FEE0] =	vst v0;
	v0 =	vld [tilespmem:$0x1FEF0];
	_ =	sdelay $0x3  }
0x2e7: {  	v4 =	vadd.f32 v53, v38;
	_ =	sdelay $0x1  }
0x2e8: {  	v7 =	vmul.f32 v3, v29;
	v3 =	vadd.f32 v48, v4;
	[tilespmem:$0x1FEA0] =	vst v5  }
0x2e9: {  	[tilespmem:$0x1FEC0] =	vst v61  }
0x2ea: {  	v14 =	vld.idx.msk [tilespmem:v0+s10+$0x0], $0xffff;
	v0 =	vadd.f32 v54, v3  }
0x2eb: {  	[tilespmem:$0x1FF00] =	vst v54  }
0x2ec: {  	[tilespmem:$0x1FF10] =	vst v0;
	v0 =	vadd.s32 s18, v56  }
0x2ed: {  	[tilespmem:$0x1FF20] =	vst v0  }
0x2ee: {  	v0 =	vld [tilespmem:s23+$0xFFFFFFE0]  }
0x2ef: {  	(xrf2) =	vadd.scan.msk.f32 $0xffff, v38  }
0x2f0: {  	v13 =	vtrunc.f32 v13  }
0x2f1: {  	v13 =	vcvt.f32.s32 v13  }
0x2f2: {  	(xrf2) =	vadd.scan.msk.f32 $0xffff, v53;
	v43 =	vadd.s32 s19, v21;
	v23 =	vadd.s32 s20, v37  }
0x2f3: {  	s28 =	simm.s32 $0x480;
	s26 =	simm.s32 $0x6;
	v46 =	vadd.s32 s20, v36;
	v38 =	vadd.s32 s19, v13;
	v59 =	vmovc v39;
	s21 =	simm.s32 $0x4380;
	v61 =	vimm.f32 $0.0e+00;
	[tilespmem:$0x1FF30] =	vst v0  }
.LBB2_3:
0x2f4: {  	_ = 	snop  }
0x2f5: {  	v5 =	vadd.f32 $-1.000000000e+00, v32  }
0x2f6: {  	v48 =	vld [tilespmem:s28+$0x10];
	[tilespmem:s24+$0x10] =	vst v41  }
0x2f7: {  	[tilespmem:$0x1FBE0] =	vst v57;
	v23 =	vld.idx.msk [tilespmem:v23+s5+$0x0], $0xffff;
	v57 =	vtrunc.f32 v5;
	v5 =	vadd.f32 v22, v17  }
0x2f8: {  	[tilespmem:$0x1FBC0] =	vst v56;
	v41 =	vsub.f32 v11, v19;
	(xrf2) =	vadd.scan.msk.f32 $0xffff, v18;
	v46 =	vld.idx.msk [tilespmem:v46+s5+$0x0], $0xffff  }
0x2f9: {  	v50 =	vsub.f32 v35, v24;
	v56 =	vmin.f32 v32, $6.200000000e+01;
	vm2 =	vlt.f32 v45, v25;
	v49 =	vld [tilespmem:s28+$0x0];
	v22, _, _ =	vpop (xrf2);
	(xrf2) =	vadd.scan.msk.f32 $0xffff, v5  }
0x2fa: {  	v39 =	vadd.f32 $-1.000000000e+00, v15;
	v53 =	vld.idx.msk [tilespmem:v12+s10+$0x0], $0xffff;
	v12 =	vmovc v3;
	v11 =	vtrunc.f32 v56;
	v17 =	vsel vm2, v20, v45  }
0x2fb: {  	[tilespmem:$0x1FBB0] =	vst v59;
	v59 =	vld [tilespmem:s28+$0x20];
	v3 =	vmov v2;
	(erf) = vrcp.f32 v17;
	v17 =	vcvt.f32.s32 v11;
	v42 =	vpop (erf)  }
0x2fc: {  	v2 =	vmovc v1;
	v1 =	vmovc v14;
	v14 =	vmov v26;
	v26 =	vld [tilespmem:s28+$0xFFFFFFA0];
	v11 =	vtrunc.f32 v39;
	v51 =	vmul.f32 v42, v33  }
0x2fd: {  	v15 =	vmin.f32 v15, $6.200000000e+01;
	v35 =	vadd.f32 $9.999999740e-06, v48;
	v48 =	vld [tilespmem:s28+$0x30];
	v11 =	vcvt.f32.s32 v11  }
0x2fe: {  	v15 =	vtrunc.f32 v15;
	v56 =	vld [tilespmem:s28+$0xFFFFFF90];
	v46 =	vsub.f32 v46, v23;
	v40 =	vmul.f32 v51, v40  }
0x2ff: {  	v25 =	vcvt.f32.s32 v15;
	v49 =	vadd.f32 $9.999999740e-06, v49;
	[tilespmem:$0x1FB90] =	vst v11;
	v45 =	vadd.s32 s19, v11;
	v11 =	vld [tilespmem:$0x1FFF0]  }
0x300: {  	[tilespmem:$0x1FBF0] =	vst v52;
	v0 =	vmov v63;
	v15 =	vld.idx.msk [tilespmem:v6+s10+$0x0], $0xffff;
	v63 =	vcvt.f32.s32 v57;
	v42 =	vadd.f32 v40, v31  }
0x301: {  	[tilespmem:$0x1FBA0] =	vst v25;
	v6 =	vadd.f32 $9.999999740e-06, v59;
	v59 =	vld [tilespmem:s28+$0xFFFFFFB0];
	vm3 =	vlt.f32 v46, v0;
	v49 =	vsel vm0, $0x0, v49;
	v52, _, _ =	vpop (xrf2)  }
0x302: {  	v51 =	vld [tilespmem:s28+$0xFFFFFF80];
	v57 =	vadd.f32 $9.999999740e-06, v48;
	v48 =	vadd.s32 s19, v25;
	v25 =	vsel vm3, v14, v46;
	v46, _, _ =	vpop (xrf2);
	[tilespmem:s24+$0xFFFFFF80] =	vst v42  }
0x303: {  	(xrf2) =	vadd.scan.msk.f32 $0xffff, v35;
	v39 =	vadd.f32 v35, v49;
	v35 =	vld.idx.msk [tilespmem:v13+s10+$0x0], $0xffff;
	v13, _, _ =	vpop (xrf2)  }
0x304: {  	(xrf2) =	vadd.scan.msk.f32 $0xffff, v6;
	v40 =	vmul.f32 v11, v20;
	v57 =	vsel vm1, $0x0, v57;
	v13 =	vbroadcast v13, $0xF  }
0x305: {  	(xrf2) =	vadd.scan.msk.f32 $0xffff, v57  }
0x306: {  	v54 =	vpop (erf);
	(erf) = vrcp.f32 v25;
	v16 =	vsub.f32 v40, v16;
	(xrf2) =	vadd.scan.msk.f32 $0xffff, v49;
	v49 =	vld.idx.msk [tilespmem:v36+s10+$0x0], $0xffff;
	v36 =	vadd.f32 v13, v46  }
0x307: {  	v31 =	vpop (erf);
	v13 =	vadd.f32 $9.999999740e-06, v26;
	v26 =	vadd.f32 $9.999999740e-06, v59;
	v59 =	vld [tilespmem:$0x1FF90]  }
0x308: {  	v15 =	vsub.f32 v15, v53;
	v16 =	vmul.f32 v31, v16  }
0x309: {  	v51 =	vadd.f32 $9.999999740e-06, v51  }
0x30a: {  	v20 =	vmov v60;
	v60 =	vld.idx.msk [tilespmem:v38+s5+$0x0], $0xffff;
	v15 =	vmul.f32 v16, v15  }
0x30b: {  	v38 =	vsel vm0, $0x0, v51;
	v51 =	vld.idx.msk [tilespmem:v37+s10+$0x0], $0xffff  }
0x30c: {  	v15 =	vadd.f32 v15, v53;
	v25 =	vmul.f32 v59, v14  }
0x30d: {  	v6 =	vadd.f32 v6, v39  }
0x30e: {  	v43 =	vld.idx.msk [tilespmem:v43+s5+$0x0], $0xffff;
	[tilespmem:s17+$0x70] =	vst v15;
	v15 =	vsub.f32 v25, v23  }
0x30f: {  	v31 =	vadd.f32 $9.999999740e-06, v56;
	v16 =	vadd.f32 v57, v6;
	v56 =	vpop (erf)  }
0x310: {  	v57 =	vsub.f32 v49, v51;
	v15 =	vmul.f32 v56, v15  }
0x311: {  	v37, _, _ =	vpop (xrf2);
	(xrf2) =	vadd.scan.msk.f32 $0xffff, v16  }
0x312: {  	v46 =	vadd.f32 $-1.000000000e+00, v36;
	v15 =	vmul.f32 v15, v57  }
0x313: {  	v16 =	vsub.f32 v43, v60;
	v23 =	vmin.f32 v36, $6.200000000e+01;
	v36 =	vsel vm1, $0x0, v26  }
0x314: {  	v26 =	vtrunc.f32 v46;
	v46 =	vsub.f32 v7, v60;
	v7 =	vadd.f32 v15, v51  }
0x315: {  	v49 =	vcvt.f32.s32 v26  }
0x316: {  	v22 =	vbroadcast v22, $0xF;
	vm3 =	vlt.f32 v16, v34;
	[tilespmem:s24+$0x20] =	vst v7;
	v7 =	vld [tilespmem:$0x1FE60]  }
0x317: {  	v16 =	vsel vm3, v29, v16;
	v26 =	vadd.s32 s20, v49  }
0x318: {  	vm2 =	vlt.f32 v50, v47;
	v43, _, _ =	vpop (xrf2);
	(erf) = vrcp.f32 v16;
	v16 =	vadd.f32 v22, v52  }
0x319: {  	v28 =	vmul.f32 v54, v28;
	(xrf2) =	vadd.scan.msk.f32 $0xffff, v39;
	v39, _, _ =	vpop (xrf2);
	v22 =	vsel vm2, v44, v50  }
0x31a: {  	(erf) = vrcp.f32 v22;
	v22 =	vadd.f32 $-1.000000000e+00, v16;
	v57, _, _ =	vpop (xrf2)  }
0x31b: {  	v25 =	vmul.f32 v28, v41;
	v15 =	vmov v7;
	v7, _, _ =	vpop (xrf2)  }
0x31c: {  	v41 =	vld.idx.msk [tilespmem:v26+s5+$0x0], $0xffff;
	v26 =	vbroadcast v7, $0xF;
	v7 =	vadd.f32 v18, v5;
	v5 =	vtrunc.f32 v22  }
0x31d: {  	v28 =	vcvt.f32.s32 v5;
	v5 =	vld [tilespmem:$0x1FDC0];
	_ =	sdelay $0x3  }
0x31e: {  	v10 =	vtrunc.f32 v10;
	v16 =	vmin.f32 v16, $6.200000000e+01;
	v19 =	vadd.f32 v25, v19  }
0x31f: {  	v21 =	vld.idx.msk [tilespmem:v21+s10+$0x0], $0xffff;
	[tilespmem:$0x1FC10] =	vst v15;
	v15 =	vcvt.f32.s32 v10;
	v10 =	vtrunc.f32 v16  }
0x320: {  	v23 =	vtrunc.f32 v23;
	[tilespmem:s17+$0xFFFFFFB0] =	vst v19;
	v19 =	vcvt.f32.s32 v10  }
0x321: {  	v23 =	vcvt.f32.s32 v23;
	v10 =	vld [tilespmem:$0x1FDE0]  }
0x322: {  	v50 =	vld.idx.msk [tilespmem:v5+s5+$0x0], $0xffff;
	v5 =	vadd.s32 s19, v19  }
0x323: {  	v60 =	vadd.s32 s20, v23;
	[tilespmem:$0x1FDC0] =	vst v5;
	v5 =	vld [tilespmem:$0x1FDD0]  }
0x324: {  	(xrf2) =	vadd.scan.msk.f32 $0xffff, v6;
	v6 =	vsub.f32 v21, v35;
	v21 =	vld [tilespmem:$0x1FC90]  }
0x325: {  	v16 =	vcvt.f32.s32 v8;
	v8 =	vld [tilespmem:$0x1FC20];
	_ =	sdelay $0x1  }
0x326: {  	v56 =	vld [tilespmem:$0x1FCC0]  }
0x327: {  	v30 =	vsub.f32 v30, v9;
	v18 =	vld.idx.msk [tilespmem:v60+s5+$0x0], $0xffff  }
0x328: {  	v40 =	vadd.f32 v31, v38;
	v24 =	vsub.f32 v21, v24;
	v22 =	vld.idx.msk [tilespmem:v10+s5+$0x0], $0xffff;
	v10 =	vadd.s32 s18, v15  }
0x329: {  	v21 =	vmov v55;
	(xrf2) =	vadd.scan.msk.f32 $0xffff, v2;
	[tilespmem:$0x1FBD0] =	vst v10;
	v10 =	vsub.f32 v8, v9;
	v9 =	vpop (erf);
	v8 =	vld [tilespmem:$0x1FCB0]  }
0x32a: {  	[tilespmem:$0x1FC90] =	vst v21;
	v21 =	vsub.f32 v27, v3;
	v9 =	vmul.f32 v9, v46;
	v27 =	vld.idx.msk [tilespmem:v5+s10+$0x0], $0xffff;
	v5 =	vadd.s32 s19, v28  }
0x32b: {  	(xrf2) =	vadd.scan.msk.f32 $0xffff, v7;
	[tilespmem:$0x1FDE0] =	vst v5;
	v5 =	vld [tilespmem:$0x1FDB0]  }
0x32c: {  	v54 =	vadd.f32 v13, v40;
	v6 =	vmul.f32 v9, v6;
	v9 =	vld [tilespmem:$0x1FCD0];
	_ =	sdelay $0x1  }
0x32d: {  	v33 =	vadd.s32 s19, v63;
	v53 =	vadd.f32 v36, v54;
	v25 =	vmovc v0;
	(erf) = vrcp.f32 v26  }
0x32e: {  	v51, _, _ =	vpop (xrf2);
	vm2 =	vlt.f32 v30, v8;
	v8 =	vsub.f32 v1, v20;
	v1 =	vmov v19  }
0x32f: {  	v55 =	vmovc v29;
	v29 =	vbroadcast v51, $0xF;
	v46 =	vsel vm2, v56, v30;
	[tilespmem:$0x1FDB0] =	vst v1;
	v1 =	vsub.f32 v18, v41  }
0x330: {  	(xrf2) =	vadd.scan.msk.f32 $0xffff, v53;
	v6 =	vadd.f32 v6, v35;
	v30 =	vsub.f32 v9, v22;
	v9 =	vpop (erf);
	(erf) = vrcp.f32 v46  }
0x331: {  	v23 =	vld.idx.msk [tilespmem:v23+s10+$0x0], $0xffff;
	v53 =	vmov v62;
	v19, _, _ =	vpop (xrf2);
	(xrf2) =	vadd.scan.msk.f32 $0xffff, v54;
	v22 =	vsub.f32 v50, v22;
	vm2 =	vlt.f32 v1, v0  }
0x332: {  	v18, _, _ =	vpop (xrf2);
	v1 =	vsel vm2, v14, v1;
	v52 =	vld.idx.msk [tilespmem:v5+s10+$0x0], $0xffff;
	v5 =	vmov v28;
	v28 =	vmov v44;
	[tilespmem:s24+$0xFFFFFF90] =	vst v6  }
0x333: {  	v0 =	vld [tilespmem:$0x1FE40];
	vm2 =	vlt.f32 v22, v58;
	(erf) = vrcp.f32 v1;
	[tilespmem:$0x1FCC0] =	vst v28;
	v28 =	vmul.f32 v9, v24;
	v9 =	vmovc v47  }
0x334: {  	v6 =	vsel vm2, v53, v22;
	v22 =	vadd.f32 $0.0e+00, v57;
	v44 =	vld [tilespmem:$0x1FFB0];
	[tilespmem:$0x1FCB0] =	vst v9;
	v9 =	vbroadcast v57, $0xF;
	v57, _, _ =	vpop (xrf2)  }
0x335: {  	v32 =	vadd.s32 s19, v17;
	v19 =	vbroadcast v19, $0xF;
	(xrf2) =	vadd.scan.msk.f32 $0xffff, v40;
	v33 =	vld.idx.msk [tilespmem:v33+s5+$0x0], $0xffff;
	v40 =	vbroadcast v57, $0xF  }
0x336: {  	v42 =	vimm.s32 $0x0;
	[tilespmem:$0x1FC00] =	vst v16;
	v16 =	vadd.s32 s18, v16;
	v29 =	vadd.f32 v29, v43;
	v24 =	vpop (erf);
	v47 =	vld [tilespmem:$0x1FD90]  }
0x337: {  	v62 =	vmovc v34;
	v24 =	vmul.f32 $1.270000000e+02, v24;
	v35 =	vsub.f32 v52, v27;
	v40 =	vadd.f32 v40, v18;
	v52 =	vld [tilespmem:$0x1FCA0]  }
0x338: {  	s18 =	smov.u32 s19;
	v34 =	vadd.f32 v19, v39;
	s19 =	sadd.s32 $0x80, s19;
	(erf) = vrcp.f32 v6;
	v57 =	vmovc v58;
	v58 =	vmovc v0;
	v0 =	vld [tilespmem:$0x1FDF0];
	v9 =	vadd.f32 v9, v37  }
0x339: {  	s22 =	sadd.s32 $0x80, s22;
	s29 =	sadd.s32 $0x40, s19;
	v19 =	vpop (erf);
	v6 =	vmul.f32 v24, v22;
	v46 =	vmul.f32 v24, v29;
	[tilespmem:$0x1FCD0] =	vst v58;
	v18 =	vld.idx.msk [tilespmem:v63+s10+$0x0], $0xffff;
	v63 =	vadd.f32 $-1.000000000e+00, v40  }
0x33a: {  	s30 =	sor.u32 $0x50, s29;
	(xrf2) =	vadd.scan.msk.f32 $0xffff, v38;
	v38, _, _ =	vpop (xrf2);
	v37 =	vld.idx.msk [tilespmem:v49+s10+$0x0], $0xffff;
	[tilespmem:s22+$0x20] =	vst v22;
	v39 =	vmul.f32 v44, v14;
	v43 =	vmul.f32 v24, v9  }
0x33b: {  	s0 =	sor.u32 $0x60, s29;
	(xrf2) =	vadd.scan.msk.f32 $0xffff, v36;
	v50 =	vmul.f32 v24, v34;
	v51, _, _ =	vpop (xrf2);
	v49 =	vtrunc.f32 v6;
	[tilespmem:s30+$0x8000] =	vst v9  }
0x33c: {  	v39 =	vsub.f32 v39, v41;
	v1 =	vmin.f32 v40, $6.200000000e+01;
	[tilespmem:s0+$0x8000] =	vst v29;
	v22 =	vtrunc.f32 v43;
	v24 =	vmovc v52  }
0x33d: {  	s31 =	sor.u32 $0x70, s29;
	v58 =	vtrunc.f32 v1;
	[tilespmem:$0x1FC20] =	vst v24;
	v24 =	vsub.f32 v0, v33;
	v0 =	vtrunc.f32 v63;
	v63 =	vpop (erf)  }
0x33e: {  	vm2 =	vgt.f32 v6, v49;
	v9 =	vmovc v47;
	[tilespmem:s31+$0x8000] =	vst v34;
	v29 =	vmul.f32 v63, v39;
	v39 =	vcvt.f32.s32 v0;
	v0 =	vld [tilespmem:$0x1FE70]  }
0x33f: {  	s23 =	sadd.s32 $0x120, s23;
	v34, _, _ =	vpop (xrf2);
	(xrf2) =	vadd.scan.msk.f32 $0xffff, v31;
	v31 =	vtrunc.f32 v50;
	v23 =	vsub.f32 v23, v37;
	[tilespmem:$0x1FCA0] =	vst v9  }
0x340: {  	v1 =	vadd.f32 v2, v7;
	v9 =	vtrunc.f32 v46;
	v36 =	vcvt.f32.s32 v58;
	[tilespmem:s23+$0x0] =	vst v61  }
0x341: {  	vm3 =	vgt.f32 v43, v22;
	[tilespmem:s23+$0x10] =	vst v61;
	v23 =	vmul.f32 v29, v23;
	v29 =	vadd.s32 s20, v39  }
0x342: {  	s25 =	sadd.s32 $0x120, s25;
	v22 =	vcvt.f32.s32 v22;
	[tilespmem:s23+$0x20] =	vst v61;
	v52 =	vcvt.f32.s32 v49;
	v6 =	vadd.s32 s20, v36  }
0x343: {  	s31 =	sadd.s32 $0x90, s25;
	v47 =	vld [tilespmem:$0x1FD60];
	[tilespmem:s23+$0x30] =	vst v61;
	vm4 =	vgt.f32 v46, v9;
	v46 =	vsel vm2, $0x1, v42;
	v23 =	vadd.f32 v23, v37;
	v0 =	vmovc v0  }
0x344: {  	v58 =	vsel vm3, $0x1, v42;
	vm2 =	vgt.f32 v50, v31;
	v22 =	vadd.s32 s31, v22;
	[tilespmem:$0x1FD90] =	vst v0  }
0x345: {  	v41 =	vadd.s32 s31, v52;
	v37 =	vcvt.f32.s32 v9;
	v9 =	vcvt.f32.s32 v31;
	[tilespmem:s24+$0x30] =	vst v23  }
0x346: {  	v41 =	vadd.s32 v46, v41;
	v31 =	vsel vm2, $0x1, v42;
	v23 =	vsel vm4, $0x1, v42;
	v52 =	vld.idx.msk [tilespmem:v29+s5+$0x0], $0xffff;
	[tilespmem:s23+$0x40] =	vst v61  }
0x347: {  	v43, _, _ =	vpop (xrf2);
	v2 =	vadd.s32 v9, v31;
	v9 =	vadd.s32 v58, v22;
	v22 =	vadd.s32 s31, v37;
	v6 =	vld.idx.msk [tilespmem:v6+s5+$0x0], $0xffff;
	[tilespmem:s23+$0x50] =	vst v61  }
0x348: {  	v32 =	vld.idx.msk [tilespmem:v32+s5+$0x0], $0xffff;
	v63, _, _ =	vpop (xrf2);
	(xrf2) =	vadd.scan.msk.f32 $0xffff, v47;
	v22 =	vadd.s32 v23, v22;
	v29 =	vbroadcast v38, $0xF;
	[tilespmem:s23+$0x60] =	vst v61  }
0x349: {  	s0 =	sand.u32 $0x7FF0, s31;
	v50 =	vld [tilespmem:$0x1FFC0];
	(xrf2) =	vadd.scan.msk.f32 $0xffff, v1;
	v0 =	vsel vm1, $0x8F, v2;
	[tilespmem:s23+$0x70] =	vst v61  }
0x34a: {  	v54 =	vimm.f32 $1.000000000e+00;
	v31 =	vadd.s32 s31, v0;
	[tilespmem:s0+$0xA080] =	vst v61;
	v0 =	vmul.f32 v59, v29;
	v59 =	vld [tilespmem:$0x1FFD0]  }
0x34b: {  	v40 =	vpop (erf);
	(erf) = vrcp.f32 v29;
	[tilespmem:v41+s4+$0x0] =	vst.idx.add.f32.msk $0xffff, v54  }
0x34c: {  	v7, _, _ =	vpop (xrf2);
	(xrf2) =	vadd.scan.msk.f32 $0xffff, v13;
	[tilespmem:v9+s4+$0x0] =	vst.idx.add.f32.msk $0xffff, v54;
	v2 =	vsub.f32 v6, v52  }
0x34d: {  	[tilespmem:v22+s4+$0x0] =	vst.idx.add.f32.msk $0xffff, v54;
	v22 =	vsub.f32 v32, v33  }
0x34e: {  	[tilespmem:$0x1FDF0] =	vst v0;
	v0 =	vmul.f32 v50, v29;
	vm2 =	vlt.f32 v2, v25  }
0x34f: {  	v21 =	vmul.f32 v28, v21;
	(xrf2) =	vadd.scan.msk.f32 $0xffff, v4;
	v4 =	vsel vm2, v14, v2;
	vm2 =	vlt.f32 v22, v62  }
0x350: {  	v30 =	vmul.f32 v40, v30;
	[tilespmem:$0x1FE40] =	vst v0;
	(erf) = vrcp.f32 v4;
	v0 =	vsel vm2, v55, v22  }
0x351: {  	[tilespmem:v31+s4+$0x0] =	vst.idx.add.f32.msk $0xffff, v54;
	(erf) = vrcp.f32 v0;
	v0 =	vmul.f32 v59, v29  }
0x352: {  	v49 =	vbroadcast v34, $0xF;
	v46 =	vbroadcast v43, $0xF;
	v6, _, _ =	vpop (xrf2);
	v13 =	vld [tilespmem:s23+$0x0]  }
0x353: {  	v30 =	vmul.f32 v30, v35;
	v23 =	vbroadcast v51, $0xF;
	v22, _, _ =	vpop (xrf2);
	[tilespmem:$0x1FE60] =	vst v0;
	v0 =	vld [tilespmem:$0x1FE80]  }
0x354: {  	v37 =	vadd.f32 $0.0e+00, v43;
	v38 =	vadd.f32 v46, v7;
	v22 =	vbroadcast v22, $0xF;
	v58 =	vpop (erf)  }
0x355: {  	v23 =	vadd.f32 v23, v63;
	v11 =	vmul.f32 v11, v29;
	v51 =	vld.idx.msk [tilespmem:v39+s10+$0x0], $0xffff;
	v28 =	vmul.f32 $1.270000000e+02, v58  }
0x356: {  	v41 =	vmul.f32 v50, v14;
	v63 =	vld.idx.msk [tilespmem:v36+s10+$0x0], $0xffff;
	v2 =	vadd.f32 v21, v3;
	v40, _, _ =	vpop (xrf2);
	v6 =	vadd.f32 v22, v6  }
0x357: {  	(xrf2) =	vadd.scan.msk.f32 $0xffff, v13;
	v22 =	vadd.f32 v30, v27;
	v27 =	vadd.f32 v49, v40;
	v21 =	vmul.f32 v28, v37  }
0x358: {  	v17 =	vld.idx.msk [tilespmem:v17+s10+$0x0], $0xffff;
	[tilespmem:s22+$0x10] =	vst v23;
	v23 =	vmul.f32 v28, v23;
	v36 =	vmul.f32 v28, v38;
	(xrf2) =	vadd.scan.msk.f32 $0xffff, v0  }
0x359: {  	v43 =	vadd.f32 $-1.000000000e+00, v6;
	[tilespmem:s22+$0x0] =	vst v27;
	v6 =	vmin.f32 v6, $6.200000000e+01;
	v27 =	vmul.f32 v28, v27  }
0x35a: {  	v30, _, _ =	vpop (xrf2);
	v6 =	vtrunc.f32 v6;
	v28 =	vtrunc.f32 v23;
	v0 =	vsub.f32 v41, v52;
	(xrf2) =	vadd.scan.msk.f32 $0xffff, v12  }
0x35b: {  	[tilespmem:s22+$0xFFFFFFE0] =	vst v37;
	v39 =	vtrunc.f32 v36;
	v33 =	vtrunc.f32 v43;
	v46 =	vpop (erf)  }
0x35c: {  	[tilespmem:s22+$0xFFFFFFF0] =	vst v38;
	v35 =	vsub.f32 v63, v51;
	v33 =	vcvt.f32.s32 v33;
	v0 =	vmul.f32 v46, v0  }
0x35d: {  	v34 =	vld [tilespmem:$0x1FD70];
	[tilespmem:$0x1FE70] =	vst v11;
	v6 =	vcvt.f32.s32 v6;
	v49 =	vcvt.f32.s32 v28;
	vm2 =	vgt.f32 v23, v28  }
0x35e: {  	[tilespmem:s23+$0xFFFFFF70] =	vst v61;
	v50 =	vsel vm2, $0x1, v42;
	v37 =	vadd.s32 s20, v33;
	v35 =	vmul.f32 v0, v35  }
0x35f: {  	[tilespmem:s23+$0xFFFFFF80] =	vst v61;
	v58 =	vcvt.f32.s32 v39;
	v23 =	vadd.s32 s20, v6;
	v38 =	vadd.s32 v49, v50;
	v50 =	vld [tilespmem:$0x1FF00]  }
0x360: {  	v1 =	vadd.f32 v47, v1;
	v11 =	vld [tilespmem:$0x1FF10];
	[tilespmem:s23+$0xFFFFFF90] =	vst v61;
	v32 =	vadd.f32 v35, v51;
	v35 =	vtrunc.f32 v27  }
0x361: {  	[tilespmem:s23+$0xFFFFFFA0] =	vst v61;
	v0, _, _ =	vpop (xrf2);
	v63 =	vcvt.f32.s32 v35;
	vm15 =	vgt.f32 v27, v35;
	v35 =	vadd.s32 s25, v58;
	v58 =	vld [tilespmem:$0x1FEB0]  }
0x362: {  	[tilespmem:s24+$0x40] =	vst v32;
	v49, _, _ =	vpop (xrf2);
	(xrf2) =	vadd.scan.msk.f32 $0xffff, v34  }
0x363: {  	[tilespmem:s23+$0xFFFFFFB0] =	vst v61;
	v37 =	vld.idx.msk [tilespmem:v37+s5+$0x0], $0xffff;
	(xrf2) =	vadd.scan.msk.f32 $0xffff, v1  }
0x364: {  	[tilespmem:s23+$0xFFFFFFC0] =	vst v61;
	vm3 =	vgt.f32 v36, v39;
	v51 =	vadd.f32 $0.0e+00, v0;
	v23 =	vld.idx.msk [tilespmem:v23+s5+$0x0], $0xffff;
	v39, _, _ =	vpop (xrf2);
	(xrf2) =	vadd.scan.msk.f32 $0xffff, v50  }
0x365: {  	[tilespmem:s23+$0xFFFFFFD0] =	vst v61;
	(xrf2) =	vadd.scan.msk.f32 $0xffff, v11;
	v11 =	vld [tilespmem:$0x1FEC0]  }
0x366: {  	v10 =	vmul.f32 v19, v10;
	s30 =	sand.u32 $0x7FE0, s25;
	[tilespmem:s23+$0xFFFFFFE0] =	vst v61;
	v28 =	vtrunc.f32 v21;
	v52 =	vadd.f32 $-1.000000000e+00, v51  }
0x367: {  	v31 =	vsub.f32 v17, v18;
	[tilespmem:s30+$0xA080] =	vst v61;
	v43 =	vcvt.f32.s32 v28;
	v41 =	vmin.f32 v51, $6.200000000e+01;
	v51 =	vld [tilespmem:$0x1FED0]  }
0x368: {  	vm2 =	vgt.f32 v21, v28;
	[tilespmem:s17+$0xFFFFFFC0] =	vst v22;
	v21 =	vtrunc.f32 v41;
	v28 =	vtrunc.f32 v52  }
0x369: {  	v36 =	vcvt.f32.s32 v21;
	v23 =	vsub.f32 v23, v37;
	v41 =	vld.idx.msk [tilespmem:v58+s5+$0x0], $0xffff;
	[tilespmem:s16+$0xFFFFFFE0] =	vst v2;
	v2 =	vsel vm3, $0x1, v42  }
0x36a: {  	v22 =	vsel vm2, $0x1, v42;
	v28 =	vcvt.f32.s32 v28;
	v35 =	vadd.s32 v2, v35;
	v2 =	vld [tilespmem:$0x1FEA0]  }
0x36b: {  	v19 =	vld [tilespmem:$0x1FE50];
	v21 =	vsel vm1, $0x8F, v38;
	v38 =	vadd.s32 s29, v36;
	vm2 =	vlt.f32 v23, v25  }
0x36c: {  	v17 =	vmul.f32 v44, v29;
	v44 =	vld [tilespmem:$0x1FFE0];
	v40 =	vadd.s32 s29, v28;
	v23 =	vsel vm2, v14, v23  }
0x36d: {  	v3 =	vpop (erf);
	v27 =	vadd.s32 s25, v43;
	(erf) = vrcp.f32 v23;
	v23 =	vld.idx.msk [tilespmem:v11+s10+$0x0], $0xffff  }
0x36e: {  	v3 =	vmul.f32 v3, v24;
	v24 =	vbroadcast v30, $0xF;
	v22 =	vadd.s32 v22, v27;
	v11 =	vld [tilespmem:$0x1FCE0]  }
0x36f: {  	v52 =	vld.idx.msk [tilespmem:v51+s5+$0x0], $0xffff  }
0x370: {  	v24 =	vadd.f32 v24, v49;
	v30 =	vld.idx.msk [tilespmem:v38+s5+$0x0], $0xffff  }
0x371: {  	v4 =	vmul.f32 v44, v29;
	v12 =	vmov v19;
	v58 =	vbroadcast v39, $0xF;
	v39 =	vld.idx.msk [tilespmem:v40+s5+$0x0], $0xffff  }
0x372: {  	v32 =	vadd.s32 s25, v63;
	[tilespmem:$0x1FCE0] =	vst v12;
	v12 =	vmin.f32 v24, $6.200000000e+01;
	v2 =	vld.idx.msk [tilespmem:v2+s10+$0x0], $0xffff  }
0x373: {  	v63 =	vsel vm15, $0x1, v42;
	[tilespmem:v22+s4+$0x0] =	vst.idx.add.f32.msk $0xffff, v54;
	v40 =	vsub.f32 v11, v41;
	v11 =	vmovc v4;
	v4 =	vtrunc.f32 v12  }
0x374: {  	v3 =	vmul.f32 v3, v31;
	v32 =	vadd.s32 v63, v32;
	[tilespmem:$0x1FE50] =	vst v11;
	v11 =	vcvt.f32.s32 v4  }
0x375: {  	v21 =	vadd.s32 s25, v21;
	[tilespmem:v35+s4+$0x0] =	vst.idx.add.f32.msk $0xffff, v54  }
0x376: {  	v3 =	vadd.f32 v3, v18;
	v27 =	vld [tilespmem:s23+$0x10];
	v18 =	vadd.f32 $-1.000000000e+00, v24;
	[tilespmem:$0x1FEC0] =	vst v11;
	v11 =	vadd.s32 s18, v11  }
0x377: {  	v63 =	vmul.f32 $9.999999740e-06, v26;
	v31, _, _ =	vpop (xrf2);
	v4 =	vsub.f32 v30, v39;
	[tilespmem:$0x1FED0] =	vst v11;
	v11 =	vld [tilespmem:$0x1FF30]  }
0x378: {  	v8 =	vmul.f32 v10, v8;
	v10 =	vld.idx.msk [tilespmem:v33+s10+$0x0], $0xffff;
	v19, _, _ =	vpop (xrf2);
	v22 =	vsub.f32 v52, v41;
	[tilespmem:s24+$0xFFFFFFA0] =	vst v3;
	v3 =	vtrunc.f32 v18  }
0x379: {  	v12 =	vbroadcast v19, $0xF;
	v19 =	vcvt.f32.s32 v3;
	[tilespmem:v32+s4+$0x0] =	vst.idx.add.f32.msk $0xffff, v54;
	vm3 =	vlt.f32 v4, v63  }
0x37a: {  	vm2 =	vlt.f32 v22, v57;
	[tilespmem:v21+s4+$0x0] =	vst.idx.add.f32.msk $0xffff, v54;
	v4 =	vsel vm3, v26, v4  }
0x37b: {  	(xrf2) =	vadd.scan.msk.f32 $0xffff, v27;
	v18, _, _ =	vpop (xrf2);
	v3 =	vld.idx.msk [tilespmem:v6+s10+$0x0], $0xffff;
	v22 =	vsel vm2, v53, v22;
	[tilespmem:$0x1FEA0] =	vst v19;
	(erf) = vrcp.f32 v4  }
0x37c: {  	v50 =	vpop (erf);
	v19 =	vadd.s32 s18, v19;
	(erf) = vrcp.f32 v22;
	v22 =	vbroadcast v0, $0xF;
	v0 =	vld [tilespmem:s23+$0xFFFFFFE0];
	(xrf2) =	vadd.scan.msk.f32 $0xffff, v11  }
0x37d: {  	[tilespmem:$0x1FEB0] =	vst v19;
	v19 =	vmul.f32 v44, v14;
	_ =	sdelay $0x1  }
0x37e: {  	v19 =	vsub.f32 v19, v37  }
0x37f: {  	v24 =	vld [tilespmem:s23+$0xFFFFFF70]  }
0x380: {  	v3 =	vsub.f32 v3, v10;
	v19 =	vmul.f32 v50, v19;
	[tilespmem:$0x1FF30] =	vst v0;
	v0 =	vld [tilespmem:$0x1FD80]  }
0x381: {  	v6 =	vadd.f32 v12, v31  }
0x382: {  	v3 =	vmul.f32 v19, v3  }
0x383: {  	v49, _, _ =	vpop (xrf2);
	v21 =	vadd.f32 $-1.000000000e+00, v6  }
0x384: {  	v51, _, _ =	vpop (xrf2);
	(xrf2) =	vadd.scan.msk.f32 $0xffff, v24;
	v3 =	vadd.f32 v3, v10  }
0x385: {  	v28 =	vld.idx.msk [tilespmem:v28+s10+$0x0], $0xffff;
	v4 =	vtrunc.f32 v21;
	v46, _, _ =	vpop (xrf2);
	(xrf2) =	vadd.scan.msk.f32 $0xffff, v0;
	v0 =	vadd.f32 v34, v1  }
0x386: {  	v43 =	vcvt.f32.s32 v4;
	v4 =	vadd.f32 v58, v18;
	v18 =	vld.idx.msk [tilespmem:v36+s10+$0x0], $0xffff;
	[tilespmem:s24+$0x50] =	vst v3  }
0x387: {  	(xrf2) =	vadd.scan.msk.f32 $0xffff, v0;
	v0 =	vld [tilespmem:s23+$0x50];
	_ =	sdelay $0x4  }
0x388: {  	[tilespmem:$0x1FD60] =	vst v0;
	v0 =	vld [tilespmem:s23+$0x60]  }
0x389: {  	v31 =	vld [tilespmem:s23+$0xFFFFFF80]  }
0x38a: {  	v60 =	vld [tilespmem:$0x1FF80]  }
0x38b: {  	v30 =	vld [tilespmem:s23+$0xFFFFFF90]  }
0x38c: {  	v21 =	vld [tilespmem:s23+$0xFFFFFFA0];
	v19 =	vadd.s32 s20, v43  }
0x38d: {  	[tilespmem:$0x1FD70] =	vst v0;
	v0 =	vld [tilespmem:s23+$0x70]  }
0x38e: {  	v32 =	vld [tilespmem:s23+$0xFFFFFFB0];
	v24 =	vadd.f32 v31, v24  }
0x38f: {  	v45 =	vld.idx.msk [tilespmem:v45+s5+$0x0], $0xffff;
	v6 =	vmin.f32 v6, $6.200000000e+01;
	v22 =	vadd.f32 v22, v51;
	v10 =	vmul.f32 v60, v26  }
0x390: {  	v44 =	vmovc v53;
	v53 =	vld [tilespmem:s23+$0xFFFFFFC0];
	v6 =	vtrunc.f32 v6;
	v38 =	vadd.f32 $-1.000000000e+00, v4;
	v33 =	vadd.f32 v30, v24  }
0x391: {  	v58 =	vmin.f32 v4, $6.200000000e+01;
	v4 =	vadd.f32 $-1.000000000e+00, v22;
	v3 =	vsub.f32 v10, v39;
	v39 =	vld.idx.msk [tilespmem:v19+s5+$0x0], $0xffff  }
0x392: {  	v6 =	vcvt.f32.s32 v6;
	v36 =	vadd.f32 v21, v33;
	v19 =	vpop (erf);
	[tilespmem:$0x1FD80] =	vst v0;
	v0 =	vld [tilespmem:$0x1FE00]  }
0x393: {  	v11 =	vld [tilespmem:s23+$0xFFFFFFD0];
	v4 =	vtrunc.f32 v4;
	v3 =	vmul.f32 v19, v3;
	v19 =	vsub.f32 v18, v28  }
0x394: {  	v52 =	vadd.s32 s20, v6;
	v50 =	vcvt.f32.s32 v4;
	v4 =	vadd.f32 v32, v36  }
0x395: {  	v19 =	vmul.f32 v3, v19  }
0x396: {  	v3 =	vadd.f32 v53, v4  }
0x397: {  	v19 =	vadd.f32 v19, v28;
	v28 =	vsub.f32 v0, v45;
	v0 =	vmov v17  }
0x398: {  	[tilespmem:$0x1FE00] =	vst v0;
	v0 =	vadd.f32 v11, v3  }
0x399: {  	v10 =	vmin.f32 v22, $6.200000000e+01;
	v34 =	vld.idx.msk [tilespmem:v52+s5+$0x0], $0xffff;
	v1 =	vpop (erf)  }
0x39a: {  	v23 =	vsub.f32 v23, v2;
	v10 =	vtrunc.f32 v10;
	v40 =	vmul.f32 v1, v40;
	[tilespmem:$0x1FF10] =	vst v0;
	v0 =	vld [tilespmem:$0x1FB90]  }
0x39b: {  	v9 =	vmul.f32 v60, v29;
	v37 =	vcvt.f32.s32 v10  }
0x39c: {  	v10 =	vtrunc.f32 v38;
	v60, _, _ =	vpop (xrf2);
	v23 =	vmul.f32 v40, v23  }
0x39d: {  	[tilespmem:$0x1FE80] =	vst v53;
	v53 =	vcvt.f32.s32 v10;
	v10 =	vadd.f32 $0.0e+00, v60  }
0x39e: {  	v22 =	vld [tilespmem:s23+$0x20];
	v2 =	vadd.f32 v23, v2  }
0x39f: {  	v18 =	vld [tilespmem:s23+$0x30];
	(xrf2) =	vadd.scan.msk.f32 $0xffff, v31;
	v31 =	vsub.f32 v34, v39;
	v34 =	vadd.f32 $-1.000000000e+00, v10  }
0x3a0: {  	s24 =	sadd.s32 $0x100, s24;
	v38 =	vld.idx.msk [tilespmem:v48+s5+$0x0], $0xffff;
	[tilespmem:s17+$0xFFFFFFD0] =	vst v2  }
0x3a1: {  	v1 =	vld [tilespmem:s23+$0x40];
	vm2 =	vlt.f32 v31, v25;
	[tilespmem:s24+$0x0] =	vst v19;
	v19 =	vtrunc.f32 v34  }
0x3a2: {  	v23 =	vsel vm2, v14, v31;
	v31 =	vcvt.f32.s32 v19;
	v19 =	vld.idx.msk [tilespmem:v0+s10+$0x0], $0xffff  }
0x3a3: {  	v0 =	vld [tilespmem:$0x1FBA0];
	_ =	sdelay $0x1  }
0x3a4: {  	v47 =	vmov v57;
	v57 =	vadd.s32 s29, v50;
	_ =	sdelay $0x2  }
0x3a5: {  	v41 =	vtrunc.f32 v58;
	v58 =	vadd.s32 s29, v37;
	_ =	sdelay $0x1  }
0x3a6: {  	v35 =	vbroadcast v49, $0xF;
	v49 =	vld.idx.msk [tilespmem:v57+s5+$0x0], $0xffff  }
0x3a7: {  	[tilespmem:$0x1FF00] =	vst v11;
	v11 =	vld.idx.msk [tilespmem:v0+s10+$0x0], $0xffff  }
0x3a8: {  	v0 =	vld [tilespmem:$0x1FEE0]  }
0x3a9: {  	v17 =	vadd.f32 v27, v13;
	v13 =	vld.idx.msk [tilespmem:v58+s5+$0x0], $0xffff;
	_ =	sdelay $0x2  }
0x3aa: {  	v10 =	vmin.f32 v10, $6.200000000e+01  }
0x3ab: {  	v8 =	vadd.f32 v8, v20;
	v10 =	vtrunc.f32 v10  }
0x3ac: {  	(xrf2) =	vadd.scan.msk.f32 $0xffff, v22;
	v13 =	vsub.f32 v13, v49  }
0x3ad: {  	v57 =	vadd.s32 s18, v53;
	v27, _, _ =	vpop (xrf2);
	(xrf2) =	vadd.scan.msk.f32 $0xffff, v17;
	[tilespmem:s15+$0xFFFFFFF0] =	vst v8  }
0x3ae: {  	v2 =	vcvt.f32.s32 v10;
	v10, _, _ =	vpop (xrf2);
	(xrf2) =	vadd.scan.msk.f32 $0xffff, v24;
	vm2 =	vlt.f32 v13, v63;
	v24 =	vld.idx.msk [tilespmem:v0+s5+$0x0], $0xffff;
	v0 =	vmov v57  }
0x3af: {  	(erf) = vrcp.f32 v23;
	[tilespmem:$0x1FEE0] =	vst v0;
	v0 =	vsel vm2, v26, v13  }
0x3b0: {  	(erf) = vrcp.f32 v0;
	v0 =	vld [tilespmem:$0x1FF20];
	_ =	sdelay $0x7  }
0x3b1: {  	v12 =	vadd.f32 v35, v46;
	v35 =	vld.idx.msk [tilespmem:v0+s5+$0x0], $0xffff  }
0x3b2: {  	v0 =	vld [tilespmem:$0x1FBB0]  }
0x3b3: {  	v52 =	vbroadcast v60, $0xF  }
0x3b4: {  	v34 =	vbroadcast v10, $0xF;
	v10 =	vadd.f32 $-1.000000000e+00, v12;
	v12 =	vmin.f32 v12, $6.200000000e+01  }
0x3b5: {  	v51, _, _ =	vpop (xrf2);
	v8 =	vtrunc.f32 v12  }
0x3b6: {  	v12 =	vadd.f32 v34, v27;
	v27 =	vadd.f32 v52, v51;
	v52 =	vmul.f32 v59, v14  }
0x3b7: {  	v41 =	vcvt.f32.s32 v41  }
0x3b8: {  	v60 =	vadd.s32 s19, v2;
	v57 =	vsub.f32 v52, v39;
	v39 =	vld.idx.msk [tilespmem:v2+s10+$0x0], $0xffff;
	v2 =	vadd.f32 $-1.000000000e+00, v27  }
0x3b9: {  	v23 =	vadd.s32 s18, v41  }
0x3ba: {  	v48 =	vtrunc.f32 v2;
	v2 =	vld.idx.msk [tilespmem:v0+s10+$0x0], $0xffff;
	v0 =	vmov v23  }
0x3bb: {  	[tilespmem:$0x1FF20] =	vst v0;
	v0 =	vld [tilespmem:$0x1FBC0];
	_ =	sdelay $0x6  }
0x3bc: {  	v58 =	vadd.s32 s19, v31;
	v27 =	vmin.f32 v27, $6.200000000e+01  }
0x3bd: {  	v23 =	vtrunc.f32 v27;
	v27 =	vld.idx.msk [tilespmem:v0+s10+$0x0], $0xffff  }
0x3be: {  	v0 =	vld [tilespmem:$0x1FDA0];
	_ =	sdelay $0x1  }
0x3bf: {  	v42 =	vld.idx.msk [tilespmem:v43+s10+$0x0], $0xffff  }
0x3c0: {  	v43 =	vld.idx.msk [tilespmem:v58+s5+$0x0], $0xffff;
	_ =	sdelay $0x2  }
0x3c1: {  	v6 =	vld.idx.msk [tilespmem:v6+s10+$0x0], $0xffff  }
0x3c2: {  	(xrf2) =	vadd.scan.msk.f32 $0xffff, v30  }
0x3c3: {  	v46, _, _ =	vpop (xrf2);
	(xrf2) =	vadd.scan.msk.f32 $0xffff, v33;
	v33 =	vsub.f32 v9, v43;
	v9 =	vld.idx.msk [tilespmem:v0+s5+$0x0], $0xffff  }
0x3c4: {  	v30 =	vadd.f32 $-1.000000000e+00, v12;
	v12 =	vmin.f32 v12, $6.200000000e+01;
	v0 =	vld [tilespmem:$0x1FE30]  }
0x3c5: {  	v58 =	vtrunc.f32 v12;
	v13 =	vpop (erf)  }
0x3c6: {  	v12 =	vtrunc.f32 v30;
	v30 =	vsub.f32 v6, v42;
	v13 =	vmul.f32 v13, v57;
	_ =	sdelay $0x1  }
0x3c7: {  	v59, _, _ =	vpop (xrf2);
	v30 =	vmul.f32 v13, v30  }
0x3c8: {  	v40 =	vld.idx.msk [tilespmem:v60+s5+$0x0], $0xffff;
	v60 =	vbroadcast v59, $0xF  }
0x3c9: {  	v50 =	vld.idx.msk [tilespmem:v50+s10+$0x0], $0xffff;
	v30 =	vadd.f32 v30, v42  }
0x3ca: {  	v37 =	vld.idx.msk [tilespmem:v37+s10+$0x0], $0xffff;
	s15 =	smov.u32 s16;
	s16 =	smov.u32 s17;
	s17 =	smov.u32 s21;
	v46 =	vadd.f32 v60, v46  }
0x3cb: {  	[tilespmem:s17+$0x60] =	vst v30;
	v30 =	vld.idx.msk [tilespmem:v0+s5+$0x0], $0xffff;
	v0 =	vmov v16  }
0x3cc: {  	(xrf2) =	vadd.scan.msk.f32 $0xffff, v21;
	[tilespmem:$0x1FE30] =	vst v0;
	v0 =	vmin.f32 v46, $6.200000000e+01  }
0x3cd: {  	v13 =	vcvt.f32.s32 v48;
	v48, _, _ =	vpop (xrf2);
	(xrf2) =	vadd.scan.msk.f32 $0xffff, v36;
	v36 =	vtrunc.f32 v0;
	v0 =	vld [tilespmem:$0x1FBE0]  }
0x3ce: {  	v56 =	vld [tilespmem:$0x1FFA0]  }
0x3cf: {  	v20 =	vmov v14;
	v14 =	vld [tilespmem:$0x1FBD0];
	_ =	sdelay $0x3  }
0x3d0: {  	v60 =	vmul.f32 v56, v26  }
0x3d1: {  	v14 =	vmov v14  }
0x3d2: {  	v12 =	vcvt.f32.s32 v12;
	[tilespmem:$0x1FDA0] =	vst v14;
	v14 =	vsub.f32 v60, v49;
	v60 =	vld.idx.msk [tilespmem:v0+s10+$0x0], $0xffff  }
0x3d3: {  	v6 =	vcvt.f32.s32 v58;
	v0 =	vld [tilespmem:$0x1FBF0]  }
0x3d4: {  	v51 =	vadd.s32 s20, v12  }
0x3d5: {  	v31 =	vld.idx.msk [tilespmem:v31+s10+$0x0], $0xffff;
	v57 =	vadd.s32 s20, v6;
	_ =	sdelay $0x1  }
0x3d6: {  	[tilespmem:$0x1FDD0] =	vst v5;
	v5 =	vmul.f32 $9.999999740e-06, v29;
	v58 =	vsub.f32 v40, v43  }
0x3d7: {  	v7 =	vmul.f32 v56, v29;
	v21 =	vcvt.f32.s32 v23;
	v23 =	vadd.f32 $-1.000000000e+00, v46  }
0x3d8: {  	v34 =	vmov v5;
	vm2 =	vlt.f32 v58, v5;
	v5 =	vsub.f32 v37, v50;
	v43 =	vpop (erf);
	v16 =	vld.idx.msk [tilespmem:v51+s5+$0x0], $0xffff  }
0x3d9: {  	v40 =	vsub.f32 v39, v31;
	v23 =	vtrunc.f32 v23;
	v39 =	vmul.f32 v43, v14;
	v51 =	vld.idx.msk [tilespmem:v57+s5+$0x0], $0xffff  }
0x3da: {  	s26 =	sadd.s32 $0x2, s26;
	v45 =	vsub.f32 v38, v45;
	v59 =	vmovc v53;
	v53 =	vmov v56;
	v37 =	vcvt.f32.s32 v23;
	v14 =	vld.idx.msk [tilespmem:v0+s10+$0x0], $0xffff  }
0x3db: {  	p0 =	slt.u32 s26, $0x7E;
	s20 =	smov.u32 s29;
	v38 =	vadd.s32 s19, v13;
	v48 =	vbroadcast v48, $0xF;
	v49, _, _ =	vpop (xrf2);
	v39 =	vmul.f32 v39, v5;
	v0 =	vld [tilespmem:$0x1FC00]  }
.Ltmp0:
0x3dc: {  	v23 =	vadd.s32 s20, v37;
	v43 =	vadd.s32 s19, v21;
	v57 =	vmov v15;
	v15, _, _ =	vpop (xrf2);
	(pc) =	sbr.rel @p0 .LBB2_3-.Ltmp0, $4  }
0x3dd: {  	v56 =	vmovc v41;
	v41 =	vadd.f32 v39, v50;
	(xrf2) =	vadd.scan.msk.f32 $0xffff, v32;
	v32 =	vadd.f32 v48, v49;
	v5 =	vbroadcast v15, $0xF  }
0x3de: {  	v46 =	vsel vm2, v29, v58;
	vm2 =	vlt.f32 v45, v62;
	v15, _, _ =	vpop (xrf2);
	v36 =	vcvt.f32.s32 v36  }
0x3df: {  	v58 =	vmovc v62;
	(erf) = vrcp.f32 v46;
	v50 =	vsel vm2, v55, v45;
	v15 =	vadd.f32 v5, v15  }
0x3e0: {  	s28 =	sadd.s32 $0x100, s28;
	s21 =	smov.u32 s24;
	v62 =	vmovc v55;
	v55 =	vld [tilespmem:$0x1FC10];
	(erf) = vrcp.f32 v50;
	v46 =	vadd.s32 s20, v36;
	v45 =	vsub.f32 v51, v16;
	v52 =	vmovc v0  }
0x3e1: {  	_ =	sdelay $0x2  }
0x3e2: {  	[tilespmem:s24+$0x10] =	vst v41  }
0x3e3: {  	v5 =	vld.idx.msk [tilespmem:v23+s5+$0x0], $0xffff  }
0x3e4: {  	v42 =	vld.idx.msk [tilespmem:v46+s5+$0x0], $0xffff  }
0x3e5: {  	v23 =	vadd.f32 v22, v17  }
0x3e6: {  	(xrf2) =	vadd.scan.msk.f32 $0xffff, v18  }
0x3e7: {  	(xrf2) =	vadd.scan.msk.f32 $0xffff, v23;
	_ =	sdelay $0x1  }
0x3e8: {  	v17 =	vsub.f32 v42, v5;
	_ =	sdelay $0x1  }
0x3e9: {  	vm9 =	vlt.f32 v17, v63  }
0x3ea: {  	vm0 =	vlt.f32 v45, v25;
	v17 =	vsel vm9, v26, v17  }
0x3eb: {  	v46 =	vsel vm0, v20, v45  }
0x3ec: {  	v22, _, _ =	vpop (xrf2);
	(erf) = vrcp.f32 v46  }
0x3ed: {  	(erf) = vrcp.f32 v17;
	v17, _, _ =	vpop (xrf2)  }
0x3ee: {  	v41 =	vld [tilespmem:$0x1FF90];
	v48, _, _ =	vpop (xrf2)  }
0x3ef: {  	v39, _, _ =	vpop (xrf2)  }
0x3f0: {  	v39 =	vbroadcast v39, $0xF  }
0x3f1: {  	v37 =	vld.idx.msk [tilespmem:v37+s10+$0x0], $0xffff  }
0x3f2: {  	v36 =	vld.idx.msk [tilespmem:v36+s10+$0x0], $0xffff;
	v49 =	vpop (erf);
	v25 =	vadd.f32 v39, v48  }
0x3f3: {  	v41 =	vmul.f32 v41, v26;
	v33 =	vmul.f32 v49, v33  }
0x3f4: {  	v39 =	vpop (erf);
	v50 =	vadd.f32 $-1.000000000e+00, v25  }
0x3f5: {  	v41 =	vsub.f32 v41, v5;
	v33 =	vmul.f32 v33, v40;
	v25 =	vmin.f32 v25, $6.200000000e+01;
	v5 =	vpop (erf)  }
0x3f6: {  	v25 =	vtrunc.f32 v25;
	v51 =	vpop (erf);
	v61 =	vtrunc.f32 v50  }
0x3f7: {  	v36 =	vsub.f32 v36, v37;
	v40 =	vmul.f32 v51, v41;
	v41 =	vcvt.f32.s32 v61  }
0x3f8: {  	v31 =	vadd.f32 v33, v31;
	v25 =	vcvt.f32.s32 v25  }
0x3f9: {  	v0 =	vmul.f32 v40, v36;
	v40 =	vadd.s32 s20, v41  }
0x3fa: {  	[tilespmem:s24+$0xFFFFFF80] =	vst v31;
	v42 =	vadd.s32 s20, v25  }
0x3fb: {  	v43 =	vld.idx.msk [tilespmem:v43+s5+$0x0], $0xffff;
	v33 =	vadd.f32 v0, v37  }
0x3fc: {  	v37 =	vld.idx.msk [tilespmem:v38+s5+$0x0], $0xffff  }
0x3fd: {  	[tilespmem:s24+$0x20] =	vst v33  }
0x3fe: {  	v33 =	vld.idx.msk [tilespmem:v40+s5+$0x0], $0xffff  }
0x3ff: {  	v45 =	vld.idx.msk [tilespmem:v42+s5+$0x0], $0xffff  }
0x400: {  	v48 =	vld [tilespmem:$0x1FCB0]  }
0x401: {  	v23 =	vadd.f32 v18, v23;
	v50 =	vld [tilespmem:$0x1FCC0];
	v46 =	vsub.f32 v43, v37  }
0x402: {  	v35 =	vsub.f32 v35, v24;
	(xrf2) =	vadd.scan.msk.f32 $0xffff, v1  }
0x403: {  	v30 =	vsub.f32 v30, v9;
	(xrf2) =	vadd.scan.msk.f32 $0xffff, v23;
	vm10 =	vlt.f32 v46, v34  }
0x404: {  	vm11 =	vlt.f32 v35, v47;
	v31 =	vsel vm10, v29, v46;
	v18 =	vsub.f32 v45, v33  }
0x405: {  	v49 =	vsel vm11, v44, v35;
	vm1 =	vlt.f32 v30, v48;
	(erf) = vrcp.f32 v31  }
0x406: {  	v30 =	vsel vm1, v50, v30;
	(erf) = vrcp.f32 v49;
	vm12 =	vlt.f32 v18, v63  }
0x407: {  	(erf) = vrcp.f32 v30;
	v18 =	vsel vm12, v26, v18  }
0x408: {  	(erf) = vrcp.f32 v18  }
0x409: {  	v45 =	vld [tilespmem:$0x1FFB0];
	_ =	sdelay $0x2  }
0x40a: {  	v51, _, _ =	vpop (xrf2);
	v0 =	vld.idx.msk [tilespmem:v41+s10+$0x0], $0xffff  }
0x40b: {  	v61, _, _ =	vpop (xrf2);
	v25 =	vld.idx.msk [tilespmem:v25+s10+$0x0], $0xffff  }
0x40c: {  	v41 =	vmul.f32 v45, v26;
	v35 =	vpop (erf)  }
0x40d: {  	v28 =	vmul.f32 v39, v28;
	v42 =	vsub.f32 v11, v19;
	v18 =	vpop (erf)  }
0x40e: {  	v33 =	vsub.f32 v41, v33;
	v11 =	vpop (erf)  }
0x40f: {  	v28 =	vmul.f32 v28, v42;
	v46 =	vpop (erf)  }
0x410: {  	v25 =	vsub.f32 v25, v0;
	v30 =	vbroadcast v61, $0xF;
	v33 =	vmul.f32 v46, v33  }
0x411: {  	v40 =	vmov v47;
	v47 =	vadd.f32 v28, v19  }
0x412: {  	v30 =	vadd.f32 v30, v51;
	v25 =	vmul.f32 v33, v25  }
0x413: {  	[tilespmem:s17+$0xFFFFFFB0] =	vst v47  }
0x414: {  	v43 =	vadd.f32 $-1.000000000e+00, v30;
	v50 =	vadd.f32 v25, v0;
	v0 =	vld [tilespmem:$0x1FDE0];
	_ =	sdelay $0x1  }
0x415: {  	v36 =	vtrunc.f32 v43;
	[tilespmem:s24+$0x30] =	vst v50  }
0x416: {  	v30 =	vmin.f32 v30, $6.200000000e+01;
	v36 =	vcvt.f32.s32 v36;
	v51 =	vld [tilespmem:$0x1FDC0]  }
0x417: {  	v30 =	vtrunc.f32 v30  }
0x418: {  	v30 =	vcvt.f32.s32 v30;
	v48 =	vadd.s32 s20, v36;
	_ =	sdelay $0x1  }
0x419: {  	v49 =	vadd.s32 s20, v30  }
0x41a: {  	v25 =	vld.idx.msk [tilespmem:v0+s5+$0x0], $0xffff  }
0x41b: {  	v0 =	vld [tilespmem:$0x1FD60]  }
0x41c: {  	v28 =	vld.idx.msk [tilespmem:v48+s5+$0x0], $0xffff  }
0x41d: {  	v61 =	vld.idx.msk [tilespmem:v51+s5+$0x0], $0xffff  }
0x41e: {  	v33 =	vld.idx.msk [tilespmem:v49+s5+$0x0], $0xffff  }
0x41f: {  	v1 =	vadd.f32 v1, v23  }
0x420: {  	(xrf2) =	vadd.scan.msk.f32 $0xffff, v0  }
0x421: {  	(xrf2) =	vadd.scan.msk.f32 $0xffff, v1  }
0x422: {  	v19 =	vsub.f32 v61, v25  }
0x423: {  	v38 =	vsub.f32 v33, v28  }
0x424: {  	vm13 =	vlt.f32 v19, v58  }
0x425: {  	vm14 =	vlt.f32 v38, v63;
	v19 =	vsel vm13, v62, v19  }
0x426: {  	v39 =	vsel vm14, v26, v38;
	(erf) = vrcp.f32 v19  }
0x427: {  	(erf) = vrcp.f32 v39  }
0x428: {  	v46 =	vld [tilespmem:$0x1FFC0]  }
0x429: {  	v13 =	vld.idx.msk [tilespmem:v13+s10+$0x0], $0xffff  }
0x42a: {  	v41 =	vld.idx.msk [tilespmem:v21+s10+$0x0], $0xffff;
	v42, _, _ =	vpop (xrf2)  }
0x42b: {  	v31 =	vld.idx.msk [tilespmem:v36+s10+$0x0], $0xffff;
	v43, _, _ =	vpop (xrf2)  }
0x42c: {  	v50 =	vadd.f32 $-1.000000000e+00, v32;
	v49 =	vld.idx.msk [tilespmem:v30+s10+$0x0], $0xffff;
	v23 =	vbroadcast v43, $0xF  }
0x42d: {  	v7 =	vsub.f32 v7, v37;
	v48 =	vmul.f32 v46, v26  }
0x42e: {  	v30 =	vtrunc.f32 v50;
	v21 =	vadd.f32 v23, v42  }
0x42f: {  	v7 =	vmul.f32 v35, v7;
	v30 =	vcvt.f32.s32 v30;
	v28 =	vsub.f32 v48, v28;
	v33 =	vpop (erf)  }
0x430: {  	v19 =	vsub.f32 v41, v13;
	v41 =	vadd.f32 $-1.000000000e+00, v21;
	v21 =	vmin.f32 v21, $6.200000000e+01;
	v51 =	vpop (erf)  }
0x431: {  	v23 =	vsub.f32 v49, v31;
	v21 =	vtrunc.f32 v21;
	v61 =	vmul.f32 v51, v28  }
0x432: {  	v7 =	vmul.f32 v7, v19;
	v42 =	vadd.s32 s19, v30;
	v21 =	vcvt.f32.s32 v21  }
0x433: {  	v39 =	vmin.f32 v32, $6.200000000e+01;
	v47 =	vmul.f32 v61, v23  }
0x434: {  	v7 =	vadd.f32 v7, v13;
	v28 =	vtrunc.f32 v39;
	v49 =	vadd.s32 s20, v21  }
0x435: {  	v28 =	vcvt.f32.s32 v28;
	v50 =	vadd.f32 v47, v31  }
0x436: {  	[tilespmem:s24+$0xFFFFFF90] =	vst v7;
	v32 =	vtrunc.f32 v41  }
0x437: {  	v32 =	vcvt.f32.s32 v32;
	v13 =	vld.idx.msk [tilespmem:v42+s5+$0x0], $0xffff;
	v43 =	vadd.s32 s19, v28;
	[tilespmem:s24+$0x40] =	vst v50  }
0x438: {  	v7 =	vld [tilespmem:$0x1FE80]  }
0x439: {  	v48 =	vadd.s32 s20, v32;
	v35 =	vld.idx.msk [tilespmem:v49+s5+$0x0], $0xffff  }
0x43a: {  	v39 =	vld [tilespmem:$0x1FDD0]  }
0x43b: {  	v41 =	vld [tilespmem:$0x1FDB0]  }
0x43c: {  	v51 =	vld.idx.msk [tilespmem:v43+s5+$0x0], $0xffff  }
0x43d: {  	v37 =	vld [tilespmem:$0x1FD70]  }
0x43e: {  	v61 =	vld.idx.msk [tilespmem:v48+s5+$0x0], $0xffff  }
0x43f: {  	(xrf2) =	vadd.scan.msk.f32 $0xffff, v4  }
0x440: {  	(xrf2) =	vadd.scan.msk.f32 $0xffff, v7  }
0x441: {  	v19 =	vadd.f32 v0, v1;
	v47 =	vld [tilespmem:$0x1FCD0];
	(xrf2) =	vadd.scan.msk.f32 $0xffff, v3;
	v38 =	vsub.f32 v51, v13  }
0x442: {  	(xrf2) =	vadd.scan.msk.f32 $0xffff, v37;
	v4 =	vld.idx.msk [tilespmem:v39+s10+$0x0], $0xffff  }
0x443: {  	v0 =	vsub.f32 v35, v61;
	(xrf2) =	vadd.scan.msk.f32 $0xffff, v19;
	vm15 =	vlt.f32 v38, v34;
	v23 =	vld.idx.msk [tilespmem:v41+s10+$0x0], $0xffff  }
0x444: {  	v1 =	vsel vm15, v29, v38  }
0x445: {  	vm4 =	vlt.f32 v0, v63;
	(erf) = vrcp.f32 v1  }
0x446: {  	v25 =	vsub.f32 v47, v25;
	v0 =	vsel vm4, v26, v0  }
0x447: {  	v50 =	vld [tilespmem:$0x1FFE0];
	(erf) = vrcp.f32 v0  }
0x448: {  	v25 =	vmul.f32 v33, v25;
	v39 =	vld [tilespmem:$0x1FDF0];
	v23 =	vsub.f32 v23, v4  }
0x449: {  	v1, _, _ =	vpop (xrf2)  }
0x44a: {  	v3, _, _ =	vpop (xrf2);
	v23 =	vmul.f32 v25, v23  }
0x44b: {  	v32 =	vld.idx.msk [tilespmem:v32+s10+$0x0], $0xffff;
	v0, _, _ =	vpop (xrf2)  }
0x44c: {  	v21 =	vld.idx.msk [tilespmem:v21+s10+$0x0], $0xffff;
	v42, _, _ =	vpop (xrf2);
	v4 =	vadd.f32 v23, v4  }
0x44d: {  	v28 =	vld.idx.msk [tilespmem:v28+s10+$0x0], $0xffff;
	v48 =	vmul.f32 v50, v26;
	v13 =	vsub.f32 v39, v13;
	v43, _, _ =	vpop (xrf2)  }
0x44e: {  	v25 =	vld.idx.msk [tilespmem:v30+s10+$0x0], $0xffff;
	v35 =	vbroadcast v43, $0xF;
	v49 =	vpop (erf);
	[tilespmem:s17+$0xFFFFFFC0] =	vst v4  }
0x44f: {  	v7 =	vsub.f32 v48, v61;
	v43 =	vmul.f32 v49, v13;
	v49 =	vld [tilespmem:$0x1FEB0]  }
0x450: {  	v61 =	vpop (erf);
	v31 =	vadd.f32 v35, v42  }
0x451: {  	v21 =	vsub.f32 v21, v32;
	v41 =	vadd.f32 $-1.000000000e+00, v15;
	v7 =	vmul.f32 v61, v7  }
0x452: {  	v51 =	vadd.f32 $-1.000000000e+00, v31  }
0x453: {  	v36 =	vmin.f32 v31, $6.200000000e+01;
	v7 =	vmul.f32 v7, v21;
	v21 =	vtrunc.f32 v41  }
0x454: {  	v28 =	vsub.f32 v28, v25;
	v30 =	vtrunc.f32 v36;
	v21 =	vcvt.f32.s32 v21  }
0x455: {  	v38 =	vtrunc.f32 v51;
	v23 =	vcvt.f32.s32 v30;
	v7 =	vadd.f32 v7, v32;
	v51 =	vld [tilespmem:$0x1FED0]  }
0x456: {  	v48 =	vmin.f32 v15, $6.200000000e+01;
	v61 =	vld [tilespmem:$0x1FF00];
	v4 =	vmul.f32 v43, v28;
	v36 =	vadd.s32 s19, v21  }
0x457: {  	v15 =	vtrunc.f32 v48;
	v31 =	vcvt.f32.s32 v38;
	v47 =	vadd.s32 s20, v23;
	[tilespmem:s24+$0x50] =	vst v7;
	v32 =	vld.idx.msk [tilespmem:v49+s5+$0x0], $0xffff  }
0x458: {  	v4 =	vadd.f32 v4, v25;
	v7 =	vcvt.f32.s32 v15;
	v35 =	vld [tilespmem:$0x1FF10]  }
0x459: {  	v42 =	vadd.s32 s20, v31;
	v38 =	vld [tilespmem:$0x1FF30]  }
0x45a: {  	v41 =	vld [tilespmem:$0x1FD80];
	[tilespmem:s24+$0xFFFFFFA0] =	vst v4;
	v39 =	vadd.s32 s19, v7  }
0x45b: {  	v4 =	vld.idx.msk [tilespmem:v36+s5+$0x0], $0xffff  }
0x45c: {  	v13 =	vld.idx.msk [tilespmem:v47+s5+$0x0], $0xffff  }
0x45d: {  	(xrf2) =	vadd.scan.msk.f32 $0xffff, v61;
	v33 =	vld.idx.msk [tilespmem:v51+s5+$0x0], $0xffff  }
0x45e: {  	(xrf2) =	vadd.scan.msk.f32 $0xffff, v35;
	v28 =	vld.idx.msk [tilespmem:v42+s5+$0x0], $0xffff  }
0x45f: {  	v19 =	vadd.f32 v37, v19;
	(xrf2) =	vadd.scan.msk.f32 $0xffff, v38;
	v47 =	vld.idx.msk [tilespmem:v39+s5+$0x0], $0xffff  }
0x460: {  	v49 =	vld [tilespmem:$0x1FEA0];
	(xrf2) =	vadd.scan.msk.f32 $0xffff, v41  }
0x461: {  	(xrf2) =	vadd.scan.msk.f32 $0xffff, v19  }
0x462: {  	v51 =	vld [tilespmem:$0x1FEC0];
	v42 =	vsub.f32 v33, v32;
	_ =	sdelay $0x1  }
0x463: {  	v13 =	vsub.f32 v13, v28;
	v19 =	vsub.f32 v47, v4;
	v47 =	vld [tilespmem:$0x1FCE0];
	vm5 =	vlt.f32 v42, v58  }
0x464: {  	v43 =	vsel vm5, v62, v42  }
0x465: {  	vm6 =	vlt.f32 v13, v63;
	v42 =	vld [tilespmem:$0x1FC90];
	(erf) = vrcp.f32 v43  }
0x466: {  	v22 =	vbroadcast v22, $0xF;
	v23 =	vld.idx.msk [tilespmem:v23+s10+$0x0], $0xffff;
	v25, _, _ =	vpop (xrf2);
	v48 =	vsel vm6, v26, v13;
	vm7 =	vlt.f32 v19, v34  }
0x467: {  	v30 =	vld.idx.msk [tilespmem:v49+s10+$0x0], $0xffff;
	v19 =	vsel vm7, v29, v19;
	v13, _, _ =	vpop (xrf2);
	(erf) = vrcp.f32 v48  }
0x468: {  	v17 =	vadd.f32 v22, v17;
	v15, _, _ =	vpop (xrf2);
	v22 =	vsub.f32 v47, v32;
	(erf) = vrcp.f32 v19;
	v47 =	vld [tilespmem:$0x1FFD0]  }
0x469: {  	v33 =	vld.idx.msk [tilespmem:v51+s10+$0x0], $0xffff;
	v61, _, _ =	vpop (xrf2)  }
0x46a: {  	v41, _, _ =	vpop (xrf2);
	v43 =	vsub.f32 v42, v24;
	v24 =	vld.idx.msk [tilespmem:v31+s10+$0x0], $0xffff  }
0x46b: {  	v36 =	vbroadcast v41, $0xF;
	v41 =	vld [tilespmem:$0x1FE00]  }
0x46c: {  	v21 =	vld.idx.msk [tilespmem:v21+s10+$0x0], $0xffff  }
0x46d: {  	v37 =	vadd.f32 $-1.000000000e+00, v17;
	v42 =	vld.idx.msk [tilespmem:v7+s10+$0x0], $0xffff;
	v49 =	vadd.f32 v36, v61;
	v51 =	vmul.f32 v47, v26  }
0x46e: {  	v18 =	vmul.f32 v18, v43;
	v61 =	vsub.f32 v27, v2;
	v36 =	vsub.f32 v33, v30;
	v48 =	vpop (erf)  }
0x46f: {  	v28 =	vsub.f32 v51, v28;
	v38 =	vadd.f32 $-1.000000000e+00, v49;
	v19 =	vmul.f32 v48, v22  }
0x470: {  	v18 =	vmul.f32 v18, v61;
	v23 =	vsub.f32 v23, v24;
	v39 =	vpop (erf);
	v33 =	vsub.f32 v41, v4  }
0x471: {  	v48 =	vmin.f32 v49, $6.200000000e+01;
	v27 =	vmul.f32 v39, v28;
	v35 =	vpop (erf);
	v19 =	vmul.f32 v19, v36  }
0x472: {  	v22 =	vtrunc.f32 v38;
	v28 =	vsub.f32 v42, v21;
	v36 =	vmul.f32 v35, v33  }
0x473: {  	v31 =	vtrunc.f32 v48;
	v51 =	vmul.f32 v27, v23;
	v19 =	vadd.f32 v19, v30  }
0x474: {  	v49 =	vadd.f32 v18, v2;
	v4 =	vcvt.f32.s32 v22;
	v41 =	vmul.f32 v36, v28  }
0x475: {  	v43 =	vtrunc.f32 v37;
	v7 =	vcvt.f32.s32 v31;
	v18 =	vadd.f32 v51, v24;
	[tilespmem:s17+$0xFFFFFFD0] =	vst v19  }
0x476: {  	v22 =	vcvt.f32.s32 v43;
	v61 =	vadd.s32 s20, v4;
	v21 =	vadd.f32 v41, v21;
	v39 =	vld [tilespmem:$0x1FEE0];
	[tilespmem:s16+$0xFFFFFFE0] =	vst v49  }
0x477: {  	v37 =	vadd.s32 s20, v7;
	v2 =	vld [tilespmem:$0x1FF20];
	[tilespmem:s21+$0x60] =	vst v18  }
0x478: {  	v42 =	vadd.s32 s19, v22;
	v49 =	vld [tilespmem:$0x1FDA0];
	[tilespmem:s21+$0xFFFFFFB0] =	vst v21  }
0x479: {  	v17 =	vmin.f32 v17, $6.200000000e+01;
	v21 =	vld [tilespmem:$0x1FE30]  }
0x47a: {  	v17 =	vtrunc.f32 v17  }
0x47b: {  	v38 =	vcvt.f32.s32 v17;
	v17 =	vld.idx.msk [tilespmem:v61+s5+$0x0], $0xffff  }
0x47c: {  	v51 =	vld.idx.msk [tilespmem:v37+s5+$0x0], $0xffff  }
0x47d: {  	v48 =	vadd.s32 s19, v38;
	v19 =	vld.idx.msk [tilespmem:v42+s5+$0x0], $0xffff  }
0x47e: {  	v30 =	vld.idx.msk [tilespmem:v39+s5+$0x0], $0xffff  }
0x47f: {  	v43 =	vld.idx.msk [tilespmem:v2+s5+$0x0], $0xffff  }
0x480: {  	v2 =	vld.idx.msk [tilespmem:v49+s5+$0x0], $0xffff  }
0x481: {  	v21 =	vld.idx.msk [tilespmem:v21+s5+$0x0], $0xffff  }
0x482: {  	v18 =	vld.idx.msk [tilespmem:v48+s5+$0x0], $0xffff;
	_ =	sdelay $0x1  }
0x483: {  	v23 =	vsub.f32 v51, v17  }
0x484: {  	v61 =	vsub.f32 v43, v30  }
0x485: {  	vm8 =	vlt.f32 v23, v63;
	v21 =	vsub.f32 v21, v2  }
0x486: {  	v18 =	vsub.f32 v18, v19;
	v23 =	vsel vm8, v26, v23;
	vm9 =	vlt.f32 v61, v58  }
0x487: {  	(erf) = vrcp.f32 v23;
	v28 =	vsel vm9, v62, v61;
	vm10 =	vlt.f32 v21, v40  }
0x488: {  	vm11 =	vlt.f32 v18, v34;
	(erf) = vrcp.f32 v28;
	v21 =	vsel vm10, v44, v21  }
0x489: {  	v18 =	vsel vm11, v29, v18;
	(erf) = vrcp.f32 v21  }
0x48a: {  	(erf) = vrcp.f32 v18;
	_ =	sdelay $0x2  }
0x48b: {  	v1 =	vbroadcast v1, $0xF;
	v35 =	vld [tilespmem:$0x1FE40]  }
0x48c: {  	v31 =	vld.idx.msk [tilespmem:v22+s10+$0x0], $0xffff  }
0x48d: {  	v1 =	vadd.f32 v1, v3;
	v32 =	vld.idx.msk [tilespmem:v38+s10+$0x0], $0xffff  }
0x48e: {  	v21 =	vpop (erf)  }
0x48f: {  	v33 =	vadd.f32 $-1.000000000e+00, v1;
	v23 =	vpop (erf)  }
0x490: {  	v1 =	vmin.f32 v1, $6.200000000e+01;
	v19 =	vsub.f32 v35, v19;
	v24 =	vpop (erf)  }
0x491: {  	v1 =	vtrunc.f32 v1;
	v22 =	vtrunc.f32 v33;
	v36 =	vpop (erf)  }
0x492: {  	v22 =	vcvt.f32.s32 v22;
	v3 =	vsub.f32 v32, v31;
	v19 =	vmul.f32 v36, v19  }
0x493: {  	v1 =	vcvt.f32.s32 v1  }
0x494: {  	v37 =	vadd.s32 s19, v22;
	v3 =	vmul.f32 v19, v3  }
0x495: {  	v38 =	vadd.s32 s19, v1  }
0x496: {  	v3 =	vadd.f32 v3, v31;
	_ =	sdelay $0x1  }
0x497: {  	[tilespmem:s21+$0xFFFFFFC0] =	vst v3  }
0x498: {  	v3 =	vld.idx.msk [tilespmem:v37+s5+$0x0], $0xffff  }
0x499: {  	v39 =	vld.idx.msk [tilespmem:v38+s5+$0x0], $0xffff;
	_ =	sdelay $0x4  }
0x49a: {  	v18 =	vsub.f32 v39, v3;
	_ =	sdelay $0x1  }
0x49b: {  	vm12 =	vlt.f32 v18, v34  }
0x49c: {  	v18 =	vsel vm12, v29, v18  }
0x49d: {  	(erf) = vrcp.f32 v18;
	_ =	sdelay $0x2  }
0x49e: {  	v0 =	vbroadcast v0, $0xF;
	v42 =	vld [tilespmem:$0x1FE50]  }
0x49f: {  	v40 =	vld.idx.msk [tilespmem:v22+s10+$0x0], $0xffff  }
0x4a0: {  	v0 =	vadd.f32 v0, v25;
	v1 =	vld.idx.msk [tilespmem:v1+s10+$0x0], $0xffff;
	_ =	sdelay $0x1  }
0x4a1: {  	v41 =	vadd.f32 $-1.000000000e+00, v0  }
0x4a2: {  	v0 =	vmin.f32 v0, $6.200000000e+01;
	v3 =	vsub.f32 v42, v3  }
0x4a3: {  	v0 =	vtrunc.f32 v0;
	v19 =	vtrunc.f32 v41;
	v43 =	vpop (erf)  }
0x4a4: {  	v19 =	vcvt.f32.s32 v19;
	v1 =	vsub.f32 v1, v40;
	v3 =	vmul.f32 v43, v3  }
0x4a5: {  	v0 =	vcvt.f32.s32 v0  }
0x4a6: {  	v44 =	vadd.s32 s19, v19;
	v1 =	vmul.f32 v3, v1  }
0x4a7: {  	v48 =	vadd.s32 s19, v0  }
0x4a8: {  	v1 =	vadd.f32 v1, v40;
	_ =	sdelay $0x1  }
0x4a9: {  	[tilespmem:s21+$0xFFFFFFD0] =	vst v1  }
0x4aa: {  	v1 =	vld.idx.msk [tilespmem:v44+s5+$0x0], $0xffff  }
0x4ab: {  	v3 =	vld.idx.msk [tilespmem:v48+s5+$0x0], $0xffff;
	_ =	sdelay $0x4  }
0x4ac: {  	v3 =	vsub.f32 v3, v1;
	_ =	sdelay $0x1  }
0x4ad: {  	vm13 =	vlt.f32 v3, v34  }
0x4ae: {  	v3 =	vsel vm13, v29, v3  }
0x4af: {  	(erf) = vrcp.f32 v3  }
0x4b0: {  	v51 =	vld.idx.msk [tilespmem:v56+s10+$0x0], $0xffff  }
0x4b1: {  	v13 =	vbroadcast v13, $0xF;
	v49 =	vld.idx.msk [tilespmem:v59+s10+$0x0], $0xffff  }
0x4b2: {  	v61 =	vld [tilespmem:$0x1FE60]  }
0x4b3: {  	v13 =	vadd.f32 v13, v15;
	v19 =	vld.idx.msk [tilespmem:v19+s10+$0x0], $0xffff  }
0x4b4: {  	v55 =	vsub.f32 v55, v30;
	v0 =	vld.idx.msk [tilespmem:v0+s10+$0x0], $0xffff  }
0x4b5: {  	v10 =	vtrunc.f32 v10;
	v8 =	vcvt.f32.s32 v8;
	v59 =	vadd.f32 $-1.000000000e+00, v13  }
0x4b6: {  	v10 =	vcvt.f32.s32 v10;
	v13 =	vmin.f32 v13, $6.200000000e+01;
	v56 =	vmul.f32 v23, v55  }
0x4b7: {  	v22 =	vtrunc.f32 v59;
	v18 =	vsub.f32 v51, v49;
	v1 =	vsub.f32 v61, v1  }
0x4b8: {  	v63 =	vadd.s32 s18, v10;
	v13 =	vtrunc.f32 v13;
	v22 =	vcvt.f32.s32 v22;
	v25 =	vpop (erf)  }
0x4b9: {  	v15 =	vmul.f32 v56, v18;
	v0 =	vsub.f32 v0, v19;
	v1 =	vmul.f32 v25, v1  }
0x4ba: {  	v27 =	vadd.s32 s18, v8;
	v13 =	vcvt.f32.s32 v13  }
0x4bb: {  	v28 =	vadd.s32 s19, v22;
	v3 =	vadd.f32 v15, v49;
	v0 =	vmul.f32 v1, v0  }
0x4bc: {  	v30 =	vadd.s32 s19, v13  }
0x4bd: {  	v12 =	vld.idx.msk [tilespmem:v12+s10+$0x0], $0xffff;
	[tilespmem:s17+$0xFFFFFFE0] =	vst v3;
	v0 =	vadd.f32 v0, v19  }
0x4be: {  	v3 =	vld.idx.msk [tilespmem:v63+s5+$0x0], $0xffff  }
0x4bf: {  	v31 =	vld.idx.msk [tilespmem:v27+s5+$0x0], $0xffff;
	[tilespmem:s21+$0xFFFFFFE0] =	vst v0  }
0x4c0: {  	v15 =	vld.idx.msk [tilespmem:v28+s5+$0x0], $0xffff  }
0x4c1: {  	v1 =	vld.idx.msk [tilespmem:v30+s5+$0x0], $0xffff  }
0x4c2: {  	v6 =	vld.idx.msk [tilespmem:v6+s10+$0x0], $0xffff  }
0x4c3: {  	v36 =	vld.idx.msk [tilespmem:v52+s10+$0x0], $0xffff  }
0x4c4: {  	v39 =	vld.idx.msk [tilespmem:v4+s10+$0x0], $0xffff  }
0x4c5: {  	v0 =	vsub.f32 v31, v3;
	v32 =	vld [tilespmem:$0x1FFF0]  }
0x4c6: {  	v42 =	vld.idx.msk [tilespmem:v7+s10+$0x0], $0xffff;
	v1 =	vsub.f32 v1, v15  }
0x4c7: {  	v10 =	vld.idx.msk [tilespmem:v10+s10+$0x0], $0xffff;
	vm14 =	vlt.f32 v0, v58  }
0x4c8: {  	v37 =	vld [tilespmem:$0x1FC20];
	v0 =	vsel vm14, v62, v0;
	vm15 =	vlt.f32 v1, v34  }
0x4c9: {  	v8 =	vld.idx.msk [tilespmem:v8+s10+$0x0], $0xffff;
	(erf) = vrcp.f32 v0;
	v35 =	vsel vm15, v29, v1  }
0x4ca: {  	v52 =	vld [tilespmem:$0x1FCA0];
	v33 =	vmul.f32 v32, v20;
	(erf) = vrcp.f32 v35  }
0x4cb: {  	v55 =	vld [tilespmem:$0x1FD90]  }
0x4cc: {  	v34 =	vld.idx.msk [tilespmem:v57+s10+$0x0], $0xffff;
	v16 =	vsub.f32 v33, v16  }
0x4cd: {  	v41 =	vsub.f32 v6, v12;
	v56 =	vld [tilespmem:$0x1FE70];
	v38 =	vsub.f32 v37, v9;
	v48 =	vmul.f32 v32, v26  }
0x4ce: {  	v6 =	vsub.f32 v42, v39;
	v44 =	vsub.f32 v14, v60;
	v49 =	vld.idx.msk [tilespmem:v22+s10+$0x0], $0xffff;
	v40 =	vmul.f32 v5, v16  }
0x4cf: {  	v51 =	vld.idx.msk [tilespmem:v13+s10+$0x0], $0xffff;
	v58 =	vsub.f32 v8, v10;
	v43 =	vmul.f32 v11, v38;
	v5 =	vsub.f32 v48, v17  }
0x4d0: {  	v2 =	vsub.f32 v52, v2;
	v3 =	vsub.f32 v55, v3;
	v4 =	vmul.f32 v40, v41  }
0x4d1: {  	v7 =	vmul.f32 v43, v44;
	v5 =	vmul.f32 v21, v5;
	v1 =	vsub.f32 v36, v34  }
0x4d2: {  	v2 =	vmul.f32 v24, v2;
	v57 =	vpop (erf);
	v4 =	vadd.f32 v4, v12;
	v12 =	vsub.f32 v56, v15  }
0x4d3: {  	v7 =	vadd.f32 v7, v60;
	v5 =	vmul.f32 v5, v6;
	v3 =	vmul.f32 v57, v3;
	v59 =	vpop (erf)  }
0x4d4: {  	v61 =	vsub.f32 v51, v49;
	v1 =	vmul.f32 v2, v1;
	v60 =	vmul.f32 v59, v12  }
0x4d5: {  	[tilespmem:s15+$0xFFFFFFF0] =	vst v7;
	v0 =	vadd.f32 v5, v39;
	v3 =	vmul.f32 v3, v58  }
0x4d6: {  	[tilespmem:s17+$0x70] =	vst v4;
	v1 =	vadd.f32 v1, v34;
	v2 =	vmul.f32 v60, v61  }
0x4d7: {  	[tilespmem:s21+$0x70] =	vst v0;
	v62 =	vadd.f32 v3, v10  }
0x4d8: {  	s13 =	sadd.s32 $0x1, s13;
	[tilespmem:s16+$0xFFFFFFF0] =	vst v1;
	v63 =	vadd.f32 v2, v49  }
0x4d9: {  	p0 =	sne.s32 s13, $0x10;
	[tilespmem:s17+$0xFFFFFFF0] =	vst v62  }
.Ltmp1:
0x4da: {  	s0 =	sadd.s32 s2, s14;
	[tilespmem:s21+$0xFFFFFFF0] =	vst v63;
	(pc) =	sbr.rel @p0 .LBB2_2-.Ltmp1, $4  }
0x4db: {  	[hbm4b:s0+s1] =	stream.linear.scatter [tilespmem:s11], [sflag:$0x1], $0x4000, $0x38;
	[tilespmem:$0xE880] =	vst v63  }
0x4dc: {  	_ =	swait.ge [sflag:s9], $0x4000  }
0x4dd: {  	[sflag:s9] =	ssyncset.done $0x0  }
0x4de: {  	v62 =	vimm.f32 $0.0e+00;
	[sflag:s9] =	ssyncadd.s32 $0xFFFFC000  }
0x4df: {  	s12 =	sadd.s32 $0x1, s12  }
0x4e0: {  	p0 =	sne.s32 s12, s8  }
.Ltmp2:
0x4e1: {  	_ = 	snop;
	(pc) =	sbr.rel @p0 .LBB2_1-.Ltmp2, $1  }
0x4e2: {  	_ =	sdelay $0x3  }
0x4e3: {  	_ =	sfence.sel $0x180000  }
0x4e4: {  	[bflag:$0x0] =	sbarrier.arrive $0xFFFF  }
0x4e5: {  	_ =	strace $0x90000047  }
0x4e6: {  	[bflag:$0x2] =	sbarrier.arrive $0xFFFF  }
0x4e7: {  	p0 =	sne.s32 s6, $0x0;
	s0 =	rddreg [dreg:$0x1]  }
0x4e8: {  	s0 =	sadd.s32 @!p0 $0x100000, s0  }
0x4e9: {  	[sflag:s0] =	ssyncadd.tile.s32 @!p0 $0x1;
	_ =	shalt  }
.Lfunc_end2:
_tile_overlayer_lowered:
.L_overlay_start_2:
0x4ea: {  	(tag) =	ssettag $0x2  }
0x4eb: {  	s0 =	rddreg [dreg:$0x0];
	s2 =	stileid.u32  }
0x4ec: {  	s1 =	rddreg [dreg:$0x1];
	p0 =	sne.s32 s2, $0x0  }
0x4ed: {  	s3 =	rddreg [dreg:$0x2];
	[bflag:$0x3] =	sbarrier.arrive $0xFFFF;
	s2 =	simm.s32 @!p0 $0x1C01  }
0x4ee: {  	[timem:s3], [sflag:s2] =	dma.local @!p0 [hbm:s0], s1  }
0x4ef: {  	s0 =	simm.s32 @!p0 $0x1  }
0x4f0: {  	_ =	swait.ge @!p0 [sflag:s0], s1  }
0x4f1: {  	s1 =	ssub.s32 @!p0 $0x0, s1;
	[sflag:s0] =	ssyncset.done @!p0 $0x0  }
0x4f2: {  	[sflag:s0] =	ssyncadd.s32 @!p0 s1  }
0x4f3: {  	[bflag:$0x3] =	sbarrier.arrive $0xFFFF  }
0x4f4: {  	_ =	shalt  }

// kernel: sparse-core-data-format-call.cloned.1.call-start
scs
called_computation_lowered:
.L_overlay_start_0:
0x0: {  	s2 =	sld [smem:$0x3FD9]  }
0x1: {  	s3 =	sld [smem:$0x3FFE];
	_ =	sdelay $0x1  }
0x2: {  	s1 =	srdreg.scid  }
0x3: {  	s0 =	sand.u32 $0x1, s1  }
0x4: {  	s18 =	sshll.u32 s0, $0xA;
	s2 =	sadd.s32 s3, s2  }
0x5: {  	s2 =	sadd.s32 s2, s18  }
0x6: {  	[smem:$0x3FC5] =	sst s2  }
0x7: {  	_ = 	snop  }
0x8: {  	s2 =	sld [smem:$0x3FD0];
	(tm) =	ssettm $0x1  }
0x9: {  	s19 =	sld [smem:$0x3FFB];
	_ =	sdelay $0x3  }
0xa: {  	_ =	strace s19  }
0xb: {  	s3 =	sld [smem:$0x3FFC];
	_ =	sdelay $0x3  }
0xc: {  	_ =	strace s3  }
0xd: {  	s3 =	sld [smem:$0x3FFD];
	_ =	sdelay $0x3  }
0xe: {  	_ =	strace s3  }
0xf: {  	_ =	strace $0x8FFFFFFF  }
0x10: {  	s20 =	sld [smem:$0x3FDB];
	_ =	sdelay $0x1  }
0x11: {  	s4 =	simm.s32 $_scs_section_size  }
0x12: {  	s5 =	simm.s32 $_size__tile_overlayer_lowered;
	s6 =	simm.s32 $_tile_overlayer_lowered  }
0x13: {  	s23 =	simm.s32 $0x1BFF;
	s22 =	sshll.u32 s6, $0x1;
	s3 =	sadd.s32 s4, s20  }
0x14: {  	s7 =	simm.s32 $0x0;
	s21 =	sshll.u32 s5, $0x1;
	s5 =	sadd.s32 s22, s3  }
0x15: {  	[timem:s7], [sflag:s23] =	dma.local [hbm:s5], s21  }
0x16: {  	_ =	swait.ge [sflag:s23], s21  }
0x17: {  	s4 =	ssub.s32 $0x0, s21;
	[sflag:s23] =	ssyncset.done $0x0  }
0x18: {  	[sflag:s23] =	ssyncadd.s32 s4;
	_ =	sdelay $0x1  }
0x19: {  	s24 =	simm.s32 $0x1B8B  }
0x1a: {  	_ =	swait.ge [sflag:s24], $0x1  }
0x1b: {  	[sflag:s24] =	ssyncset.done $0x0  }
0x1c: {  	s26 =	simm.s32 $0x1B8E;
	s25 =	sld [smem:$0x3FFE];
	[sflag:s24] =	ssyncadd.s32 $0xFFFFFFFF  }
0x1d: {  	s27 =	simm.s32 $execute0_lowered;
	[smem:$0x3FD2] =	sst s26  }
0x1e: {  	s5 =	sshll.u32 s27, $0x1;
	_ =	strace $0x80000049;
	[dreg:$0x1] =	wrdreg $0xFFFFFFFF  }
0x1f: {  	s28 =	simm.s32 $_size_execute0_lowered;
	s3 =	sadd.s32 s3, s5;
	[dreg:$0x0] =	wrdreg $0x0  }
0x20: {  	s5 =	sshll.u32 s28, $0x1;
	[dreg:$0x2] =	wrdreg s3  }
0x21: {  	[dreg:$0x3] =	wrdreg s5  }
0x22: {  	[dreg:$0x4] =	wrdreg $0xC0  }
0x23: {  	_ =	task [dreg:s7], $0x5FFFF  }
0x24: {  	[dreg:$0x1] =	wrdreg $0xFFFFFFFF  }
0x25: {  	[dreg:$0x0] =	wrdreg $0x60  }
0x26: {  	[dreg:$0x2] =	wrdreg s25  }
0x27: {  	[dreg:$0x3] =	wrdreg s2  }
0x28: {  	[dreg:$0x4] =	wrdreg $0x9  }
0x29: {  	_ =	task.clear_ibuf [dreg:s7], $0x5FFFF;
	_ =	strace $0x90000049  }
0x2a: {  	s29 =	simm.s32 $0x9;
	_ =	strace $0x8000004B  }
0x2b: {  	_ =	swait.ge [sflag:s29], $0x1  }
0x2c: {  	[sflag:s29] =	ssyncadd.s32 $0xFFFFFFFF  }
0x2d: {  	_ =	strace $0x9000004B  }
0x2e: {  	_ =	sfence  }
0x2f: {  	s30 =	sld [smem:$0x0];
	_ =	sdelay $0x2  }
0x30: {  	s31 =	sshll.u32 s1, $0xD;
	s1 =	sshrl.u32 s1, $0x2  }
0x31: {  	s3 =	sand.u32 $0x4000, s31;
	s1 =	sadd.s32 s1, s30  }
0x32: {  	s0 =	sor.u32 s3, s0;
	s1 =	sshll.u32 s1, $0x11  }
0x33: {  	s0 =	sor.u32 s1, s0  }
0x34: {  	s0 =	sadd.s32 $0x8F2B, s0  }
0x35: {  	[sflag:s0] =	ssyncadd.remote.s32 $0x1  }
0x36: {  	_ =	sfence.sel $0xFFFF  }
0x37: {  	[dreg:$0x0] =	wrdreg $0xFFFFFFFF;
	(pc) =	sbr.abs _section_cstart, $3  }
0x38: {  	[dreg:$0x1] =	wrdreg $0xFFFFFFFF  }
0x39: {  	_ =	task.clear_ibuf [dreg:s7], $0x2FFFF;
	_ =	strace $0x9FFFFFFF  }
0x3a: {  	(tm) =	ssettm $0x7FFFFFFF  }
0x3b: {  	_ =	shalt  }
tec
execute0_lowered:
.L_overlay_start_1:
0x0: {  	(tag) =	ssettag $0x1  }
0x1: {  	s5 =	rddreg [dreg:$0x0]  }
0x2: {  	s0 =	srdreg.scid;
	s3 =	rddreg [dreg:$0x1];
	s7 =	simm.s32 $0x1  }
0x3: {  	s8 =	simm.s32 $0x2;
	s15 =	simm.s32 $0x0;
	s1 =	sshll.u32 s0, $0x4  }
0x4: {  	s14 =	simm.s32 $0x0;
	s0 =	stileid.u32;
	s1 =	sand.u32 $0x10, s1  }
0x5: {  	s9 =	simm.s32 $0x0;
	s10 =	simm.s32 $0x0;
	s1 =	sor.u32 s0, s1  }
0x6: {  	s11 =	simm.s32 $0x0;
	s13 =	simm.s32 $0x0;
	s2 =	sshll.u32 s1, $0x7  }
0x7: {  	s5 =	sadd.s32 $0x201800, s5;
	s1 =	rddreg [dreg:$0x2];
	s6 =	ssub.s32 $0x10000, s2  }
.Ltmp0:
0x8: {  	_ =	strace $0x8000004A;
	s4 =	sand.u32 $0xF80, s6;
	(pc) =	sbr.rel .LBB1_1-.Ltmp0, $4  }
0x9: {  	s12 =	smov.u32 s2;
	p0 =	sne.s32 s4, $0x0;
	s4 =	simm.s32 $0x1  }
0xa: {  	s6 =	sshrl.u32 s6, $0xC;
	s7 =	simm.s32 @!p0 $0x0;
	[sflag:s4] =	ssyncpa.u1 $0x0  }
0xb: {  	p0 =	por $0x0, $0x0;
	s7 =	sadd.s32 s7, s6;
	[sflag:s8] =	ssyncpa.u1 $0x0  }
0xc: {  	s8 =	simm.s32 $0x80000;
	s6 =	sshll.u32 s7, $0x1;
	s7 =	sshllo.u32 s7, $0x1  }
.LBB1_4:
0xd: {  	s21 =	sshll.u32 s9, $0x10  }
0xe: {  	s22 =	sshll.u32 s10, $0x3;
	s20 =	sshra.s32 s20, $0x2;
	s28 =	sand.u32 $0x78, s10  }
0xf: {  	s29 =	sshll.u32 s9, $0x7;
	p1 =	sgt.s32 s9, $0x48;
	s31 =	sshra.s32 s9, $0x1F  }
0x10: {  	s26 =	sshra.s32 s10, $0x1F;
	s21 =	sand.u32 $0xFFF80000, s21;
	s23 =	sand.u32 $0xFFFFFC00, s22  }
0x11: {  	s19 =	sadd.s32 s20, s19;
	s22 =	sand.u32 $0xFC00, s22;
	s21 =	sadd.s32 s23, s21  }
0x12: {  	v5 =	vld [tilespmem:s17+$0xFFFFFFD0];
	[tilespmem:s18+$0x2040 ss:$0x81] =	vst.msk $0xffff, v4;
	s23 =	sand.u32 $0x380, s29;
	s20 =	sor.u32 s28, s22;
	s24 =	sshrl.u32 s21, $0x13  }
0x13: {  	v58 =	vld [tilespmem:s17+$0xFFFFFFE0];
	[tilespmem:s18+$0x2850 ss:$0x81] =	vst.msk $0xffff, v3;
	s20 =	sor.u32 s23, s20;
	s23 =	smov.u32 s9;
	s21 =	sshrl.u32 s21, $0x10  }
0x14: {  	v59 =	vld [tilespmem:s17+$0xFFFFFFF0];
	[tilespmem:s18+$0x3060 ss:$0x81] =	vst.msk $0xffff, v2;
	s30 =	smul.u32 $0x147B, s24;
	s23 =	simm.s32 @!p1 $0x48;
	s24 =	sand.u32 s31, s9  }
0x15: {  	v60 =	vld [tilespmem:s17+$0x0];
	[tilespmem:s18+$0x0 ss:$0x81] =	vst.msk $0xffff, v1;
	p1 =	sgt.s32 s10, $0xFF80;
	s25 =	ssub.s32 s23, s24;
	s23 =	smov.u32 s10  }
0x16: {  	v61 =	vld [tilespmem:s17+$0x10];
	[tilespmem:s19+$0x3870 ss:$0x81] =	vst.msk $0xffff, v0;
	s24 =	sand.u32 s26, s10;
	s22 =	sshrl.u32 s30, $0x11;
	s23 =	simm.s32 @!p1 $0xFF80  }
0x17: {  	v62 =	vld [tilespmem:s17+$0x20];
	[tilespmem:s19+$0x810 ss:$0x81] =	vst.msk $0xffff, v5;
	s27 =	sadd.s32 $0xFFFFFFB8, s25;
	s22 =	smul.u32 $0xC8, s22;
	s23 =	ssub.s32 s23, s24  }
0x18: {  	v63 =	vld [tilespmem:s17+$0xFFFFFFC0];
	[tilespmem:s19+$0x1020 ss:$0x81] =	vst.msk $0xffff, v58;
	s18 =	ssub.s32 $0xC8, s25;
	p1 =	sgt.s32 s27, $0x7F;
	s29 =	sadd.s32 $0xFFFF0080, s23  }
0x19: {  	[tilespmem:s19+$0x1830 ss:$0x81] =	vst.msk $0xffff, v59;
	s28 =	ssub.s32 s21, s22;
	p2 =	sgt.s32 s29, $0x7F;
	s21 =	ssub.s32 $0x10000, s23  }
0x1a: {  	s20 =	sshrl.u32 s20, $0x3;
	[tilespmem:s19+$0x2040 ss:$0x81] =	vst.msk $0xffff, v60;
	s18 =	simm.s32 @p1 $0x0;
	s21 =	simm.s32 @p2 $0x0  }
0x1b: {  	[tilespmem:s19+$0x2850 ss:$0x81] =	vst.msk $0xffff, v61;
	s30 =	sand.u32 $0x7, s10;
	s17 =	sand.u32 $0xFFFF, s28;
	s18 =	smul.u32 s21, s18  }
0x1c: {  	[tilespmem:s19+$0x3060 ss:$0x81] =	vst.msk $0xffff, v62;
	s20 =	sadd.s32 s3, s20;
	s17 =	sshll.u32 s17, $0xD;
	s21 =	sshll.u32 s30, $0x12  }
0x1d: {  	[tilespmem:s19+$0x0 ss:$0x81] =	vst.msk $0xffff, v63;
	s17 =	sadd.s32 s17, s20;
	s31 =	sor.u32 $0x400, s21;
	s18 =	sand.u32 $0x3FFFFFFF, s18  }
0x1e: {  	[hbm4b:s17+s31] =	stream.strided.scatter [tilespmem:s16], [sflag:$0x2], s18, s8, s31, $0x20;
	[tilespmem:$0x10100] =	vst v63  }
.LBB1_5:
0x1f: {  	p1 =	slt.u32 s13, $0x2  }
0x20: {  	s17 =	smov.u32 s15;
	p2 =	sgt.s32 @!p1 s15, $0x48;
	s16 =	sshra.s32 @!p1 s15, $0x1F  }
0x21: {  	p3 =	sgt.s32 @!p1 s14, $0xFF80;
	s18 =	sshra.s32 @!p1 s14, $0x1F;
	p2 =	por !p2, p1  }
0x22: {  	s15 =	sand.u32 @!p1 s16, s15;
	p3 =	por !p3, p1;
	s16 =	smov.u32 s14  }
0x23: {  	s14 =	sand.u32 @!p1 s18, s14;
	s17 =	simm.s32 @p2 $0x48;
	s16 =	simm.s32 @p3 $0xFF80  }
0x24: {  	s15 =	ssub.s32 @!p1 s17, s15;
	s14 =	ssub.s32 @!p1 s16, s14  }
0x25: {  	s18 =	smov.u32 s12;
	s16 =	sadd.s32 @!p1 $0xFFFFFFB8, s15;
	s17 =	sadd.s32 @!p1 $0xFFFF0080, s14  }
0x26: {  	s15 =	ssub.s32 @!p1 $0xC8, s15;
	p2 =	sgt.s32 @!p1 s16, $0x7F;
	p3 =	sgt.s32 @!p1 s17, $0x7F  }
0x27: {  	s14 =	ssub.s32 @!p1 $0x10000, s14;
	p2 =	por !p2, p1;
	p3 =	por !p3, p1  }
0x28: {  	s16 =	sadd.s32 $0x80, s11;
	s15 =	simm.s32 @!p2 $0x0;
	s14 =	simm.s32 @!p3 $0x0  }
0x29: {  	p2 =	sgt.s32 s16, $0xC4;
	s14 =	smul.u32 @!p1 s14, s15;
	s15 =	sadd.s32 $0x1000, s12  }
0x2a: {  	s18 =	smov.u32 @p2 s15  }
0x2b: {  	s16 =	simm.s32 @p2 $0x0;
	p2 =	sgt.s32 s18, $0xFFFF  }
0x2c: {  	s18 =	smov.u32 @p2 s2;
	p2 =	sne.s32 s13, s7  }
.Ltmp1:
0x2d: {  	p0 =	por !p0, !p0;
	s17 =	simm.s32 @!p1 $0x2;
	(pc) =	sbr.rel @!p2 .LBB1_6-.Ltmp1, $4  }
0x2e: {  	s15 =	smov.u32 s9;
	s9 =	smov.u32 s11;
	s14 =	sand.u32 @!p1 $0x3FFFFFFF, s14  }
0x2f: {  	s11 =	smov.u32 s16;
	_ =	swait.ge @!p1 [sflag:s17], s14;
	s19 =	ssub.s32 @!p1 $0x0, s14  }
0x30: {  	s14 =	smov.u32 s10;
	s13 =	sadd.s32 $0x1, s13;
	[sflag:s17] =	ssyncset.done @!p1 $0x0  }
0x31: {  	s10 =	smov.u32 s12;
	s12 =	smov.u32 s18;
	[sflag:s17] =	ssyncadd.s32 @!p1 s19  }
.LBB1_1:
0x32: {  	p1 =	sge.u32 s13, s6  }
0x33: {  	s31 =	sadd.s32 $0xFFFFFFFF, s13;
	s16 =	sshll.u32 @!p1 s12, $0x8  }
0x34: {  	s17 =	sshll.u32 @!p1 s11, $0x3;
	s18 =	sshll.u32 @!p1 s12, $0x7;
	s16 =	sand.u32 @!p1 $0xFFF800, s16  }
0x35: {  	s19 =	sand.u32 @!p1 $0x78, s11;
	s16 =	sadd.s32 @!p1 s16, s17;
	s17 =	sand.u32 @!p1 $0x380, s18  }
0x36: {  	s18 =	sxor.u32 @!p1 $0xFFFFFFFF, s13;
	s16 =	sand.u32 @!p1 $0xFFFC00, s16;
	s17 =	sor.u32 @!p1 s17, s19  }
0x37: {  	s18 =	sshll.u32 @!p1 s18, $0xE;
	s16 =	sor.u32 @!p1 s16, s17;
	s17 =	sand.u32 @!p1 $0x7, s11  }
0x38: {  	s19 =	simm.s32 @!p1 $0x800;
	s16 =	sshrl.u32 @!p1 s16, $0x3;
	s17 =	sshll.u32 @!p1 s17, $0x12  }
0x39: {  	s18 =	sand.u32 @!p1 $0x4000, s18;
	s16 =	sadd.s32 @!p1 s5, s16;
	s17 =	sor.u32 @!p1 $0x400, s17  }
0x3a: {  	[tilespmem:s18], [sflag:$0x1] =	stream.strided.gather @!p1 [hbm4b:s16+s17], $0x4000, s19, s17, $0x38;
	[tilespmem:$0x10100] =	vst v63  }
0x3b: {  	p1 =	sge.u32 s31, s6  }
.Ltmp2:
0x3c: {  	_ = 	snop;
	(pc) =	sbr.rel @p1 .LBB1_5-.Ltmp2, $1  }
0x3d: {  	_ =	sdelay $0x3  }
0x3e: {  	s16 =	simm.s32 $0x1  }
0x3f: {  	_ =	swait.ge [sflag:s4], $0x4000;
	s16 =	simm.s32 @!p0 $0x0  }
0x40: {  	[sflag:s4] =	ssyncset.done $0x0;
	s17 =	sshll.u32 s16, $0xE  }
0x41: {  	[sflag:s4] =	ssyncadd.s32 $0xFFFFC000;
	s17 =	sor.u32 $0x40, s17  }
0x42: {  	s16 =	smul.u32 $0x10200, s16;
	v0 =	vld [tilespmem:s17+$0x30]  }
0x43: {  	v1 =	vld [tilespmem:s17+$0xFFFFFFD0]  }
0x44: {  	s16 =	sshrl.u32 s16, $0x2;
	v5 =	vld [tilespmem:s17+$0xFFFFFFE0]  }
0x45: {  	v6 =	vld [tilespmem:s17+$0xFFFFFFF0];
	s19 =	sor.u32 $0x8000, s16  }
0x46: {  	s31 =	sand.u32 $0x1, s13;
	v4 =	vld [tilespmem:s17+$0x0];
	s18 =	sadd.s32 $0x0, s19  }
0x47: {  	v3 =	vld [tilespmem:s17+$0x10];
	s16 =	smul.u32 $0x10200, s31;
	[tilespmem:s18+$0x3870 ss:$0x81] =	vst.msk $0xffff, v0  }
0x48: {  	v2 =	vld [tilespmem:s17+$0x20];
	[tilespmem:s18+$0x810 ss:$0x81] =	vst.msk $0xffff, v1  }
0x49: {  	s16 =	sshrl.u32 s16, $0x2;
	v1 =	vld [tilespmem:s17+$0xFFFFFFC0];
	[tilespmem:s18+$0x1020 ss:$0x81] =	vst.msk $0xffff, v5;
	s17 =	sadd.s32 $0x80, s17  }
0x4a: {  	s20 =	simm.s32 $0x4;
	s21 =	simm.s32 $0x8;
	s16 =	sor.u32 $0x8000, s16;
	[tilespmem:s18+$0x1830 ss:$0x81] =	vst.msk $0xffff, v6;
	v0 =	vld [tilespmem:s17+$0x30]  }
.LBB1_3:
0x4b: {  	p1 =	sne.s32 s21, $0x1FC;
	v5 =	vld [tilespmem:s17+$0xFFFFFFD0];
	[tilespmem:s18+$0x2040 ss:$0x81] =	vst.msk $0xffff, v4  }
0x4c: {  	v6 =	vld [tilespmem:s17+$0xFFFFFFE0];
	[tilespmem:s18+$0x2850 ss:$0x81] =	vst.msk $0xffff, v3  }
0x4d: {  	s22 =	sshra.s32 s20, $0x2;
	s20 =	smov.u32 s21;
	v7 =	vld [tilespmem:s17+$0xFFFFFFF0];
	[tilespmem:s18+$0x3060 ss:$0x81] =	vst.msk $0xffff, v2  }
.Ltmp3:
0x4e: {  	v4 =	vld [tilespmem:s17+$0x0];
	[tilespmem:s18+$0x0 ss:$0x81] =	vst.msk $0xffff, v1;
	s18 =	sadd.s32 s22, s19;
	(pc) =	sbr.rel @p1 .LBB1_3-.Ltmp3, $4  }
0x4f: {  	v3 =	vld [tilespmem:s17+$0x10];
	[tilespmem:s18+$0x3870 ss:$0x81] =	vst.msk $0xffff, v0  }
0x50: {  	[tilespmem:s18+$0x810 ss:$0x81] =	vst.msk $0xffff, v5;
	v2 =	vld [tilespmem:s17+$0x20]  }
0x51: {  	v1 =	vld [tilespmem:s17+$0xFFFFFFC0];
	[tilespmem:s18+$0x1020 ss:$0x81] =	vst.msk $0xffff, v6;
	s17 =	sadd.s32 $0x80, s17  }
0x52: {  	s21 =	sadd.s32 $0x4, s21;
	v0 =	vld [tilespmem:s17+$0x30];
	[tilespmem:s18+$0x1830 ss:$0x81] =	vst.msk $0xffff, v7  }
.Ltmp4:
0x53: {  	_ = 	snop;
	(pc) =	sbr.rel .LBB1_4-.Ltmp4, $1  }
0x54: {  	_ =	sdelay $0x3  }
.LBB1_6:
0x55: {  	_ =	sfence.sel $0x180000  }
0x56: {  	s2 =	simm.s32 $0x1;
	[bflag:$0x0] =	sbarrier.arrive $0xFFFF  }
0x57: {  	s31 =	simm.s32 $0x2;
	[sflag:s2] =	ssyncpa.u1 $0x1  }
0x58: {  	[sflag:s31] =	ssyncpa.u1 $0x1  }
0x59: {  	p0 =	sne.s32 s0, $0x0;
	_ =	strace $0x9000004A  }
0x5a: {  	s0 =	sadd.s32 @!p0 $0x100000, s1;
	[bflag:$0x2] =	sbarrier.arrive $0xFFFF  }
0x5b: {  	[sflag:s0] =	ssyncadd.tile.s32 @!p0 $0x1;
	_ =	shalt  }
.Lfunc_end1:
_tile_overlayer_lowered:
.L_overlay_start_2:
0x5c: {  	(tag) =	ssettag $0x2  }
0x5d: {  	s0 =	rddreg [dreg:$0x0];
	s2 =	stileid.u32  }
0x5e: {  	s1 =	rddreg [dreg:$0x1];
	p0 =	sne.s32 s2, $0x0  }
0x5f: {  	s3 =	rddreg [dreg:$0x2];
	[bflag:$0x3] =	sbarrier.arrive $0xFFFF;
	s2 =	simm.s32 @!p0 $0x1C01  }
0x60: {  	[timem:s3], [sflag:s2] =	dma.local @!p0 [hbm:s0], s1  }
0x61: {  	s0 =	simm.s32 @!p0 $0x1  }
0x62: {  	_ =	swait.ge @!p0 [sflag:s0], s1  }
0x63: {  	s1 =	ssub.s32 @!p0 $0x0, s1;
	[sflag:s0] =	ssyncset.done @!p0 $0x0  }
0x64: {  	[sflag:s0] =	ssyncadd.s32 @!p0 s1  }
0x65: {  	[bflag:$0x3] =	sbarrier.arrive $0xFFFF  }
0x66: {  	_ =	shalt  }

</sc_bundles>
